<compile_context>
chip_gen: v7x
topology: tpu7x:2x2x1
jax: 0.10.2.dev20260603
libtpu: 0.0.44.dev20260713+nightly
codegen_flags: <defaults>
</compile_context>

<pallas_src>
import functools

import jax
import jax.numpy as jnp
from jax import lax
from jax.experimental import pallas as pl
from jax.experimental.pallas import tpu as pltpu
from jax.experimental.pallas import tpu_sc as plsc

N = 10000
E = 320000
D = 128

NC = 2
NS = 16
NW = NC * NS
SEG = 5000
CHUNK = 40
NCH = SEG // CHUNK
NBUF = 5
RING = NBUF * CHUNK
NP = 10240
WPT = NP // NS
HB = 80

_mesh = plsc.VectorSubcoreMesh(
    core_axis_name="c", subcore_axis_name="s", num_cores=NC, num_subcores=NS
)


def _zero_ring(rows):
    @pl.loop(0, RING)
    def _(i):
        @pl.loop(0, D // 16)
        def _(k):
            rows[i, pl.ds(k * 16, 16)] = jnp.zeros((16,), jnp.float32)


_PIECES = [
    (o, min(RING, WPT - o)) for o in range(0, WPT, RING)
]


def _zero_acc_slice(rows, acc, s):
    for off, sz in _PIECES:
        pltpu.sync_copy(
            rows.at[pl.ds(0, sz)], acc.at[pl.ds(s * WPT + off, sz)]
        )


def _stage(table, src_hbm, src_off, dst_ref, rows, srcv, dstv, acc, gsem, ssem):
    pltpu.sync_copy(src_hbm.at[pl.ds(src_off, SEG)], srcv)
    pltpu.sync_copy(dst_ref, dstv)

    for b in range(3):
        pltpu.async_copy(
            table.at[srcv.at[pl.ds(b * CHUNK, CHUNK)]],
            rows.at[pl.ds(b * CHUNK, CHUNK)],
            gsem.at[b],
        )

    @pl.loop(0, NCH // NBUF)
    def _(g):
        for b in range(NBUF):
            j = g * NBUF + b
            b2 = (b + 3) % NBUF

            @pl.when((j >= 2) & (j + 3 < NCH))
            def _():
                pltpu.make_async_copy(
                    rows.at[pl.ds(b2 * CHUNK, CHUNK)],
                    acc.at[pl.ds(0, CHUNK)],
                    ssem.at[b2],
                ).wait()

            @pl.when(j + 3 < NCH)
            def _():
                pltpu.async_copy(
                    table.at[srcv.at[pl.ds((j + 3) * CHUNK, CHUNK)]],
                    rows.at[pl.ds(b2 * CHUNK, CHUNK)],
                    gsem.at[b2],
                )

            pltpu.make_async_copy(
                table.at[srcv.at[pl.ds(0, CHUNK)]],
                rows.at[pl.ds(b * CHUNK, CHUNK)],
                gsem.at[b],
            ).wait()
            pltpu.async_copy(
                rows.at[pl.ds(b * CHUNK, CHUNK)],
                acc.at[dstv.at[j, 0]],
                ssem.at[b],
                add=True,
            )

    for b in range(NBUF):
        pltpu.make_async_copy(
            rows.at[pl.ds(b * CHUNK, CHUNK)],
            acc.at[pl.ds(0, CHUNK)],
            ssem.at[b],
        ).wait()


@functools.partial(
    pl.kernel,
    out_type=(
        jax.ShapeDtypeStruct((NC, NP, D), jnp.float32),
        jax.ShapeDtypeStruct((NC, NP, D), jnp.float32),
    ),
    mesh=_mesh,
    scratch_types=[
        pltpu.VMEM((RING, D), jnp.float32),
        pltpu.VMEM((SEG,), jnp.int32),
        pltpu.VMEM((NCH, 1, CHUNK), jnp.int32),
        pltpu.VMEM_SHARED((NP, D), jnp.float32),
        pltpu.SemaphoreType.DMA((NBUF,)),
        pltpu.SemaphoreType.DMA((NBUF,)),
    ],
)
def _sc_gnn(y_hbm, rb_hbm, src_hbm, dstA, dstB, h_hbm, p2_hbm,
            rows, srcv, dstv, acc, gsem, ssem):
    c = lax.axis_index("c")
    s = lax.axis_index("s")
    w = c * NS + s

    _zero_ring(rows)
    _zero_acc_slice(rows, acc, s)
    plsc.subcore_barrier()

    @pl.loop(0, 4)
    def _(st):
        _stage(y_hbm, src_hbm, s * (4 * SEG) + st * SEG, dstA.at[s, st],
               rows, srcv, dstv, acc, gsem, ssem)

    plsc.subcore_barrier()

    @pl.loop(0, WPT // HB)
    def _(blk):
        base = s * WPT + blk * HB
        pltpu.sync_copy(acc.at[pl.ds(base, HB)], rows.at[pl.ds(0, HB)])
        pltpu.sync_copy(rb_hbm.at[pl.ds(base, HB)], rows.at[pl.ds(HB, HB)])

        @pl.loop(0, HB)
        def _(i):
            @pl.loop(0, D // 16)
            def _(k):
                sl = pl.ds(k * 16, 16)
                rows[i, sl] = jnp.maximum(rows[i, sl] + rows[HB + i, sl], 0.0)

        pltpu.sync_copy(rows.at[pl.ds(0, HB)], h_hbm.at[c, pl.ds(base, HB)])

    _zero_ring(rows)
    _zero_acc_slice(rows, acc, s)
    plsc.subcore_barrier()

    @pl.loop(0, 2)
    def _(st):
        _stage(h_hbm.at[c], src_hbm, w * (2 * SEG) + st * SEG, dstB.at[w, st],
               rows, srcv, dstv, acc, gsem, ssem)
    plsc.subcore_barrier()

    for off, sz in _PIECES:
        base = s * WPT + off
        pltpu.sync_copy(acc.at[pl.ds(base, sz)], rows.at[pl.ds(0, sz)])
        pltpu.sync_copy(rows.at[pl.ds(0, sz)], p2_hbm.at[c, pl.ds(base, sz)])



_BLK = 2560


def _dot(a, w):
    return lax.dot_general(
        a, w, (((1,), (0,)), ((), ())),
        precision=lax.Precision.HIGHEST,
        preferred_element_type=jnp.float32,
    )


def _pre_body(x_ref, wa_ref, wb_ref, b_ref, y_ref, rb_ref):
    xb = x_ref[...]
    y_ref[...] = _dot(xb, wa_ref[...])
    rb_ref[...] = _dot(xb, wb_ref[...]) + b_ref[...]


def _post_body(p_ref, h_ref, wa_ref, wb_ref, b_ref, o_ref):
    agg = p_ref[0] + p_ref[1]
    o_ref[...] = _dot(agg, wa_ref[...]) + _dot(h_ref[...], wb_ref[...]) + b_ref[...]


_row_spec = pl.BlockSpec((_BLK, D), lambda i: (i, 0))
_p_spec = pl.BlockSpec((NC, _BLK, D), lambda i: (0, i, 0))
_h_spec = pl.BlockSpec((1, _BLK, D), lambda i: (0, i, 0))
_w_spec = pl.BlockSpec((D, D), lambda i: (0, 0))
_b_spec = pl.BlockSpec((1, D), lambda i: (0, 0))
_f32 = jnp.float32


def _pre(x, wa, wb, b):
    return pl.pallas_call(
        _pre_body,
        grid=(NP // _BLK,),
        in_specs=[_row_spec, _w_spec, _w_spec, _b_spec],
        out_specs=[_row_spec, _row_spec],
        out_shape=[jax.ShapeDtypeStruct((NP, D), _f32)] * 2,
    )(x, wa, wb, b)


def _post(p, h, wa, wb, b):
    def h2d_body(p_ref, h_ref, wa_ref, wb_ref, b_ref, o_ref):
        _post_body(p_ref, h_ref[0], wa_ref, wb_ref, b_ref, o_ref)

    return pl.pallas_call(
        h2d_body,
        grid=(NP // _BLK,),
        in_specs=[_p_spec, _h_spec, _w_spec, _w_spec, _b_spec],
        out_specs=_row_spec,
        out_shape=jax.ShapeDtypeStruct((N, D), _f32),
    )(p, h, wa, wb, b)


def kernel(x, edge_index, W1_rel, b1, W1_root, W2_rel, b2, W2_root):
    src = edge_index[0]
    dst = edge_index[1]
    dstA = dst.reshape(NS, 4, NCH, 1, CHUNK)
    dstB = dst.reshape(NW, 2, NCH, 1, CHUNK)
    b1r = b1.reshape(1, D)
    b2r = b2.reshape(1, D)

    y1, r1b = _pre(x, W1_rel, W1_root, b1r)
    h, p2 = _sc_gnn(y1, r1b, src, dstA, dstB)
    return _post(p2, h, W2_rel, W2_root, b2r)

# --- scband reference (transcript-rebuilt; emitter-appended) ---
"""Pipeline reference for scband-two-agent-gnn-80444737454405 (READ-ONLY COPY).

The authoritative reference and input builder live on the scoring server;
editing this copy changes nothing except your own understanding.
"""

import jax, jax.numpy as jnp
import numpy as np

N = 10000
E = 320000
D_IN = 128
D_HID = 128
D_OUT = 128


def setup_inputs(seed: int = 0) -> dict:
    key = jax.random.key(seed)
    ks = jax.random.split(key, 8)
    x = jax.random.normal(ks[0], (N, D_IN), dtype=jnp.float32)
    edge_index = jax.random.randint(ks[1], (2, E), 0, N, dtype=jnp.int32)
    s1 = 1.0 / np.sqrt(D_IN)
    s2 = 1.0 / np.sqrt(D_HID)
    W1_rel = jax.random.normal(ks[2], (D_IN, D_HID), dtype=jnp.float32) * s1
    b1 = jnp.zeros((D_HID,), dtype=jnp.float32)
    W1_root = jax.random.normal(ks[3], (D_IN, D_HID), dtype=jnp.float32) * s1
    W2_rel = jax.random.normal(ks[4], (D_HID, D_OUT), dtype=jnp.float32) * s2
    b2 = jnp.zeros((D_OUT,), dtype=jnp.float32)
    W2_root = jax.random.normal(ks[5], (D_HID, D_OUT), dtype=jnp.float32) * s2
    return {
        'x': x,
        'edge_index': edge_index,
        'W1_rel': W1_rel,
        'b1': b1,
        'W1_root': W1_root,
        'W2_rel': W2_rel,
        'b2': b2,
        'W2_root': W2_root,
    }


def _graph_conv(h, edge_index, W_rel, b, W_root):
    # PyG GraphConv: x_i' = W_root x_i + W_rel * sum_{j in N(i)} x_j + b
    src = edge_index[0]
    dst = edge_index[1]
    msgs = jnp.take(h, src, axis=0)                      # gather
    agg = jax.ops.segment_sum(msgs, dst, num_segments=N)  # scatter-add
    return agg @ W_rel + b + h @ W_root


def reference(x, edge_index, W1_rel, b1, W1_root, W2_rel, b2, W2_root):
    h = _graph_conv(x, edge_index, W1_rel, b1, W1_root)
    h = jax.nn.relu(h)
    out = _graph_conv(h, edge_index, W2_rel, b2, W2_root)
    return out

if __name__ == "__main__":
    import jax
    _d = setup_inputs()
    print(jax.jit(kernel)(*tuple(_d.values())))

</pallas_src>

<mosaic_0001>
#map = affine_map<(d0, d1) -> (0, 0)>
#map1 = affine_map<(d0, d1) -> (0)>
#map2 = affine_map<(d0, d1) -> (0, 0, 0, 0, 0)>
#map3 = affine_map<(d0, d1) -> (0, 0, 0)>
module attributes {stable_mosaic.version = 14 : i64} {
  func.func @_sc_gnn(%arg0: i32, %arg1: i32, %arg2: memref<10240x128xf32, #tpu.memory_space<hbm>>, %arg3: memref<10240x128xf32, #tpu.memory_space<hbm>>, %arg4: memref<320000xi32, #tpu.memory_space<hbm>>, %arg5: memref<16x4x125x1x40xi32, #tpu.memory_space<hbm>>, %arg6: memref<32x2x125x1x40xi32, #tpu.memory_space<hbm>>, %arg7: memref<2x10240x128xf32, #tpu.memory_space<hbm>>, %arg8: memref<2x10240x128xf32, #tpu.memory_space<hbm>>, %arg9: memref<200x128xf32, #tpu.memory_space<vmem>>, %arg10: memref<5000xi32, #tpu.memory_space<vmem>>, %arg11: memref<125x1x40xi32, #tpu.memory_space<vmem>>, %arg12: memref<10240x128xf32, #tpu.memory_space<vmem_shared>>, %arg13: memref<5x!tpu.dma_semaphore, #tpu.memory_space<semaphore_mem>>, %arg14: memref<5x!tpu.dma_semaphore, #tpu.memory_space<semaphore_mem>>) attributes {dimension_semantics = [#tpu.dimension_semantics<core_parallel>, #tpu.dimension_semantics<subcore_parallel>], iteration_bounds = array<i64: 2, 16>, scalar_prefetch = 0 : i64, scratch_operands = 6 : i64, tpu.core_type = #tpu.core_type<sc_vector_subcore>, window_params = [{transform_indices = #map}, {transform_indices = #map}, {transform_indices = #map1}, {transform_indices = #map2}, {transform_indices = #map2}, {transform_indices = #map3}, {transform_indices = #map3}]} {
    %mul3A = arith.constant 16 : i32
    %mul3A_0 = arith.muli %arg0, %mul3A : i32
    %add3A = arith.addi %mul3A_0, %arg1 : i32
    %scan3A = arith.constant 0 : i32
    %scan3A_1 = arith.constant 200 : i32
    %scan3A_2 = arith.addi %scan3A, %scan3A_1 : i32
    %scan3A_3 = arith.constant 1 : i32
    scf.for %scan3A_76 = %scan3A to %scan3A_2 step %scan3A_3  : i32 {
      %mul3A_77 = arith.constant 1 : i32
      %mul3A_78 = arith.muli %scan3A_76, %mul3A_77 : i32
      %add3A_79 = arith.constant 0 : i32
      %add3A_80 = arith.addi %add3A_79, %mul3A_78 : i32
      %scan3A_81 = arith.constant 0 : i32
      %scan3A_82 = arith.constant 8 : i32
      %scan3A_83 = arith.addi %scan3A_81, %scan3A_82 : i32
      %scan3A_84 = arith.constant 1 : i32
      scf.for %scan3A_86 = %scan3A_81 to %scan3A_83 step %scan3A_84  : i32 {
        %mul3A_87 = arith.constant 1 : i32
        %mul3A_88 = arith.muli %scan3A_86, %mul3A_87 : i32
        %add3A_89 = arith.constant 0 : i32
        %add3A_90 = arith.addi %add3A_89, %mul3A_88 : i32
        %broadcast_in_dim3A = arith.constant 0.000000e+00 : f32
        %broadcast_in_dim3A_91 = vector.broadcast %broadcast_in_dim3A : f32 to vector<16xf32>
        %mul3A_92 = arith.constant 16 : i32
        %mul3A_93 = arith.muli %add3A_90, %mul3A_92 : i32
        %swap3A = arith.index_cast %add3A_80 : i32 to index
        %swap3A_94 = arith.index_cast %mul3A_93 : i32 to index
        %swap3A_95 = tpu.vector_load %arg9[%swap3A, %swap3A_94] {strides = array<i32>} : memref<200x128xf32, #tpu.memory_space<vmem>>, vector<1x16xf32>,
        %swap3A_96 = vector.shape_cast %swap3A_95 : vector<1x16xf32> to vector<16xf32>
        %swap3A_97 = vector.shape_cast %broadcast_in_dim3A_91 : vector<16xf32> to vector<1x16xf32>
        tpu.vector_store %arg9[%swap3A, %swap3A_94], %swap3A_97 {strides = array<i32>} : memref<200x128xf32, #tpu.memory_space<vmem>>, vector<1x16xf32>,
      }
      %scan3A_85 = arith.constant 8 : i32
    }
    %scan3A_4 = arith.constant 200 : i32
    %mul3A_5 = arith.constant 640 : i32
    %mul3A_6 = arith.muli %arg1, %mul3A_5 : i32
    %add3A_7 = arith.constant 0 : i32
    %add3A_8 = arith.addi %mul3A_6, %add3A_7 : i32
    "tpu.region"() ({
      %run_scoped3A = tpu.sem_alloc : memref<!tpu.dma_semaphore, #tpu.memory_space<semaphore_mem>>
      %dma_start3A = arith.constant 0 : i32
      %dma_start3A_76 = arith.constant 0 : i32
      %dma_start3A_77 = tpu.memref_slice %arg9[%dma_start3A, %dma_start3A_76] : memref<200x128xf32, #tpu.memory_space<vmem>> -> memref<200x128xf32, #tpu.memory_space<vmem>>
      %dma_start3A_78 = arith.constant 0 : i32
      %dma_start3A_79 = tpu.memref_slice %arg12[%add3A_8, %dma_start3A_78] : memref<10240x128xf32, #tpu.memory_space<vmem_shared>> -> memref<200x128xf32, #tpu.memory_space<vmem_shared>>
      %dma_start3A_80 = arith.constant 0 : i32
      %dma_start3A_81 = tpu.memref_slice %arg12[%add3A_8, %dma_start3A_80] : memref<10240x128xf32, #tpu.memory_space<vmem_shared>> -> memref<200x128xf32, #tpu.memory_space<vmem_shared>>
      %dma_start3A_82 = arith.constant 0 : i32
      %dma_start3A_83 = arith.constant 0 : i32
      %dma_start3A_84 = tpu.memref_slice %arg9[%dma_start3A_82, %dma_start3A_83] : memref<200x128xf32, #tpu.memory_space<vmem>> -> memref<200x128xf32, #tpu.memory_space<vmem>>
      tpu.enqueue_dma source(%dma_start3A_84 : memref<200x128xf32, #tpu.memory_space<vmem>>) target(%dma_start3A_81 : memref<200x128xf32, #tpu.memory_space<vmem_shared>>) target_semaphore(%run_scoped3A : memref<!tpu.dma_semaphore, #tpu.memory_space<semaphore_mem>>)
      %dma_wait3A = arith.constant 0 : i32
      %dma_wait3A_85 = arith.constant 0 : i32
      %dma_wait3A_86 = tpu.memref_slice %arg9[%dma_wait3A, %dma_wait3A_85] : memref<200x128xf32, #tpu.memory_space<vmem>> -> memref<200x128xf32, #tpu.memory_space<vmem>>
      %dma_wait3A_87 = arith.constant 0 : i32
      %dma_wait3A_88 = tpu.memref_slice %arg12[%add3A_8, %dma_wait3A_87] : memref<10240x128xf32, #tpu.memory_space<vmem_shared>> -> memref<200x128xf32, #tpu.memory_space<vmem_shared>>
      %dma_wait3A_89 = arith.constant 0 : i32
      %dma_wait3A_90 = tpu.memref_slice %arg12[%add3A_8, %dma_wait3A_89] : memref<10240x128xf32, #tpu.memory_space<vmem_shared>> -> memref<200x128xf32, #tpu.memory_space<vmem_shared>>
      %dma_wait3A_91 = arith.constant 0 : i32
      %dma_wait3A_92 = arith.constant 0 : i32
      %dma_wait3A_93 = tpu.memref_slice %arg9[%dma_wait3A_91, %dma_wait3A_92] : memref<200x128xf32, #tpu.memory_space<vmem>> -> memref<200x128xf32, #tpu.memory_space<vmem>>
      tpu.wait_dma2 semaphore(%run_scoped3A : memref<!tpu.dma_semaphore, #tpu.memory_space<semaphore_mem>>) src(%dma_wait3A_93 : memref<200x128xf32, #tpu.memory_space<vmem>>) dst(%dma_wait3A_90 : memref<200x128xf32, #tpu.memory_space<vmem_shared>>)
      tpu.yield
    }) : () -> ()
    %mul3A_9 = arith.constant 640 : i32
    %mul3A_10 = arith.muli %arg1, %mul3A_9 : i32
    %add3A_11 = arith.constant 200 : i32
    %add3A_12 = arith.addi %mul3A_10, %add3A_11 : i32
    "tpu.region"() ({
      %run_scoped3A = tpu.sem_alloc : memref<!tpu.dma_semaphore, #tpu.memory_space<semaphore_mem>>
      %dma_start3A = arith.constant 0 : i32
      %dma_start3A_76 = arith.constant 0 : i32
      %dma_start3A_77 = tpu.memref_slice %arg9[%dma_start3A, %dma_start3A_76] : memref<200x128xf32, #tpu.memory_space<vmem>> -> memref<200x128xf32, #tpu.memory_space<vmem>>
      %dma_start3A_78 = arith.constant 0 : i32
      %dma_start3A_79 = tpu.memref_slice %arg12[%add3A_12, %dma_start3A_78] : memref<10240x128xf32, #tpu.memory_space<vmem_shared>> -> memref<200x128xf32, #tpu.memory_space<vmem_shared>>
      %dma_start3A_80 = arith.constant 0 : i32
      %dma_start3A_81 = tpu.memref_slice %arg12[%add3A_12, %dma_start3A_80] : memref<10240x128xf32, #tpu.memory_space<vmem_shared>> -> memref<200x128xf32, #tpu.memory_space<vmem_shared>>
      %dma_start3A_82 = arith.constant 0 : i32
      %dma_start3A_83 = arith.constant 0 : i32
      %dma_start3A_84 = tpu.memref_slice %arg9[%dma_start3A_82, %dma_start3A_83] : memref<200x128xf32, #tpu.memory_space<vmem>> -> memref<200x128xf32, #tpu.memory_space<vmem>>
      tpu.enqueue_dma source(%dma_start3A_84 : memref<200x128xf32, #tpu.memory_space<vmem>>) target(%dma_start3A_81 : memref<200x128xf32, #tpu.memory_space<vmem_shared>>) target_semaphore(%run_scoped3A : memref<!tpu.dma_semaphore, #tpu.memory_space<semaphore_mem>>)
      %dma_wait3A = arith.constant 0 : i32
      %dma_wait3A_85 = arith.constant 0 : i32
      %dma_wait3A_86 = tpu.memref_slice %arg9[%dma_wait3A, %dma_wait3A_85] : memref<200x128xf32, #tpu.memory_space<vmem>> -> memref<200x128xf32, #tpu.memory_space<vmem>>
      %dma_wait3A_87 = arith.constant 0 : i32
      %dma_wait3A_88 = tpu.memref_slice %arg12[%add3A_12, %dma_wait3A_87] : memref<10240x128xf32, #tpu.memory_space<vmem_shared>> -> memref<200x128xf32, #tpu.memory_space<vmem_shared>>
      %dma_wait3A_89 = arith.constant 0 : i32
      %dma_wait3A_90 = tpu.memref_slice %arg12[%add3A_12, %dma_wait3A_89] : memref<10240x128xf32, #tpu.memory_space<vmem_shared>> -> memref<200x128xf32, #tpu.memory_space<vmem_shared>>
      %dma_wait3A_91 = arith.constant 0 : i32
      %dma_wait3A_92 = arith.constant 0 : i32
      %dma_wait3A_93 = tpu.memref_slice %arg9[%dma_wait3A_91, %dma_wait3A_92] : memref<200x128xf32, #tpu.memory_space<vmem>> -> memref<200x128xf32, #tpu.memory_space<vmem>>
      tpu.wait_dma2 semaphore(%run_scoped3A : memref<!tpu.dma_semaphore, #tpu.memory_space<semaphore_mem>>) src(%dma_wait3A_93 : memref<200x128xf32, #tpu.memory_space<vmem>>) dst(%dma_wait3A_90 : memref<200x128xf32, #tpu.memory_space<vmem_shared>>)
      tpu.yield
    }) : () -> ()
    %mul3A_13 = arith.constant 640 : i32
    %mul3A_14 = arith.muli %arg1, %mul3A_13 : i32
    %add3A_15 = arith.constant 400 : i32
    %add3A_16 = arith.addi %mul3A_14, %add3A_15 : i32
    "tpu.region"() ({
      %run_scoped3A = tpu.sem_alloc : memref<!tpu.dma_semaphore, #tpu.memory_space<semaphore_mem>>
      %dma_start3A = arith.constant 0 : i32
      %dma_start3A_76 = arith.constant 0 : i32
      %dma_start3A_77 = tpu.memref_slice %arg9[%dma_start3A, %dma_start3A_76] : memref<200x128xf32, #tpu.memory_space<vmem>> -> memref<200x128xf32, #tpu.memory_space<vmem>>
      %dma_start3A_78 = arith.constant 0 : i32
      %dma_start3A_79 = tpu.memref_slice %arg12[%add3A_16, %dma_start3A_78] : memref<10240x128xf32, #tpu.memory_space<vmem_shared>> -> memref<200x128xf32, #tpu.memory_space<vmem_shared>>
      %dma_start3A_80 = arith.constant 0 : i32
      %dma_start3A_81 = tpu.memref_slice %arg12[%add3A_16, %dma_start3A_80] : memref<10240x128xf32, #tpu.memory_space<vmem_shared>> -> memref<200x128xf32, #tpu.memory_space<vmem_shared>>
      %dma_start3A_82 = arith.constant 0 : i32
      %dma_start3A_83 = arith.constant 0 : i32
      %dma_start3A_84 = tpu.memref_slice %arg9[%dma_start3A_82, %dma_start3A_83] : memref<200x128xf32, #tpu.memory_space<vmem>> -> memref<200x128xf32, #tpu.memory_space<vmem>>
      tpu.enqueue_dma source(%dma_start3A_84 : memref<200x128xf32, #tpu.memory_space<vmem>>) target(%dma_start3A_81 : memref<200x128xf32, #tpu.memory_space<vmem_shared>>) target_semaphore(%run_scoped3A : memref<!tpu.dma_semaphore, #tpu.memory_space<semaphore_mem>>)
      %dma_wait3A = arith.constant 0 : i32
      %dma_wait3A_85 = arith.constant 0 : i32
      %dma_wait3A_86 = tpu.memref_slice %arg9[%dma_wait3A, %dma_wait3A_85] : memref<200x128xf32, #tpu.memory_space<vmem>> -> memref<200x128xf32, #tpu.memory_space<vmem>>
      %dma_wait3A_87 = arith.constant 0 : i32
      %dma_wait3A_88 = tpu.memref_slice %arg12[%add3A_16, %dma_wait3A_87] : memref<10240x128xf32, #tpu.memory_space<vmem_shared>> -> memref<200x128xf32, #tpu.memory_space<vmem_shared>>
      %dma_wait3A_89 = arith.constant 0 : i32
      %dma_wait3A_90 = tpu.memref_slice %arg12[%add3A_16, %dma_wait3A_89] : memref<10240x128xf32, #tpu.memory_space<vmem_shared>> -> memref<200x128xf32, #tpu.memory_space<vmem_shared>>
      %dma_wait3A_91 = arith.constant 0 : i32
      %dma_wait3A_92 = arith.constant 0 : i32
      %dma_wait3A_93 = tpu.memref_slice %arg9[%dma_wait3A_91, %dma_wait3A_92] : memref<200x128xf32, #tpu.memory_space<vmem>> -> memref<200x128xf32, #tpu.memory_space<vmem>>
      tpu.wait_dma2 semaphore(%run_scoped3A : memref<!tpu.dma_semaphore, #tpu.memory_space<semaphore_mem>>) src(%dma_wait3A_93 : memref<200x128xf32, #tpu.memory_space<vmem>>) dst(%dma_wait3A_90 : memref<200x128xf32, #tpu.memory_space<vmem_shared>>)
      tpu.yield
    }) : () -> ()
    %mul3A_17 = arith.constant 640 : i32
    %mul3A_18 = arith.muli %arg1, %mul3A_17 : i32
    %add3A_19 = arith.constant 600 : i32
    %add3A_20 = arith.addi %mul3A_18, %add3A_19 : i32
    "tpu.region"() ({
      %run_scoped3A = tpu.sem_alloc : memref<!tpu.dma_semaphore, #tpu.memory_space<semaphore_mem>>
      %dma_start3A = arith.constant 0 : i32
      %dma_start3A_76 = arith.constant 0 : i32
      %dma_start3A_77 = tpu.memref_slice %arg9[%dma_start3A, %dma_start3A_76] : memref<200x128xf32, #tpu.memory_space<vmem>> -> memref<40x128xf32, #tpu.memory_space<vmem>>
      %dma_start3A_78 = arith.constant 0 : i32
      %dma_start3A_79 = tpu.memref_slice %arg12[%add3A_20, %dma_start3A_78] : memref<10240x128xf32, #tpu.memory_space<vmem_shared>> -> memref<40x128xf32, #tpu.memory_space<vmem_shared>>
      %dma_start3A_80 = arith.constant 0 : i32
      %dma_start3A_81 = tpu.memref_slice %arg12[%add3A_20, %dma_start3A_80] : memref<10240x128xf32, #tpu.memory_space<vmem_shared>> -> memref<40x128xf32, #tpu.memory_space<vmem_shared>>
      %dma_start3A_82 = arith.constant 0 : i32
      %dma_start3A_83 = arith.constant 0 : i32
      %dma_start3A_84 = tpu.memref_slice %arg9[%dma_start3A_82, %dma_start3A_83] : memref<200x128xf32, #tpu.memory_space<vmem>> -> memref<40x128xf32, #tpu.memory_space<vmem>>
      tpu.enqueue_dma source(%dma_start3A_84 : memref<40x128xf32, #tpu.memory_space<vmem>>) target(%dma_start3A_81 : memref<40x128xf32, #tpu.memory_space<vmem_shared>>) target_semaphore(%run_scoped3A : memref<!tpu.dma_semaphore, #tpu.memory_space<semaphore_mem>>)
      %dma_wait3A = arith.constant 0 : i32
      %dma_wait3A_85 = arith.constant 0 : i32
      %dma_wait3A_86 = tpu.memref_slice %arg9[%dma_wait3A, %dma_wait3A_85] : memref<200x128xf32, #tpu.memory_space<vmem>> -> memref<40x128xf32, #tpu.memory_space<vmem>>
      %dma_wait3A_87 = arith.constant 0 : i32
      %dma_wait3A_88 = tpu.memref_slice %arg12[%add3A_20, %dma_wait3A_87] : memref<10240x128xf32, #tpu.memory_space<vmem_shared>> -> memref<40x128xf32, #tpu.memory_space<vmem_shared>>
      %dma_wait3A_89 = arith.constant 0 : i32
      %dma_wait3A_90 = tpu.memref_slice %arg12[%add3A_20, %dma_wait3A_89] : memref<10240x128xf32, #tpu.memory_space<vmem_shared>> -> memref<40x128xf32, #tpu.memory_space<vmem_shared>>
      %dma_wait3A_91 = arith.constant 0 : i32
      %dma_wait3A_92 = arith.constant 0 : i32
      %dma_wait3A_93 = tpu.memref_slice %arg9[%dma_wait3A_91, %dma_wait3A_92] : memref<200x128xf32, #tpu.memory_space<vmem>> -> memref<40x128xf32, #tpu.memory_space<vmem>>
      tpu.wait_dma2 semaphore(%run_scoped3A : memref<!tpu.dma_semaphore, #tpu.memory_space<semaphore_mem>>) src(%dma_wait3A_93 : memref<40x128xf32, #tpu.memory_space<vmem>>) dst(%dma_wait3A_90 : memref<40x128xf32, #tpu.memory_space<vmem_shared>>)
      tpu.yield
    }) : () -> ()
    %barrier3A = arith.constant 0 : index
    tpu.barrier barrier_id(%barrier3A)
    %scan3A_21 = arith.constant 0 : i32
    %scan3A_22 = arith.constant 4 : i32
    %scan3A_23 = arith.addi %scan3A_21, %scan3A_22 : i32
    %scan3A_24 = arith.constant 1 : i32
    scf.for %scan3A_76 = %scan3A_21 to %scan3A_23 step %scan3A_24  : i32 {
      %mul3A_77 = arith.constant 1 : i32
      %mul3A_78 = arith.muli %scan3A_76, %mul3A_77 : i32
      %add3A_79 = arith.constant 0 : i32
      %add3A_80 = arith.addi %add3A_79, %mul3A_78 : i32
      %mul3A_81 = arith.constant 20000 : i32
      %mul3A_82 = arith.muli %arg1, %mul3A_81 : i32
      %mul3A_83 = arith.constant 5000 : i32
      %mul3A_84 = arith.muli %add3A_80, %mul3A_83 : i32
      %add3A_85 = arith.addi %mul3A_82, %mul3A_84 : i32
      "tpu.region"() ({
        %run_scoped3A = tpu.sem_alloc : memref<!tpu.dma_semaphore, #tpu.memory_space<semaphore_mem>>
        %dma_start3A_197 = tpu.memref_slice %arg4[%add3A_85] : memref<320000xi32, #tpu.memory_space<hbm>> -> memref<5000xi32, #tpu.memory_space<hbm>>
        %dma_start3A_198 = tpu.memref_slice %arg4[%add3A_85] : memref<320000xi32, #tpu.memory_space<hbm>> -> memref<5000xi32, #tpu.memory_space<hbm>>
        tpu.enqueue_dma source(%dma_start3A_198 : memref<5000xi32, #tpu.memory_space<hbm>>) target(%arg10 : memref<5000xi32, #tpu.memory_space<vmem>>) target_semaphore(%run_scoped3A : memref<!tpu.dma_semaphore, #tpu.memory_space<semaphore_mem>>)
        %dma_wait3A_199 = tpu.memref_slice %arg4[%add3A_85] : memref<320000xi32, #tpu.memory_space<hbm>> -> memref<5000xi32, #tpu.memory_space<hbm>>
        %dma_wait3A_200 = tpu.memref_slice %arg4[%add3A_85] : memref<320000xi32, #tpu.memory_space<hbm>> -> memref<5000xi32, #tpu.memory_space<hbm>>
        tpu.wait_dma2 semaphore(%run_scoped3A : memref<!tpu.dma_semaphore, #tpu.memory_space<semaphore_mem>>) src(%dma_wait3A_200 : memref<5000xi32, #tpu.memory_space<hbm>>) dst(%arg10 : memref<5000xi32, #tpu.memory_space<vmem>>)
        tpu.yield
      }) : () -> ()
      "tpu.region"() ({
        %run_scoped3A = tpu.sem_alloc : memref<!tpu.dma_semaphore, #tpu.memory_space<semaphore_mem>>
        %dma_start3A_197 = arith.constant 0 : i32
        %dma_start3A_198 = arith.constant 0 : i32
        %dma_start3A_199 = arith.constant 0 : i32
        %dma_start3A_200 = tpu.memref_slice %arg5[%arg1, %add3A_80, %dma_start3A_197, %dma_start3A_198, %dma_start3A_199] : memref<16x4x125x1x40xi32, #tpu.memory_space<hbm>> -> memref<1x1x125x1x40xi32, #tpu.memory_space<hbm>>
        %dma_start3A_201 = tpu.memref_squeeze %dma_start3A_200 : memref<1x1x125x1x40xi32, #tpu.memory_space<hbm>> -> memref<125x1x40xi32, #tpu.memory_space<hbm>>
        %dma_start3A_202 = arith.constant 0 : i32
        %dma_start3A_203 = arith.constant 0 : i32
        %dma_start3A_204 = arith.constant 0 : i32
        %dma_start3A_205 = tpu.memref_slice %arg5[%arg1, %add3A_80, %dma_start3A_202, %dma_start3A_203, %dma_start3A_204] : memref<16x4x125x1x40xi32, #tpu.memory_space<hbm>> -> memref<1x1x125x1x40xi32, #tpu.memory_space<hbm>>
        %dma_start3A_206 = tpu.memref_squeeze %dma_start3A_205 : memref<1x1x125x1x40xi32, #tpu.memory_space<hbm>> -> memref<125x1x40xi32, #tpu.memory_space<hbm>>
        tpu.enqueue_dma source(%dma_start3A_206 : memref<125x1x40xi32, #tpu.memory_space<hbm>>) target(%arg11 : memref<125x1x40xi32, #tpu.memory_space<vmem>>) target_semaphore(%run_scoped3A : memref<!tpu.dma_semaphore, #tpu.memory_space<semaphore_mem>>)
        %dma_wait3A_207 = arith.constant 0 : i32
        %dma_wait3A_208 = arith.constant 0 : i32
        %dma_wait3A_209 = arith.constant 0 : i32
        %dma_wait3A_210 = tpu.memref_slice %arg5[%arg1, %add3A_80, %dma_wait3A_207, %dma_wait3A_208, %dma_wait3A_209] : memref<16x4x125x1x40xi32, #tpu.memory_space<hbm>> -> memref<1x1x125x1x40xi32, #tpu.memory_space<hbm>>
        %dma_wait3A_211 = tpu.memref_squeeze %dma_wait3A_210 : memref<1x1x125x1x40xi32, #tpu.memory_space<hbm>> -> memref<125x1x40xi32, #tpu.memory_space<hbm>>
        %dma_wait3A_212 = arith.constant 0 : i32
        %dma_wait3A_213 = arith.constant 0 : i32
        %dma_wait3A_214 = arith.constant 0 : i32
        %dma_wait3A_215 = tpu.memref_slice %arg5[%arg1, %add3A_80, %dma_wait3A_212, %dma_wait3A_213, %dma_wait3A_214] : memref<16x4x125x1x40xi32, #tpu.memory_space<hbm>> -> memref<1x1x125x1x40xi32, #tpu.memory_space<hbm>>
        %dma_wait3A_216 = tpu.memref_squeeze %dma_wait3A_215 : memref<1x1x125x1x40xi32, #tpu.memory_space<hbm>> -> memref<125x1x40xi32, #tpu.memory_space<hbm>>
        tpu.wait_dma2 semaphore(%run_scoped3A : memref<!tpu.dma_semaphore, #tpu.memory_space<semaphore_mem>>) src(%dma_wait3A_216 : memref<125x1x40xi32, #tpu.memory_space<hbm>>) dst(%arg11 : memref<125x1x40xi32, #tpu.memory_space<vmem>>)
        tpu.yield
      }) : () -> ()
      %dma_start3A = arith.constant 0 : i32
      %dma_start3A_86 = arith.constant 0 : i32
      %dma_start3A_87 = arith.constant 0 : i32
      %dma_start3A_88 = tpu.memref_slice %arg9[%dma_start3A_86, %dma_start3A_87] : memref<200x128xf32, #tpu.memory_space<vmem>> -> memref<40x128xf32, #tpu.memory_space<vmem>>
      %dma_start3A_89 = arith.constant 0 : i32
      %dma_start3A_90 = tpu.memref_slice %arg10[%dma_start3A_89] : memref<5000xi32, #tpu.memory_space<vmem>> -> memref<40xi32, #tpu.memory_space<vmem>>
      %dma_start3A_91 = arith.constant 0 : i32
      %dma_start3A_92 = arith.constant 0 : i32
      %dma_start3A_93 = tpu.memref_slice %arg2[%dma_start3A_91, %dma_start3A_92] : memref<10240x128xf32, #tpu.memory_space<hbm>> -> memref<10240x128xf32, #tpu.memory_space<hbm>>
      %dma_start3A_94 = tpu.memref_slice %arg13[%dma_start3A] : memref<5x!tpu.dma_semaphore, #tpu.memory_space<semaphore_mem>> -> memref<1x!tpu.dma_semaphore, #tpu.memory_space<semaphore_mem>>
      %dma_start3A_95 = tpu.memref_squeeze %dma_start3A_94 : memref<1x!tpu.dma_semaphore, #tpu.memory_space<semaphore_mem>> -> memref<!tpu.dma_semaphore, #tpu.memory_space<semaphore_mem>>
      tpu.enqueue_indirect_dma source(%dma_start3A_93 : memref<10240x128xf32, #tpu.memory_space<hbm>>) target(%dma_start3A_88 : memref<40x128xf32, #tpu.memory_space<vmem>>) offsets(%dma_start3A_90 : memref<40xi32, #tpu.memory_space<vmem>>) semaphore(%dma_start3A_95 : memref<!tpu.dma_semaphore, #tpu.memory_space<semaphore_mem>>)
      %dma_start3A_96 = arith.constant 1 : i32
      %dma_start3A_97 = arith.constant 40 : i32
      %dma_start3A_98 = arith.constant 0 : i32
      %dma_start3A_99 = tpu.memref_slice %arg9[%dma_start3A_97, %dma_start3A_98] : memref<200x128xf32, #tpu.memory_space<vmem>> -> memref<40x128xf32, #tpu.memory_space<vmem>>
      %dma_start3A_100 = arith.constant 40 : i32
      %dma_start3A_101 = tpu.memref_slice %arg10[%dma_start3A_100] : memref<5000xi32, #tpu.memory_space<vmem>> -> memref<40xi32, #tpu.memory_space<vmem>>
      %dma_start3A_102 = arith.constant 0 : i32
      %dma_start3A_103 = arith.constant 0 : i32
      %dma_start3A_104 = tpu.memref_slice %arg2[%dma_start3A_102, %dma_start3A_103] : memref<10240x128xf32, #tpu.memory_space<hbm>> -> memref<10240x128xf32, #tpu.memory_space<hbm>>
      %dma_start3A_105 = tpu.memref_slice %arg13[%dma_start3A_96] : memref<5x!tpu.dma_semaphore, #tpu.memory_space<semaphore_mem>> -> memref<1x!tpu.dma_semaphore, #tpu.memory_space<semaphore_mem>>
      %dma_start3A_106 = tpu.memref_squeeze %dma_start3A_105 : memref<1x!tpu.dma_semaphore, #tpu.memory_space<semaphore_mem>> -> memref<!tpu.dma_semaphore, #tpu.memory_space<semaphore_mem>>
      tpu.enqueue_indirect_dma source(%dma_start3A_104 : memref<10240x128xf32, #tpu.memory_space<hbm>>) target(%dma_start3A_99 : memref<40x128xf32, #tpu.memory_space<vmem>>) offsets(%dma_start3A_101 : memref<40xi32, #tpu.memory_space<vmem>>) semaphore(%dma_start3A_106 : memref<!tpu.dma_semaphore, #tpu.memory_space<semaphore_mem>>)
      %dma_start3A_107 = arith.constant 2 : i32
      %dma_start3A_108 = arith.constant 80 : i32
      %dma_start3A_109 = arith.constant 0 : i32
      %dma_start3A_110 = tpu.memref_slice %arg9[%dma_start3A_108, %dma_start3A_109] : memref<200x128xf32, #tpu.memory_space<vmem>> -> memref<40x128xf32, #tpu.memory_space<vmem>>
      %dma_start3A_111 = arith.constant 80 : i32
      %dma_start3A_112 = tpu.memref_slice %arg10[%dma_start3A_111] : memref<5000xi32, #tpu.memory_space<vmem>> -> memref<40xi32, #tpu.memory_space<vmem>>
      %dma_start3A_113 = arith.constant 0 : i32
      %dma_start3A_114 = arith.constant 0 : i32
      %dma_start3A_115 = tpu.memref_slice %arg2[%dma_start3A_113, %dma_start3A_114] : memref<10240x128xf32, #tpu.memory_space<hbm>> -> memref<10240x128xf32, #tpu.memory_space<hbm>>
      %dma_start3A_116 = tpu.memref_slice %arg13[%dma_start3A_107] : memref<5x!tpu.dma_semaphore, #tpu.memory_space<semaphore_mem>> -> memref<1x!tpu.dma_semaphore, #tpu.memory_space<semaphore_mem>>
      %dma_start3A_117 = tpu.memref_squeeze %dma_start3A_116 : memref<1x!tpu.dma_semaphore, #tpu.memory_space<semaphore_mem>> -> memref<!tpu.dma_semaphore, #tpu.memory_space<semaphore_mem>>
      tpu.enqueue_indirect_dma source(%dma_start3A_115 : memref<10240x128xf32, #tpu.memory_space<hbm>>) target(%dma_start3A_110 : memref<40x128xf32, #tpu.memory_space<vmem>>) offsets(%dma_start3A_112 : memref<40xi32, #tpu.memory_space<vmem>>) semaphore(%dma_start3A_117 : memref<!tpu.dma_semaphore, #tpu.memory_space<semaphore_mem>>)
      %scan3A_118 = arith.constant 0 : i32
      %scan3A_119 = arith.constant 25 : i32
      %scan3A_120 = arith.addi %scan3A_118, %scan3A_119 : i32
      %scan3A_121 = arith.constant 1 : i32
      scf.for %scan3A_197 = %scan3A_118 to %scan3A_120 step %scan3A_121  : i32 {
        %mul3A_198 = arith.constant 1 : i32
        %mul3A_199 = arith.muli %scan3A_197, %mul3A_198 : i32
        %add3A_200 = arith.constant 0 : i32
        %add3A_201 = arith.addi %add3A_200, %mul3A_199 : i32
        %mul3A_202 = arith.constant 5 : i32
        %mul3A_203 = arith.muli %add3A_201, %mul3A_202 : i32
        %add3A_204 = arith.constant 0 : i32
        %add3A_205 = arith.addi %mul3A_203, %add3A_204 : i32
        %ge3A = arith.constant 2 : i32
        %ge3A_206 = arith.cmpi sge, %add3A_205, %ge3A : i32
        %add3A_207 = arith.constant 3 : i32
        %add3A_208 = arith.addi %add3A_205, %add3A_207 : i32
        %lt3A = arith.constant 125 : i32
        %lt3A_209 = arith.cmpi slt, %add3A_208, %lt3A : i32
        %and3A = arith.andi %ge3A_206, %lt3A_209 : i1
        %convert_element_type3A = arith.extui %and3A : i1 to i32
        %cond3A = arith.constant 0 : i32
        %cond3A_210 = arith.cmpi ne, %convert_element_type3A, %cond3A : i32
        scf.if %cond3A_210 {
          %dma_wait3A_422 = arith.constant 3 : i32
          %dma_wait3A_423 = arith.constant 120 : i32
          %dma_wait3A_424 = arith.constant 0 : i32
          %dma_wait3A_425 = tpu.memref_slice %arg9[%dma_wait3A_423, %dma_wait3A_424] : memref<200x128xf32, #tpu.memory_space<vmem>> -> memref<40x128xf32, #tpu.memory_space<vmem>>
          %dma_wait3A_426 = arith.constant 0 : i32
          %dma_wait3A_427 = arith.constant 0 : i32
          %dma_wait3A_428 = tpu.memref_slice %arg12[%dma_wait3A_426, %dma_wait3A_427] : memref<10240x128xf32, #tpu.memory_space<vmem_shared>> -> memref<40x128xf32, #tpu.memory_space<vmem_shared>>
          %dma_wait3A_429 = tpu.memref_slice %arg14[%dma_wait3A_422] : memref<5x!tpu.dma_semaphore, #tpu.memory_space<semaphore_mem>> -> memref<1x!tpu.dma_semaphore, #tpu.memory_space<semaphore_mem>>
          %dma_wait3A_430 = tpu.memref_squeeze %dma_wait3A_429 : memref<1x!tpu.dma_semaphore, #tpu.memory_space<semaphore_mem>> -> memref<!tpu.dma_semaphore, #tpu.memory_space<semaphore_mem>>
          %dma_wait3A_431 = arith.constant 0 : i32
          %dma_wait3A_432 = arith.constant 0 : i32
          %dma_wait3A_433 = tpu.memref_slice %arg12[%dma_wait3A_431, %dma_wait3A_432] : memref<10240x128xf32, #tpu.memory_space<vmem_shared>> -> memref<40x128xf32, #tpu.memory_space<vmem_shared>>
          %dma_wait3A_434 = arith.constant 120 : i32
          %dma_wait3A_435 = arith.constant 0 : i32
          %dma_wait3A_436 = tpu.memref_slice %arg9[%dma_wait3A_434, %dma_wait3A_435] : memref<200x128xf32, #tpu.memory_space<vmem>> -> memref<40x128xf32, #tpu.memory_space<vmem>>
          tpu.wait_dma2 semaphore(%dma_wait3A_430 : memref<!tpu.dma_semaphore, #tpu.memory_space<semaphore_mem>>) src(%dma_wait3A_436 : memref<40x128xf32, #tpu.memory_space<vmem>>) dst(%dma_wait3A_433 : memref<40x128xf32, #tpu.memory_space<vmem_shared>>)
        } else {
        }
        %add3A_211 = arith.constant 3 : i32
        %add3A_212 = arith.addi %add3A_205, %add3A_211 : i32
        %lt3A_213 = arith.constant 125 : i32
        %lt3A_214 = arith.cmpi slt, %add3A_212, %lt3A_213 : i32
        %convert_element_type3A_215 = arith.extui %lt3A_214 : i1 to i32
        %cond3A_216 = arith.constant 0 : i32
        %cond3A_217 = arith.cmpi ne, %convert_element_type3A_215, %cond3A_216 : i32
        scf.if %cond3A_217 {
          %add3A_422 = arith.constant 3 : i32
          %add3A_423 = arith.addi %add3A_205, %add3A_422 : i32
          %mul3A_424 = arith.constant 40 : i32
          %mul3A_425 = arith.muli %add3A_423, %mul3A_424 : i32
          %dma_start3A_426 = arith.constant 3 : i32
          %dma_start3A_427 = arith.constant 120 : i32
          %dma_start3A_428 = arith.constant 0 : i32
          %dma_start3A_429 = tpu.memref_slice %arg9[%dma_start3A_427, %dma_start3A_428] : memref<200x128xf32, #tpu.memory_space<vmem>> -> memref<40x128xf32, #tpu.memory_space<vmem>>
          %dma_start3A_430 = tpu.memref_slice %arg10[%mul3A_425] : memref<5000xi32, #tpu.memory_space<vmem>> -> memref<40xi32, #tpu.memory_space<vmem>>
          %dma_start3A_431 = arith.constant 0 : i32
          %dma_start3A_432 = arith.constant 0 : i32
          %dma_start3A_433 = tpu.memref_slice %arg2[%dma_start3A_431, %dma_start3A_432] : memref<10240x128xf32, #tpu.memory_space<hbm>> -> memref<10240x128xf32, #tpu.memory_space<hbm>>
          %dma_start3A_434 = tpu.memref_slice %arg13[%dma_start3A_426] : memref<5x!tpu.dma_semaphore, #tpu.memory_space<semaphore_mem>> -> memref<1x!tpu.dma_semaphore, #tpu.memory_space<semaphore_mem>>
          %dma_start3A_435 = tpu.memref_squeeze %dma_start3A_434 : memref<1x!tpu.dma_semaphore, #tpu.memory_space<semaphore_mem>> -> memref<!tpu.dma_semaphore, #tpu.memory_space<semaphore_mem>>
          tpu.enqueue_indirect_dma source(%dma_start3A_433 : memref<10240x128xf32, #tpu.memory_space<hbm>>) target(%dma_start3A_429 : memref<40x128xf32, #tpu.memory_space<vmem>>) offsets(%dma_start3A_430 : memref<40xi32, #tpu.memory_space<vmem>>) semaphore(%dma_start3A_435 : memref<!tpu.dma_semaphore, #tpu.memory_space<semaphore_mem>>)
        } else {
        }
        %dma_wait3A_218 = arith.constant 0 : i32
        %dma_wait3A_219 = arith.constant 0 : i32
        %dma_wait3A_220 = arith.constant 0 : i32
        %dma_wait3A_221 = tpu.memref_slice %arg9[%dma_wait3A_219, %dma_wait3A_220] : memref<200x128xf32, #tpu.memory_space<vmem>> -> memref<40x128xf32, #tpu.memory_space<vmem>>
        %dma_wait3A_222 = arith.constant 0 : i32
        %dma_wait3A_223 = tpu.memref_slice %arg10[%dma_wait3A_222] : memref<5000xi32, #tpu.memory_space<vmem>> -> memref<40xi32, #tpu.memory_space<vmem>>
        %dma_wait3A_224 = arith.constant 0 : i32
        %dma_wait3A_225 = arith.constant 0 : i32
        %dma_wait3A_226 = tpu.memref_slice %arg2[%dma_wait3A_224, %dma_wait3A_225] : memref<10240x128xf32, #tpu.memory_space<hbm>> -> memref<10240x128xf32, #tpu.memory_space<hbm>>
        %dma_wait3A_227 = tpu.memref_slice %arg13[%dma_wait3A_218] : memref<5x!tpu.dma_semaphore, #tpu.memory_space<semaphore_mem>> -> memref<1x!tpu.dma_semaphore, #tpu.memory_space<semaphore_mem>>
        %dma_wait3A_228 = tpu.memref_squeeze %dma_wait3A_227 : memref<1x!tpu.dma_semaphore, #tpu.memory_space<semaphore_mem>> -> memref<!tpu.dma_semaphore, #tpu.memory_space<semaphore_mem>>
        tpu.wait_indirect_dma semaphore(%dma_wait3A_228 : memref<!tpu.dma_semaphore, #tpu.memory_space<semaphore_mem>>) src(%dma_wait3A_226 : memref<10240x128xf32, #tpu.memory_space<hbm>>) dst(%dma_wait3A_221 : memref<40x128xf32, #tpu.memory_space<vmem>>)
        %dma_start3A_229 = arith.constant 0 : i32
        %dma_start3A_230 = arith.constant 0 : i32
        %dma_start3A_231 = arith.constant 0 : i32
        %dma_start3A_232 = arith.constant 0 : i32
        %dma_start3A_233 = tpu.memref_slice %arg9[%dma_start3A_231, %dma_start3A_232] : memref<200x128xf32, #tpu.memory_space<vmem>> -> memref<40x128xf32, #tpu.memory_space<vmem>>
        %dma_start3A_234 = arith.constant 0 : i32
        %dma_start3A_235 = tpu.memref_slice %arg11[%add3A_205, %dma_start3A_229, %dma_start3A_234] : memref<125x1x40xi32, #tpu.memory_space<vmem>> -> memref<1x1x40xi32, #tpu.memory_space<vmem>>
        %dma_start3A_236 = tpu.memref_squeeze %dma_start3A_235 : memref<1x1x40xi32, #tpu.memory_space<vmem>> -> memref<40xi32, #tpu.memory_space<vmem>>
        %dma_start3A_237 = arith.constant 0 : i32
        %dma_start3A_238 = arith.constant 0 : i32
        %dma_start3A_239 = tpu.memref_slice %arg12[%dma_start3A_237, %dma_start3A_238] : memref<10240x128xf32, #tpu.memory_space<vmem_shared>> -> memref<10240x128xf32, #tpu.memory_space<vmem_shared>>
        %dma_start3A_240 = tpu.memref_slice %arg14[%dma_start3A_230] : memref<5x!tpu.dma_semaphore, #tpu.memory_space<semaphore_mem>> -> memref<1x!tpu.dma_semaphore, #tpu.memory_space<semaphore_mem>>
        %dma_start3A_241 = tpu.memref_squeeze %dma_start3A_240 : memref<1x!tpu.dma_semaphore, #tpu.memory_space<semaphore_mem>> -> memref<!tpu.dma_semaphore, #tpu.memory_space<semaphore_mem>>
        tpu.enqueue_indirect_dma source(%dma_start3A_233 : memref<40x128xf32, #tpu.memory_space<vmem>>) target(%dma_start3A_239 : memref<10240x128xf32, #tpu.memory_space<vmem_shared>>) offsets(%dma_start3A_236 : memref<40xi32, #tpu.memory_space<vmem>>) semaphore(%dma_start3A_241 : memref<!tpu.dma_semaphore, #tpu.memory_space<semaphore_mem>>) {add = true}
        %mul3A_242 = arith.constant 5 : i32
        %mul3A_243 = arith.muli %add3A_201, %mul3A_242 : i32
        %add3A_244 = arith.constant 1 : i32
        %add3A_245 = arith.addi %mul3A_243, %add3A_244 : i32
        %ge3A_246 = arith.constant 2 : i32
        %ge3A_247 = arith.cmpi sge, %add3A_245, %ge3A_246 : i32
        %add3A_248 = arith.constant 3 : i32
        %add3A_249 = arith.addi %add3A_245, %add3A_248 : i32
        %lt3A_250 = arith.constant 125 : i32
        %lt3A_251 = arith.cmpi slt, %add3A_249, %lt3A_250 : i32
        %and3A_252 = arith.andi %ge3A_247, %lt3A_251 : i1
        %convert_element_type3A_253 = arith.extui %and3A_252 : i1 to i32
        %cond3A_254 = arith.constant 0 : i32
        %cond3A_255 = arith.cmpi ne, %convert_element_type3A_253, %cond3A_254 : i32
        scf.if %cond3A_255 {
          %dma_wait3A_422 = arith.constant 4 : i32
          %dma_wait3A_423 = arith.constant 160 : i32
          %dma_wait3A_424 = arith.constant 0 : i32
          %dma_wait3A_425 = tpu.memref_slice %arg9[%dma_wait3A_423, %dma_wait3A_424] : memref<200x128xf32, #tpu.memory_space<vmem>> -> memref<40x128xf32, #tpu.memory_space<vmem>>
          %dma_wait3A_426 = arith.constant 0 : i32
          %dma_wait3A_427 = arith.constant 0 : i32
          %dma_wait3A_428 = tpu.memref_slice %arg12[%dma_wait3A_426, %dma_wait3A_427] : memref<10240x128xf32, #tpu.memory_space<vmem_shared>> -> memref<40x128xf32, #tpu.memory_space<vmem_shared>>
          %dma_wait3A_429 = tpu.memref_slice %arg14[%dma_wait3A_422] : memref<5x!tpu.dma_semaphore, #tpu.memory_space<semaphore_mem>> -> memref<1x!tpu.dma_semaphore, #tpu.memory_space<semaphore_mem>>
          %dma_wait3A_430 = tpu.memref_squeeze %dma_wait3A_429 : memref<1x!tpu.dma_semaphore, #tpu.memory_space<semaphore_mem>> -> memref<!tpu.dma_semaphore, #tpu.memory_space<semaphore_mem>>
          %dma_wait3A_431 = arith.constant 0 : i32
          %dma_wait3A_432 = arith.constant 0 : i32
          %dma_wait3A_433 = tpu.memref_slice %arg12[%dma_wait3A_431, %dma_wait3A_432] : memref<10240x128xf32, #tpu.memory_space<vmem_shared>> -> memref<40x128xf32, #tpu.memory_space<vmem_shared>>
          %dma_wait3A_434 = arith.constant 160 : i32
          %dma_wait3A_435 = arith.constant 0 : i32
          %dma_wait3A_436 = tpu.memref_slice %arg9[%dma_wait3A_434, %dma_wait3A_435] : memref<200x128xf32, #tpu.memory_space<vmem>> -> memref<40x128xf32, #tpu.memory_space<vmem>>
          tpu.wait_dma2 semaphore(%dma_wait3A_430 : memref<!tpu.dma_semaphore, #tpu.memory_space<semaphore_mem>>) src(%dma_wait3A_436 : memref<40x128xf32, #tpu.memory_space<vmem>>) dst(%dma_wait3A_433 : memref<40x128xf32, #tpu.memory_space<vmem_shared>>)
        } else {
        }
        %add3A_256 = arith.constant 3 : i32
        %add3A_257 = arith.addi %add3A_245, %add3A_256 : i32
        %lt3A_258 = arith.constant 125 : i32
        %lt3A_259 = arith.cmpi slt, %add3A_257, %lt3A_258 : i32
        %convert_element_type3A_260 = arith.extui %lt3A_259 : i1 to i32
        %cond3A_261 = arith.constant 0 : i32
        %cond3A_262 = arith.cmpi ne, %convert_element_type3A_260, %cond3A_261 : i32
        scf.if %cond3A_262 {
          %add3A_422 = arith.constant 3 : i32
          %add3A_423 = arith.addi %add3A_245, %add3A_422 : i32
          %mul3A_424 = arith.constant 40 : i32
          %mul3A_425 = arith.muli %add3A_423, %mul3A_424 : i32
          %dma_start3A_426 = arith.constant 4 : i32
          %dma_start3A_427 = arith.constant 160 : i32
          %dma_start3A_428 = arith.constant 0 : i32
          %dma_start3A_429 = tpu.memref_slice %arg9[%dma_start3A_427, %dma_start3A_428] : memref<200x128xf32, #tpu.memory_space<vmem>> -> memref<40x128xf32, #tpu.memory_space<vmem>>
          %dma_start3A_430 = tpu.memref_slice %arg10[%mul3A_425] : memref<5000xi32, #tpu.memory_space<vmem>> -> memref<40xi32, #tpu.memory_space<vmem>>
          %dma_start3A_431 = arith.constant 0 : i32
          %dma_start3A_432 = arith.constant 0 : i32
          %dma_start3A_433 = tpu.memref_slice %arg2[%dma_start3A_431, %dma_start3A_432] : memref<10240x128xf32, #tpu.memory_space<hbm>> -> memref<10240x128xf32, #tpu.memory_space<hbm>>
          %dma_start3A_434 = tpu.memref_slice %arg13[%dma_start3A_426] : memref<5x!tpu.dma_semaphore, #tpu.memory_space<semaphore_mem>> -> memref<1x!tpu.dma_semaphore, #tpu.memory_space<semaphore_mem>>
          %dma_start3A_435 = tpu.memref_squeeze %dma_start3A_434 : memref<1x!tpu.dma_semaphore, #tpu.memory_space<semaphore_mem>> -> memref<!tpu.dma_semaphore, #tpu.memory_space<semaphore_mem>>
          tpu.enqueue_indirect_dma source(%dma_start3A_433 : memref<10240x128xf32, #tpu.memory_space<hbm>>) target(%dma_start3A_429 : memref<40x128xf32, #tpu.memory_space<vmem>>) offsets(%dma_start3A_430 : memref<40xi32, #tpu.memory_space<vmem>>) semaphore(%dma_start3A_435 : memref<!tpu.dma_semaphore, #tpu.memory_space<semaphore_mem>>)
        } else {
        }
        %dma_wait3A_263 = arith.constant 1 : i32
        %dma_wait3A_264 = arith.constant 40 : i32
        %dma_wait3A_265 = arith.constant 0 : i32
        %dma_wait3A_266 = tpu.memref_slice %arg9[%dma_wait3A_264, %dma_wait3A_265] : memref<200x128xf32, #tpu.memory_space<vmem>> -> memref<40x128xf32, #tpu.memory_space<vmem>>
        %dma_wait3A_267 = arith.constant 0 : i32
        %dma_wait3A_268 = tpu.memref_slice %arg10[%dma_wait3A_267] : memref<5000xi32, #tpu.memory_space<vmem>> -> memref<40xi32, #tpu.memory_space<vmem>>
        %dma_wait3A_269 = arith.constant 0 : i32
        %dma_wait3A_270 = arith.constant 0 : i32
        %dma_wait3A_271 = tpu.memref_slice %arg2[%dma_wait3A_269, %dma_wait3A_270] : memref<10240x128xf32, #tpu.memory_space<hbm>> -> memref<10240x128xf32, #tpu.memory_space<hbm>>
        %dma_wait3A_272 = tpu.memref_slice %arg13[%dma_wait3A_263] : memref<5x!tpu.dma_semaphore, #tpu.memory_space<semaphore_mem>> -> memref<1x!tpu.dma_semaphore, #tpu.memory_space<semaphore_mem>>
        %dma_wait3A_273 = tpu.memref_squeeze %dma_wait3A_272 : memref<1x!tpu.dma_semaphore, #tpu.memory_space<semaphore_mem>> -> memref<!tpu.dma_semaphore, #tpu.memory_space<semaphore_mem>>
        tpu.wait_indirect_dma semaphore(%dma_wait3A_273 : memref<!tpu.dma_semaphore, #tpu.memory_space<semaphore_mem>>) src(%dma_wait3A_271 : memref<10240x128xf32, #tpu.memory_space<hbm>>) dst(%dma_wait3A_266 : memref<40x128xf32, #tpu.memory_space<vmem>>)
        %dma_start3A_274 = arith.constant 0 : i32
        %dma_start3A_275 = arith.constant 1 : i32
        %dma_start3A_276 = arith.constant 40 : i32
        %dma_start3A_277 = arith.constant 0 : i32
        %dma_start3A_278 = tpu.memref_slice %arg9[%dma_start3A_276, %dma_start3A_277] : memref<200x128xf32, #tpu.memory_space<vmem>> -> memref<40x128xf32, #tpu.memory_space<vmem>>
        %dma_start3A_279 = arith.constant 0 : i32
        %dma_start3A_280 = tpu.memref_slice %arg11[%add3A_245, %dma_start3A_274, %dma_start3A_279] : memref<125x1x40xi32, #tpu.memory_space<vmem>> -> memref<1x1x40xi32, #tpu.memory_space<vmem>>
        %dma_start3A_281 = tpu.memref_squeeze %dma_start3A_280 : memref<1x1x40xi32, #tpu.memory_space<vmem>> -> memref<40xi32, #tpu.memory_space<vmem>>
        %dma_start3A_282 = arith.constant 0 : i32
        %dma_start3A_283 = arith.constant 0 : i32
        %dma_start3A_284 = tpu.memref_slice %arg12[%dma_start3A_282, %dma_start3A_283] : memref<10240x128xf32, #tpu.memory_space<vmem_shared>> -> memref<10240x128xf32, #tpu.memory_space<vmem_shared>>
        %dma_start3A_285 = tpu.memref_slice %arg14[%dma_start3A_275] : memref<5x!tpu.dma_semaphore, #tpu.memory_space<semaphore_mem>> -> memref<1x!tpu.dma_semaphore, #tpu.memory_space<semaphore_mem>>
        %dma_start3A_286 = tpu.memref_squeeze %dma_start3A_285 : memref<1x!tpu.dma_semaphore, #tpu.memory_space<semaphore_mem>> -> memref<!tpu.dma_semaphore, #tpu.memory_space<semaphore_mem>>
        tpu.enqueue_indirect_dma source(%dma_start3A_278 : memref<40x128xf32, #tpu.memory_space<vmem>>) target(%dma_start3A_284 : memref<10240x128xf32, #tpu.memory_space<vmem_shared>>) offsets(%dma_start3A_281 : memref<40xi32, #tpu.memory_space<vmem>>) semaphore(%dma_start3A_286 : memref<!tpu.dma_semaphore, #tpu.memory_space<semaphore_mem>>) {add = true}
        %mul3A_287 = arith.constant 5 : i32
        %mul3A_288 = arith.muli %add3A_201, %mul3A_287 : i32
        %add3A_289 = arith.constant 2 : i32
        %add3A_290 = arith.addi %mul3A_288, %add3A_289 : i32
        %ge3A_291 = arith.constant 2 : i32
        %ge3A_292 = arith.cmpi sge, %add3A_290, %ge3A_291 : i32
        %add3A_293 = arith.constant 3 : i32
        %add3A_294 = arith.addi %add3A_290, %add3A_293 : i32
        %lt3A_295 = arith.constant 125 : i32
        %lt3A_296 = arith.cmpi slt, %add3A_294, %lt3A_295 : i32
        %and3A_297 = arith.andi %ge3A_292, %lt3A_296 : i1
        %convert_element_type3A_298 = arith.extui %and3A_297 : i1 to i32
        %cond3A_299 = arith.constant 0 : i32
        %cond3A_300 = arith.cmpi ne, %convert_element_type3A_298, %cond3A_299 : i32
        scf.if %cond3A_300 {
          %dma_wait3A_422 = arith.constant 0 : i32
          %dma_wait3A_423 = arith.constant 0 : i32
          %dma_wait3A_424 = arith.constant 0 : i32
          %dma_wait3A_425 = tpu.memref_slice %arg9[%dma_wait3A_423, %dma_wait3A_424] : memref<200x128xf32, #tpu.memory_space<vmem>> -> memref<40x128xf32, #tpu.memory_space<vmem>>
          %dma_wait3A_426 = arith.constant 0 : i32
          %dma_wait3A_427 = arith.constant 0 : i32
          %dma_wait3A_428 = tpu.memref_slice %arg12[%dma_wait3A_426, %dma_wait3A_427] : memref<10240x128xf32, #tpu.memory_space<vmem_shared>> -> memref<40x128xf32, #tpu.memory_space<vmem_shared>>
          %dma_wait3A_429 = tpu.memref_slice %arg14[%dma_wait3A_422] : memref<5x!tpu.dma_semaphore, #tpu.memory_space<semaphore_mem>> -> memref<1x!tpu.dma_semaphore, #tpu.memory_space<semaphore_mem>>
          %dma_wait3A_430 = tpu.memref_squeeze %dma_wait3A_429 : memref<1x!tpu.dma_semaphore, #tpu.memory_space<semaphore_mem>> -> memref<!tpu.dma_semaphore, #tpu.memory_space<semaphore_mem>>
          %dma_wait3A_431 = arith.constant 0 : i32
          %dma_wait3A_432 = arith.constant 0 : i32
          %dma_wait3A_433 = tpu.memref_slice %arg12[%dma_wait3A_431, %dma_wait3A_432] : memref<10240x128xf32, #tpu.memory_space<vmem_shared>> -> memref<40x128xf32, #tpu.memory_space<vmem_shared>>
          %dma_wait3A_434 = arith.constant 0 : i32
          %dma_wait3A_435 = arith.constant 0 : i32
          %dma_wait3A_436 = tpu.memref_slice %arg9[%dma_wait3A_434, %dma_wait3A_435] : memref<200x128xf32, #tpu.memory_space<vmem>> -> memref<40x128xf32, #tpu.memory_space<vmem>>
          tpu.wait_dma2 semaphore(%dma_wait3A_430 : memref<!tpu.dma_semaphore, #tpu.memory_space<semaphore_mem>>) src(%dma_wait3A_436 : memref<40x128xf32, #tpu.memory_space<vmem>>) dst(%dma_wait3A_433 : memref<40x128xf32, #tpu.memory_space<vmem_shared>>)
        } else {
        }
        %add3A_301 = arith.constant 3 : i32
        %add3A_302 = arith.addi %add3A_290, %add3A_301 : i32
        %lt3A_303 = arith.constant 125 : i32
        %lt3A_304 = arith.cmpi slt, %add3A_302, %lt3A_303 : i32
        %convert_element_type3A_305 = arith.extui %lt3A_304 : i1 to i32
        %cond3A_306 = arith.constant 0 : i32
        %cond3A_307 = arith.cmpi ne, %convert_element_type3A_305, %cond3A_306 : i32
        scf.if %cond3A_307 {
          %add3A_422 = arith.constant 3 : i32
          %add3A_423 = arith.addi %add3A_290, %add3A_422 : i32
          %mul3A_424 = arith.constant 40 : i32
          %mul3A_425 = arith.muli %add3A_423, %mul3A_424 : i32
          %dma_start3A_426 = arith.constant 0 : i32
          %dma_start3A_427 = arith.constant 0 : i32
          %dma_start3A_428 = arith.constant 0 : i32
          %dma_start3A_429 = tpu.memref_slice %arg9[%dma_start3A_427, %dma_start3A_428] : memref<200x128xf32, #tpu.memory_space<vmem>> -> memref<40x128xf32, #tpu.memory_space<vmem>>
          %dma_start3A_430 = tpu.memref_slice %arg10[%mul3A_425] : memref<5000xi32, #tpu.memory_space<vmem>> -> memref<40xi32, #tpu.memory_space<vmem>>
          %dma_start3A_431 = arith.constant 0 : i32
          %dma_start3A_432 = arith.constant 0 : i32
          %dma_start3A_433 = tpu.memref_slice %arg2[%dma_start3A_431, %dma_start3A_432] : memref<10240x128xf32, #tpu.memory_space<hbm>> -> memref<10240x128xf32, #tpu.memory_space<hbm>>
          %dma_start3A_434 = tpu.memref_slice %arg13[%dma_start3A_426] : memref<5x!tpu.dma_semaphore, #tpu.memory_space<semaphore_mem>> -> memref<1x!tpu.dma_semaphore, #tpu.memory_space<semaphore_mem>>
          %dma_start3A_435 = tpu.memref_squeeze %dma_start3A_434 : memref<1x!tpu.dma_semaphore, #tpu.memory_space<semaphore_mem>> -> memref<!tpu.dma_semaphore, #tpu.memory_space<semaphore_mem>>
          tpu.enqueue_indirect_dma source(%dma_start3A_433 : memref<10240x128xf32, #tpu.memory_space<hbm>>) target(%dma_start3A_429 : memref<40x128xf32, #tpu.memory_space<vmem>>) offsets(%dma_start3A_430 : memref<40xi32, #tpu.memory_space<vmem>>) semaphore(%dma_start3A_435 : memref<!tpu.dma_semaphore, #tpu.memory_space<semaphore_mem>>)
        } else {
        }
        %dma_wait3A_308 = arith.constant 2 : i32
        %dma_wait3A_309 = arith.constant 80 : i32
        %dma_wait3A_310 = arith.constant 0 : i32
        %dma_wait3A_311 = tpu.memref_slice %arg9[%dma_wait3A_309, %dma_wait3A_310] : memref<200x128xf32, #tpu.memory_space<vmem>> -> memref<40x128xf32, #tpu.memory_space<vmem>>
        %dma_wait3A_312 = arith.constant 0 : i32
        %dma_wait3A_313 = tpu.memref_slice %arg10[%dma_wait3A_312] : memref<5000xi32, #tpu.memory_space<vmem>> -> memref<40xi32, #tpu.memory_space<vmem>>
        %dma_wait3A_314 = arith.constant 0 : i32
        %dma_wait3A_315 = arith.constant 0 : i32
        %dma_wait3A_316 = tpu.memref_slice %arg2[%dma_wait3A_314, %dma_wait3A_315] : memref<10240x128xf32, #tpu.memory_space<hbm>> -> memref<10240x128xf32, #tpu.memory_space<hbm>>
        %dma_wait3A_317 = tpu.memref_slice %arg13[%dma_wait3A_308] : memref<5x!tpu.dma_semaphore, #tpu.memory_space<semaphore_mem>> -> memref<1x!tpu.dma_semaphore, #tpu.memory_space<semaphore_mem>>
        %dma_wait3A_318 = tpu.memref_squeeze %dma_wait3A_317 : memref<1x!tpu.dma_semaphore, #tpu.memory_space<semaphore_mem>> -> memref<!tpu.dma_semaphore, #tpu.memory_space<semaphore_mem>>
        tpu.wait_indirect_dma semaphore(%dma_wait3A_318 : memref<!tpu.dma_semaphore, #tpu.memory_space<semaphore_mem>>) src(%dma_wait3A_316 : memref<10240x128xf32, #tpu.memory_space<hbm>>) dst(%dma_wait3A_311 : memref<40x128xf32, #tpu.memory_space<vmem>>)
        %dma_start3A_319 = arith.constant 0 : i32
        %dma_start3A_320 = arith.constant 2 : i32
        %dma_start3A_321 = arith.constant 80 : i32
        %dma_start3A_322 = arith.constant 0 : i32
        %dma_start3A_323 = tpu.memref_slice %arg9[%dma_start3A_321, %dma_start3A_322] : memref<200x128xf32, #tpu.memory_space<vmem>> -> memref<40x128xf32, #tpu.memory_space<vmem>>
        %dma_start3A_324 = arith.constant 0 : i32
        %dma_start3A_325 = tpu.memref_slice %arg11[%add3A_290, %dma_start3A_319, %dma_start3A_324] : memref<125x1x40xi32, #tpu.memory_space<vmem>> -> memref<1x1x40xi32, #tpu.memory_space<vmem>>
        %dma_start3A_326 = tpu.memref_squeeze %dma_start3A_325 : memref<1x1x40xi32, #tpu.memory_space<vmem>> -> memref<40xi32, #tpu.memory_space<vmem>>
        %dma_start3A_327 = arith.constant 0 : i32
        %dma_start3A_328 = arith.constant 0 : i32
        %dma_start3A_329 = tpu.memref_slice %arg12[%dma_start3A_327, %dma_start3A_328] : memref<10240x128xf32, #tpu.memory_space<vmem_shared>> -> memref<10240x128xf32, #tpu.memory_space<vmem_shared>>
        %dma_start3A_330 = tpu.memref_slice %arg14[%dma_start3A_320] : memref<5x!tpu.dma_semaphore, #tpu.memory_space<semaphore_mem>> -> memref<1x!tpu.dma_semaphore, #tpu.memory_space<semaphore_mem>>
        %dma_start3A_331 = tpu.memref_squeeze %dma_start3A_330 : memref<1x!tpu.dma_semaphore, #tpu.memory_space<semaphore_mem>> -> memref<!tpu.dma_semaphore, #tpu.memory_space<semaphore_mem>>
        tpu.enqueue_indirect_dma source(%dma_start3A_323 : memref<40x128xf32, #tpu.memory_space<vmem>>) target(%dma_start3A_329 : memref<10240x128xf32, #tpu.memory_space<vmem_shared>>) offsets(%dma_start3A_326 : memref<40xi32, #tpu.memory_space<vmem>>) semaphore(%dma_start3A_331 : memref<!tpu.dma_semaphore, #tpu.memory_space<semaphore_mem>>) {add = true}
        %mul3A_332 = arith.constant 5 : i32
        %mul3A_333 = arith.muli %add3A_201, %mul3A_332 : i32
        %add3A_334 = arith.constant 3 : i32
        %add3A_335 = arith.addi %mul3A_333, %add3A_334 : i32
        %ge3A_336 = arith.constant 2 : i32
        %ge3A_337 = arith.cmpi sge, %add3A_335, %ge3A_336 : i32
        %add3A_338 = arith.constant 3 : i32
        %add3A_339 = arith.addi %add3A_335, %add3A_338 : i32
        %lt3A_340 = arith.constant 125 : i32
        %lt3A_341 = arith.cmpi slt, %add3A_339, %lt3A_340 : i32
        %and3A_342 = arith.andi %ge3A_337, %lt3A_341 : i1
        %convert_element_type3A_343 = arith.extui %and3A_342 : i1 to i32
        %cond3A_344 = arith.constant 0 : i32
        %cond3A_345 = arith.cmpi ne, %convert_element_type3A_343, %cond3A_344 : i32
        scf.if %cond3A_345 {
          %dma_wait3A_422 = arith.constant 1 : i32
          %dma_wait3A_423 = arith.constant 40 : i32
          %dma_wait3A_424 = arith.constant 0 : i32
          %dma_wait3A_425 = tpu.memref_slice %arg9[%dma_wait3A_423, %dma_wait3A_424] : memref<200x128xf32, #tpu.memory_space<vmem>> -> memref<40x128xf32, #tpu.memory_space<vmem>>
          %dma_wait3A_426 = arith.constant 0 : i32
          %dma_wait3A_427 = arith.constant 0 : i32
          %dma_wait3A_428 = tpu.memref_slice %arg12[%dma_wait3A_426, %dma_wait3A_427] : memref<10240x128xf32, #tpu.memory_space<vmem_shared>> -> memref<40x128xf32, #tpu.memory_space<vmem_shared>>
          %dma_wait3A_429 = tpu.memref_slice %arg14[%dma_wait3A_422] : memref<5x!tpu.dma_semaphore, #tpu.memory_space<semaphore_mem>> -> memref<1x!tpu.dma_semaphore, #tpu.memory_space<semaphore_mem>>
          %dma_wait3A_430 = tpu.memref_squeeze %dma_wait3A_429 : memref<1x!tpu.dma_semaphore, #tpu.memory_space<semaphore_mem>> -> memref<!tpu.dma_semaphore, #tpu.memory_space<semaphore_mem>>
          %dma_wait3A_431 = arith.constant 0 : i32
          %dma_wait3A_432 = arith.constant 0 : i32
          %dma_wait3A_433 = tpu.memref_slice %arg12[%dma_wait3A_431, %dma_wait3A_432] : memref<10240x128xf32, #tpu.memory_space<vmem_shared>> -> memref<40x128xf32, #tpu.memory_space<vmem_shared>>
          %dma_wait3A_434 = arith.constant 40 : i32
          %dma_wait3A_435 = arith.constant 0 : i32
          %dma_wait3A_436 = tpu.memref_slice %arg9[%dma_wait3A_434, %dma_wait3A_435] : memref<200x128xf32, #tpu.memory_space<vmem>> -> memref<40x128xf32, #tpu.memory_space<vmem>>
          tpu.wait_dma2 semaphore(%dma_wait3A_430 : memref<!tpu.dma_semaphore, #tpu.memory_space<semaphore_mem>>) src(%dma_wait3A_436 : memref<40x128xf32, #tpu.memory_space<vmem>>) dst(%dma_wait3A_433 : memref<40x128xf32, #tpu.memory_space<vmem_shared>>)
        } else {
        }
        %add3A_346 = arith.constant 3 : i32
        %add3A_347 = arith.addi %add3A_335, %add3A_346 : i32
        %lt3A_348 = arith.constant 125 : i32
        %lt3A_349 = arith.cmpi slt, %add3A_347, %lt3A_348 : i32
        %convert_element_type3A_350 = arith.extui %lt3A_349 : i1 to i32
        %cond3A_351 = arith.constant 0 : i32
        %cond3A_352 = arith.cmpi ne, %convert_element_type3A_350, %cond3A_351 : i32
        scf.if %cond3A_352 {
          %add3A_422 = arith.constant 3 : i32
          %add3A_423 = arith.addi %add3A_335, %add3A_422 : i32
          %mul3A_424 = arith.constant 40 : i32
          %mul3A_425 = arith.muli %add3A_423, %mul3A_424 : i32
          %dma_start3A_426 = arith.constant 1 : i32
          %dma_start3A_427 = arith.constant 40 : i32
          %dma_start3A_428 = arith.constant 0 : i32
          %dma_start3A_429 = tpu.memref_slice %arg9[%dma_start3A_427, %dma_start3A_428] : memref<200x128xf32, #tpu.memory_space<vmem>> -> memref<40x128xf32, #tpu.memory_space<vmem>>
          %dma_start3A_430 = tpu.memref_slice %arg10[%mul3A_425] : memref<5000xi32, #tpu.memory_space<vmem>> -> memref<40xi32, #tpu.memory_space<vmem>>
          %dma_start3A_431 = arith.constant 0 : i32
          %dma_start3A_432 = arith.constant 0 : i32
          %dma_start3A_433 = tpu.memref_slice %arg2[%dma_start3A_431, %dma_start3A_432] : memref<10240x128xf32, #tpu.memory_space<hbm>> -> memref<10240x128xf32, #tpu.memory_space<hbm>>
          %dma_start3A_434 = tpu.memref_slice %arg13[%dma_start3A_426] : memref<5x!tpu.dma_semaphore, #tpu.memory_space<semaphore_mem>> -> memref<1x!tpu.dma_semaphore, #tpu.memory_space<semaphore_mem>>
          %dma_start3A_435 = tpu.memref_squeeze %dma_start3A_434 : memref<1x!tpu.dma_semaphore, #tpu.memory_space<semaphore_mem>> -> memref<!tpu.dma_semaphore, #tpu.memory_space<semaphore_mem>>
          tpu.enqueue_indirect_dma source(%dma_start3A_433 : memref<10240x128xf32, #tpu.memory_space<hbm>>) target(%dma_start3A_429 : memref<40x128xf32, #tpu.memory_space<vmem>>) offsets(%dma_start3A_430 : memref<40xi32, #tpu.memory_space<vmem>>) semaphore(%dma_start3A_435 : memref<!tpu.dma_semaphore, #tpu.memory_space<semaphore_mem>>)
        } else {
        }
        %dma_wait3A_353 = arith.constant 3 : i32
        %dma_wait3A_354 = arith.constant 120 : i32
        %dma_wait3A_355 = arith.constant 0 : i32
        %dma_wait3A_356 = tpu.memref_slice %arg9[%dma_wait3A_354, %dma_wait3A_355] : memref<200x128xf32, #tpu.memory_space<vmem>> -> memref<40x128xf32, #tpu.memory_space<vmem>>
        %dma_wait3A_357 = arith.constant 0 : i32
        %dma_wait3A_358 = tpu.memref_slice %arg10[%dma_wait3A_357] : memref<5000xi32, #tpu.memory_space<vmem>> -> memref<40xi32, #tpu.memory_space<vmem>>
        %dma_wait3A_359 = arith.constant 0 : i32
        %dma_wait3A_360 = arith.constant 0 : i32
        %dma_wait3A_361 = tpu.memref_slice %arg2[%dma_wait3A_359, %dma_wait3A_360] : memref<10240x128xf32, #tpu.memory_space<hbm>> -> memref<10240x128xf32, #tpu.memory_space<hbm>>
        %dma_wait3A_362 = tpu.memref_slice %arg13[%dma_wait3A_353] : memref<5x!tpu.dma_semaphore, #tpu.memory_space<semaphore_mem>> -> memref<1x!tpu.dma_semaphore, #tpu.memory_space<semaphore_mem>>
        %dma_wait3A_363 = tpu.memref_squeeze %dma_wait3A_362 : memref<1x!tpu.dma_semaphore, #tpu.memory_space<semaphore_mem>> -> memref<!tpu.dma_semaphore, #tpu.memory_space<semaphore_mem>>
        tpu.wait_indirect_dma semaphore(%dma_wait3A_363 : memref<!tpu.dma_semaphore, #tpu.memory_space<semaphore_mem>>) src(%dma_wait3A_361 : memref<10240x128xf32, #tpu.memory_space<hbm>>) dst(%dma_wait3A_356 : memref<40x128xf32, #tpu.memory_space<vmem>>)
        %dma_start3A_364 = arith.constant 0 : i32
        %dma_start3A_365 = arith.constant 3 : i32
        %dma_start3A_366 = arith.constant 120 : i32
        %dma_start3A_367 = arith.constant 0 : i32
        %dma_start3A_368 = tpu.memref_slice %arg9[%dma_start3A_366, %dma_start3A_367] : memref<200x128xf32, #tpu.memory_space<vmem>> -> memref<40x128xf32, #tpu.memory_space<vmem>>
        %dma_start3A_369 = arith.constant 0 : i32
        %dma_start3A_370 = tpu.memref_slice %arg11[%add3A_335, %dma_start3A_364, %dma_start3A_369] : memref<125x1x40xi32, #tpu.memory_space<vmem>> -> memref<1x1x40xi32, #tpu.memory_space<vmem>>
        %dma_start3A_371 = tpu.memref_squeeze %dma_start3A_370 : memref<1x1x40xi32, #tpu.memory_space<vmem>> -> memref<40xi32, #tpu.memory_space<vmem>>
        %dma_start3A_372 = arith.constant 0 : i32
        %dma_start3A_373 = arith.constant 0 : i32
        %dma_start3A_374 = tpu.memref_slice %arg12[%dma_start3A_372, %dma_start3A_373] : memref<10240x128xf32, #tpu.memory_space<vmem_shared>> -> memref<10240x128xf32, #tpu.memory_space<vmem_shared>>
        %dma_start3A_375 = tpu.memref_slice %arg14[%dma_start3A_365] : memref<5x!tpu.dma_semaphore, #tpu.memory_space<semaphore_mem>> -> memref<1x!tpu.dma_semaphore, #tpu.memory_space<semaphore_mem>>
        %dma_start3A_376 = tpu.memref_squeeze %dma_start3A_375 : memref<1x!tpu.dma_semaphore, #tpu.memory_space<semaphore_mem>> -> memref<!tpu.dma_semaphore, #tpu.memory_space<semaphore_mem>>
        tpu.enqueue_indirect_dma source(%dma_start3A_368 : memref<40x128xf32, #tpu.memory_space<vmem>>) target(%dma_start3A_374 : memref<10240x128xf32, #tpu.memory_space<vmem_shared>>) offsets(%dma_start3A_371 : memref<40xi32, #tpu.memory_space<vmem>>) semaphore(%dma_start3A_376 : memref<!tpu.dma_semaphore, #tpu.memory_space<semaphore_mem>>) {add = true}
        %mul3A_377 = arith.constant 5 : i32
        %mul3A_378 = arith.muli %add3A_201, %mul3A_377 : i32
        %add3A_379 = arith.constant 4 : i32
        %add3A_380 = arith.addi %mul3A_378, %add3A_379 : i32
        %ge3A_381 = arith.constant 2 : i32
        %ge3A_382 = arith.cmpi sge, %add3A_380, %ge3A_381 : i32
        %add3A_383 = arith.constant 3 : i32
        %add3A_384 = arith.addi %add3A_380, %add3A_383 : i32
        %lt3A_385 = arith.constant 125 : i32
        %lt3A_386 = arith.cmpi slt, %add3A_384, %lt3A_385 : i32
        %and3A_387 = arith.andi %ge3A_382, %lt3A_386 : i1
        %convert_element_type3A_388 = arith.extui %and3A_387 : i1 to i32
        %cond3A_389 = arith.constant 0 : i32
        %cond3A_390 = arith.cmpi ne, %convert_element_type3A_388, %cond3A_389 : i32
        scf.if %cond3A_390 {
          %dma_wait3A_422 = arith.constant 2 : i32
          %dma_wait3A_423 = arith.constant 80 : i32
          %dma_wait3A_424 = arith.constant 0 : i32
          %dma_wait3A_425 = tpu.memref_slice %arg9[%dma_wait3A_423, %dma_wait3A_424] : memref<200x128xf32, #tpu.memory_space<vmem>> -> memref<40x128xf32, #tpu.memory_space<vmem>>
          %dma_wait3A_426 = arith.constant 0 : i32
          %dma_wait3A_427 = arith.constant 0 : i32
          %dma_wait3A_428 = tpu.memref_slice %arg12[%dma_wait3A_426, %dma_wait3A_427] : memref<10240x128xf32, #tpu.memory_space<vmem_shared>> -> memref<40x128xf32, #tpu.memory_space<vmem_shared>>
          %dma_wait3A_429 = tpu.memref_slice %arg14[%dma_wait3A_422] : memref<5x!tpu.dma_semaphore, #tpu.memory_space<semaphore_mem>> -> memref<1x!tpu.dma_semaphore, #tpu.memory_space<semaphore_mem>>
          %dma_wait3A_430 = tpu.memref_squeeze %dma_wait3A_429 : memref<1x!tpu.dma_semaphore, #tpu.memory_space<semaphore_mem>> -> memref<!tpu.dma_semaphore, #tpu.memory_space<semaphore_mem>>
          %dma_wait3A_431 = arith.constant 0 : i32
          %dma_wait3A_432 = arith.constant 0 : i32
          %dma_wait3A_433 = tpu.memref_slice %arg12[%dma_wait3A_431, %dma_wait3A_432] : memref<10240x128xf32, #tpu.memory_space<vmem_shared>> -> memref<40x128xf32, #tpu.memory_space<vmem_shared>>
          %dma_wait3A_434 = arith.constant 80 : i32
          %dma_wait3A_435 = arith.constant 0 : i32
          %dma_wait3A_436 = tpu.memref_slice %arg9[%dma_wait3A_434, %dma_wait3A_435] : memref<200x128xf32, #tpu.memory_space<vmem>> -> memref<40x128xf32, #tpu.memory_space<vmem>>
          tpu.wait_dma2 semaphore(%dma_wait3A_430 : memref<!tpu.dma_semaphore, #tpu.memory_space<semaphore_mem>>) src(%dma_wait3A_436 : memref<40x128xf32, #tpu.memory_space<vmem>>) dst(%dma_wait3A_433 : memref<40x128xf32, #tpu.memory_space<vmem_shared>>)
        } else {
        }
        %add3A_391 = arith.constant 3 : i32
        %add3A_392 = arith.addi %add3A_380, %add3A_391 : i32
        %lt3A_393 = arith.constant 125 : i32
        %lt3A_394 = arith.cmpi slt, %add3A_392, %lt3A_393 : i32
        %convert_element_type3A_395 = arith.extui %lt3A_394 : i1 to i32
        %cond3A_396 = arith.constant 0 : i32
        %cond3A_397 = arith.cmpi ne, %convert_element_type3A_395, %cond3A_396 : i32
        scf.if %cond3A_397 {
          %add3A_422 = arith.constant 3 : i32
          %add3A_423 = arith.addi %add3A_380, %add3A_422 : i32
          %mul3A_424 = arith.constant 40 : i32
          %mul3A_425 = arith.muli %add3A_423, %mul3A_424 : i32
          %dma_start3A_426 = arith.constant 2 : i32
          %dma_start3A_427 = arith.constant 80 : i32
          %dma_start3A_428 = arith.constant 0 : i32
          %dma_start3A_429 = tpu.memref_slice %arg9[%dma_start3A_427, %dma_start3A_428] : memref<200x128xf32, #tpu.memory_space<vmem>> -> memref<40x128xf32, #tpu.memory_space<vmem>>
          %dma_start3A_430 = tpu.memref_slice %arg10[%mul3A_425] : memref<5000xi32, #tpu.memory_space<vmem>> -> memref<40xi32, #tpu.memory_space<vmem>>
          %dma_start3A_431 = arith.constant 0 : i32
          %dma_start3A_432 = arith.constant 0 : i32
          %dma_start3A_433 = tpu.memref_slice %arg2[%dma_start3A_431, %dma_start3A_432] : memref<10240x128xf32, #tpu.memory_space<hbm>> -> memref<10240x128xf32, #tpu.memory_space<hbm>>
          %dma_start3A_434 = tpu.memref_slice %arg13[%dma_start3A_426] : memref<5x!tpu.dma_semaphore, #tpu.memory_space<semaphore_mem>> -> memref<1x!tpu.dma_semaphore, #tpu.memory_space<semaphore_mem>>
          %dma_start3A_435 = tpu.memref_squeeze %dma_start3A_434 : memref<1x!tpu.dma_semaphore, #tpu.memory_space<semaphore_mem>> -> memref<!tpu.dma_semaphore, #tpu.memory_space<semaphore_mem>>
          tpu.enqueue_indirect_dma source(%dma_start3A_433 : memref<10240x128xf32, #tpu.memory_space<hbm>>) target(%dma_start3A_429 : memref<40x128xf32, #tpu.memory_space<vmem>>) offsets(%dma_start3A_430 : memref<40xi32, #tpu.memory_space<vmem>>) semaphore(%dma_start3A_435 : memref<!tpu.dma_semaphore, #tpu.memory_space<semaphore_mem>>)
        } else {
        }
        %dma_wait3A_398 = arith.constant 4 : i32
        %dma_wait3A_399 = arith.constant 160 : i32
        %dma_wait3A_400 = arith.constant 0 : i32
        %dma_wait3A_401 = tpu.memref_slice %arg9[%dma_wait3A_399, %dma_wait3A_400] : memref<200x128xf32, #tpu.memory_space<vmem>> -> memref<40x128xf32, #tpu.memory_space<vmem>>
        %dma_wait3A_402 = arith.constant 0 : i32
        %dma_wait3A_403 = tpu.memref_slice %arg10[%dma_wait3A_402] : memref<5000xi32, #tpu.memory_space<vmem>> -> memref<40xi32, #tpu.memory_space<vmem>>
        %dma_wait3A_404 = arith.constant 0 : i32
        %dma_wait3A_405 = arith.constant 0 : i32
        %dma_wait3A_406 = tpu.memref_slice %arg2[%dma_wait3A_404, %dma_wait3A_405] : memref<10240x128xf32, #tpu.memory_space<hbm>> -> memref<10240x128xf32, #tpu.memory_space<hbm>>
        %dma_wait3A_407 = tpu.memref_slice %arg13[%dma_wait3A_398] : memref<5x!tpu.dma_semaphore, #tpu.memory_space<semaphore_mem>> -> memref<1x!tpu.dma_semaphore, #tpu.memory_space<semaphore_mem>>
        %dma_wait3A_408 = tpu.memref_squeeze %dma_wait3A_407 : memref<1x!tpu.dma_semaphore, #tpu.memory_space<semaphore_mem>> -> memref<!tpu.dma_semaphore, #tpu.memory_space<semaphore_mem>>
        tpu.wait_indirect_dma semaphore(%dma_wait3A_408 : memref<!tpu.dma_semaphore, #tpu.memory_space<semaphore_mem>>) src(%dma_wait3A_406 : memref<10240x128xf32, #tpu.memory_space<hbm>>) dst(%dma_wait3A_401 : memref<40x128xf32, #tpu.memory_space<vmem>>)
        %dma_start3A_409 = arith.constant 0 : i32
        %dma_start3A_410 = arith.constant 4 : i32
        %dma_start3A_411 = arith.constant 160 : i32
        %dma_start3A_412 = arith.constant 0 : i32
        %dma_start3A_413 = tpu.memref_slice %arg9[%dma_start3A_411, %dma_start3A_412] : memref<200x128xf32, #tpu.memory_space<vmem>> -> memref<40x128xf32, #tpu.memory_space<vmem>>
        %dma_start3A_414 = arith.constant 0 : i32
        %dma_start3A_415 = tpu.memref_slice %arg11[%add3A_380, %dma_start3A_409, %dma_start3A_414] : memref<125x1x40xi32, #tpu.memory_space<vmem>> -> memref<1x1x40xi32, #tpu.memory_space<vmem>>
        %dma_start3A_416 = tpu.memref_squeeze %dma_start3A_415 : memref<1x1x40xi32, #tpu.memory_space<vmem>> -> memref<40xi32, #tpu.memory_space<vmem>>
        %dma_start3A_417 = arith.constant 0 : i32
        %dma_start3A_418 = arith.constant 0 : i32
        %dma_start3A_419 = tpu.memref_slice %arg12[%dma_start3A_417, %dma_start3A_418] : memref<10240x128xf32, #tpu.memory_space<vmem_shared>> -> memref<10240x128xf32, #tpu.memory_space<vmem_shared>>
        %dma_start3A_420 = tpu.memref_slice %arg14[%dma_start3A_410] : memref<5x!tpu.dma_semaphore, #tpu.memory_space<semaphore_mem>> -> memref<1x!tpu.dma_semaphore, #tpu.memory_space<semaphore_mem>>
        %dma_start3A_421 = tpu.memref_squeeze %dma_start3A_420 : memref<1x!tpu.dma_semaphore, #tpu.memory_space<semaphore_mem>> -> memref<!tpu.dma_semaphore, #tpu.memory_space<semaphore_mem>>
        tpu.enqueue_indirect_dma source(%dma_start3A_413 : memref<40x128xf32, #tpu.memory_space<vmem>>) target(%dma_start3A_419 : memref<10240x128xf32, #tpu.memory_space<vmem_shared>>) offsets(%dma_start3A_416 : memref<40xi32, #tpu.memory_space<vmem>>) semaphore(%dma_start3A_421 : memref<!tpu.dma_semaphore, #tpu.memory_space<semaphore_mem>>) {add = true}
      }
      %scan3A_122 = arith.constant 25 : i32
      %dma_wait3A = arith.constant 0 : i32
      %dma_wait3A_123 = arith.constant 0 : i32
      %dma_wait3A_124 = arith.constant 0 : i32
      %dma_wait3A_125 = tpu.memref_slice %arg9[%dma_wait3A_123, %dma_wait3A_124] : memref<200x128xf32, #tpu.memory_space<vmem>> -> memref<40x128xf32, #tpu.memory_space<vmem>>
      %dma_wait3A_126 = arith.constant 0 : i32
      %dma_wait3A_127 = arith.constant 0 : i32
      %dma_wait3A_128 = tpu.memref_slice %arg12[%dma_wait3A_126, %dma_wait3A_127] : memref<10240x128xf32, #tpu.memory_space<vmem_shared>> -> memref<40x128xf32, #tpu.memory_space<vmem_shared>>
      %dma_wait3A_129 = tpu.memref_slice %arg14[%dma_wait3A] : memref<5x!tpu.dma_semaphore, #tpu.memory_space<semaphore_mem>> -> memref<1x!tpu.dma_semaphore, #tpu.memory_space<semaphore_mem>>
      %dma_wait3A_130 = tpu.memref_squeeze %dma_wait3A_129 : memref<1x!tpu.dma_semaphore, #tpu.memory_space<semaphore_mem>> -> memref<!tpu.dma_semaphore, #tpu.memory_space<semaphore_mem>>
      %dma_wait3A_131 = arith.constant 0 : i32
      %dma_wait3A_132 = arith.constant 0 : i32
      %dma_wait3A_133 = tpu.memref_slice %arg12[%dma_wait3A_131, %dma_wait3A_132] : memref<10240x128xf32, #tpu.memory_space<vmem_shared>> -> memref<40x128xf32, #tpu.memory_space<vmem_shared>>
      %dma_wait3A_134 = arith.constant 0 : i32
      %dma_wait3A_135 = arith.constant 0 : i32
      %dma_wait3A_136 = tpu.memref_slice %arg9[%dma_wait3A_134, %dma_wait3A_135] : memref<200x128xf32, #tpu.memory_space<vmem>> -> memref<40x128xf32, #tpu.memory_space<vmem>>
      tpu.wait_dma2 semaphore(%dma_wait3A_130 : memref<!tpu.dma_semaphore, #tpu.memory_space<semaphore_mem>>) src(%dma_wait3A_136 : memref<40x128xf32, #tpu.memory_space<vmem>>) dst(%dma_wait3A_133 : memref<40x128xf32, #tpu.memory_space<vmem_shared>>)
      %dma_wait3A_137 = arith.constant 1 : i32
      %dma_wait3A_138 = arith.constant 40 : i32
      %dma_wait3A_139 = arith.constant 0 : i32
      %dma_wait3A_140 = tpu.memref_slice %arg9[%dma_wait3A_138, %dma_wait3A_139] : memref<200x128xf32, #tpu.memory_space<vmem>> -> memref<40x128xf32, #tpu.memory_space<vmem>>
      %dma_wait3A_141 = arith.constant 0 : i32
      %dma_wait3A_142 = arith.constant 0 : i32
      %dma_wait3A_143 = tpu.memref_slice %arg12[%dma_wait3A_141, %dma_wait3A_142] : memref<10240x128xf32, #tpu.memory_space<vmem_shared>> -> memref<40x128xf32, #tpu.memory_space<vmem_shared>>
      %dma_wait3A_144 = tpu.memref_slice %arg14[%dma_wait3A_137] : memref<5x!tpu.dma_semaphore, #tpu.memory_space<semaphore_mem>> -> memref<1x!tpu.dma_semaphore, #tpu.memory_space<semaphore_mem>>
      %dma_wait3A_145 = tpu.memref_squeeze %dma_wait3A_144 : memref<1x!tpu.dma_semaphore, #tpu.memory_space<semaphore_mem>> -> memref<!tpu.dma_semaphore, #tpu.memory_space<semaphore_mem>>
      %dma_wait3A_146 = arith.constant 0 : i32
      %dma_wait3A_147 = arith.constant 0 : i32
      %dma_wait3A_148 = tpu.memref_slice %arg12[%dma_wait3A_146, %dma_wait3A_147] : memref<10240x128xf32, #tpu.memory_space<vmem_shared>> -> memref<40x128xf32, #tpu.memory_space<vmem_shared>>
      %dma_wait3A_149 = arith.constant 40 : i32
      %dma_wait3A_150 = arith.constant 0 : i32
      %dma_wait3A_151 = tpu.memref_slice %arg9[%dma_wait3A_149, %dma_wait3A_150] : memref<200x128xf32, #tpu.memory_space<vmem>> -> memref<40x128xf32, #tpu.memory_space<vmem>>
      tpu.wait_dma2 semaphore(%dma_wait3A_145 : memref<!tpu.dma_semaphore, #tpu.memory_space<semaphore_mem>>) src(%dma_wait3A_151 : memref<40x128xf32, #tpu.memory_space<vmem>>) dst(%dma_wait3A_148 : memref<40x128xf32, #tpu.memory_space<vmem_shared>>)
      %dma_wait3A_152 = arith.constant 2 : i32
      %dma_wait3A_153 = arith.constant 80 : i32
      %dma_wait3A_154 = arith.constant 0 : i32
      %dma_wait3A_155 = tpu.memref_slice %arg9[%dma_wait3A_153, %dma_wait3A_154] : memref<200x128xf32, #tpu.memory_space<vmem>> -> memref<40x128xf32, #tpu.memory_space<vmem>>
      %dma_wait3A_156 = arith.constant 0 : i32
      %dma_wait3A_157 = arith.constant 0 : i32
      %dma_wait3A_158 = tpu.memref_slice %arg12[%dma_wait3A_156, %dma_wait3A_157] : memref<10240x128xf32, #tpu.memory_space<vmem_shared>> -> memref<40x128xf32, #tpu.memory_space<vmem_shared>>
      %dma_wait3A_159 = tpu.memref_slice %arg14[%dma_wait3A_152] : memref<5x!tpu.dma_semaphore, #tpu.memory_space<semaphore_mem>> -> memref<1x!tpu.dma_semaphore, #tpu.memory_space<semaphore_mem>>
      %dma_wait3A_160 = tpu.memref_squeeze %dma_wait3A_159 : memref<1x!tpu.dma_semaphore, #tpu.memory_space<semaphore_mem>> -> memref<!tpu.dma_semaphore, #tpu.memory_space<semaphore_mem>>
      %dma_wait3A_161 = arith.constant 0 : i32
      %dma_wait3A_162 = arith.constant 0 : i32
      %dma_wait3A_163 = tpu.memref_slice %arg12[%dma_wait3A_161, %dma_wait3A_162] : memref<10240x128xf32, #tpu.memory_space<vmem_shared>> -> memref<40x128xf32, #tpu.memory_space<vmem_shared>>
      %dma_wait3A_164 = arith.constant 80 : i32
      %dma_wait3A_165 = arith.constant 0 : i32
      %dma_wait3A_166 = tpu.memref_slice %arg9[%dma_wait3A_164, %dma_wait3A_165] : memref<200x128xf32, #tpu.memory_space<vmem>> -> memref<40x128xf32, #tpu.memory_space<vmem>>
      tpu.wait_dma2 semaphore(%dma_wait3A_160 : memref<!tpu.dma_semaphore, #tpu.memory_space<semaphore_mem>>) src(%dma_wait3A_166 : memref<40x128xf32, #tpu.memory_space<vmem>>) dst(%dma_wait3A_163 : memref<40x128xf32, #tpu.memory_space<vmem_shared>>)
      %dma_wait3A_167 = arith.constant 3 : i32
      %dma_wait3A_168 = arith.constant 120 : i32
      %dma_wait3A_169 = arith.constant 0 : i32
      %dma_wait3A_170 = tpu.memref_slice %arg9[%dma_wait3A_168, %dma_wait3A_169] : memref<200x128xf32, #tpu.memory_space<vmem>> -> memref<40x128xf32, #tpu.memory_space<vmem>>
      %dma_wait3A_171 = arith.constant 0 : i32
      %dma_wait3A_172 = arith.constant 0 : i32
      %dma_wait3A_173 = tpu.memref_slice %arg12[%dma_wait3A_171, %dma_wait3A_172] : memref<10240x128xf32, #tpu.memory_space<vmem_shared>> -> memref<40x128xf32, #tpu.memory_space<vmem_shared>>
      %dma_wait3A_174 = tpu.memref_slice %arg14[%dma_wait3A_167] : memref<5x!tpu.dma_semaphore, #tpu.memory_space<semaphore_mem>> -> memref<1x!tpu.dma_semaphore, #tpu.memory_space<semaphore_mem>>
      %dma_wait3A_175 = tpu.memref_squeeze %dma_wait3A_174 : memref<1x!tpu.dma_semaphore, #tpu.memory_space<semaphore_mem>> -> memref<!tpu.dma_semaphore, #tpu.memory_space<semaphore_mem>>
      %dma_wait3A_176 = arith.constant 0 : i32
      %dma_wait3A_177 = arith.constant 0 : i32
      %dma_wait3A_178 = tpu.memref_slice %arg12[%dma_wait3A_176, %dma_wait3A_177] : memref<10240x128xf32, #tpu.memory_space<vmem_shared>> -> memref<40x128xf32, #tpu.memory_space<vmem_shared>>
      %dma_wait3A_179 = arith.constant 120 : i32
      %dma_wait3A_180 = arith.constant 0 : i32
      %dma_wait3A_181 = tpu.memref_slice %arg9[%dma_wait3A_179, %dma_wait3A_180] : memref<200x128xf32, #tpu.memory_space<vmem>> -> memref<40x128xf32, #tpu.memory_space<vmem>>
      tpu.wait_dma2 semaphore(%dma_wait3A_175 : memref<!tpu.dma_semaphore, #tpu.memory_space<semaphore_mem>>) src(%dma_wait3A_181 : memref<40x128xf32, #tpu.memory_space<vmem>>) dst(%dma_wait3A_178 : memref<40x128xf32, #tpu.memory_space<vmem_shared>>)
      %dma_wait3A_182 = arith.constant 4 : i32
      %dma_wait3A_183 = arith.constant 160 : i32
      %dma_wait3A_184 = arith.constant 0 : i32
      %dma_wait3A_185 = tpu.memref_slice %arg9[%dma_wait3A_183, %dma_wait3A_184] : memref<200x128xf32, #tpu.memory_space<vmem>> -> memref<40x128xf32, #tpu.memory_space<vmem>>
      %dma_wait3A_186 = arith.constant 0 : i32
      %dma_wait3A_187 = arith.constant 0 : i32
      %dma_wait3A_188 = tpu.memref_slice %arg12[%dma_wait3A_186, %dma_wait3A_187] : memref<10240x128xf32, #tpu.memory_space<vmem_shared>> -> memref<40x128xf32, #tpu.memory_space<vmem_shared>>
      %dma_wait3A_189 = tpu.memref_slice %arg14[%dma_wait3A_182] : memref<5x!tpu.dma_semaphore, #tpu.memory_space<semaphore_mem>> -> memref<1x!tpu.dma_semaphore, #tpu.memory_space<semaphore_mem>>
      %dma_wait3A_190 = tpu.memref_squeeze %dma_wait3A_189 : memref<1x!tpu.dma_semaphore, #tpu.memory_space<semaphore_mem>> -> memref<!tpu.dma_semaphore, #tpu.memory_space<semaphore_mem>>
      %dma_wait3A_191 = arith.constant 0 : i32
      %dma_wait3A_192 = arith.constant 0 : i32
      %dma_wait3A_193 = tpu.memref_slice %arg12[%dma_wait3A_191, %dma_wait3A_192] : memref<10240x128xf32, #tpu.memory_space<vmem_shared>> -> memref<40x128xf32, #tpu.memory_space<vmem_shared>>
      %dma_wait3A_194 = arith.constant 160 : i32
      %dma_wait3A_195 = arith.constant 0 : i32
      %dma_wait3A_196 = tpu.memref_slice %arg9[%dma_wait3A_194, %dma_wait3A_195] : memref<200x128xf32, #tpu.memory_space<vmem>> -> memref<40x128xf32, #tpu.memory_space<vmem>>
      tpu.wait_dma2 semaphore(%dma_wait3A_190 : memref<!tpu.dma_semaphore, #tpu.memory_space<semaphore_mem>>) src(%dma_wait3A_196 : memref<40x128xf32, #tpu.memory_space<vmem>>) dst(%dma_wait3A_193 : memref<40x128xf32, #tpu.memory_space<vmem_shared>>)
    }
    %scan3A_25 = arith.constant 4 : i32
    %barrier3A_26 = arith.constant 0 : index
    tpu.barrier barrier_id(%barrier3A_26)
    %scan3A_27 = arith.constant 0 : i32
    %scan3A_28 = arith.constant 8 : i32
    %scan3A_29 = arith.addi %scan3A_27, %scan3A_28 : i32
    %scan3A_30 = arith.constant 1 : i32
    scf.for %scan3A_76 = %scan3A_27 to %scan3A_29 step %scan3A_30  : i32 {
      %mul3A_77 = arith.constant 1 : i32
      %mul3A_78 = arith.muli %scan3A_76, %mul3A_77 : i32
      %add3A_79 = arith.constant 0 : i32
      %add3A_80 = arith.addi %add3A_79, %mul3A_78 : i32
      %mul3A_81 = arith.constant 640 : i32
      %mul3A_82 = arith.muli %arg1, %mul3A_81 : i32
      %mul3A_83 = arith.constant 80 : i32
      %mul3A_84 = arith.muli %add3A_80, %mul3A_83 : i32
      %add3A_85 = arith.addi %mul3A_82, %mul3A_84 : i32
      "tpu.region"() ({
        %run_scoped3A = tpu.sem_alloc : memref<!tpu.dma_semaphore, #tpu.memory_space<semaphore_mem>>
        %dma_start3A = arith.constant 0 : i32
        %dma_start3A_91 = arith.constant 0 : i32
        %dma_start3A_92 = tpu.memref_slice %arg9[%dma_start3A, %dma_start3A_91] : memref<200x128xf32, #tpu.memory_space<vmem>> -> memref<80x128xf32, #tpu.memory_space<vmem>>
        %dma_start3A_93 = arith.constant 0 : i32
        %dma_start3A_94 = tpu.memref_slice %arg12[%add3A_85, %dma_start3A_93] : memref<10240x128xf32, #tpu.memory_space<vmem_shared>> -> memref<80x128xf32, #tpu.memory_space<vmem_shared>>
        %dma_start3A_95 = arith.constant 0 : i32
        %dma_start3A_96 = arith.constant 0 : i32
        %dma_start3A_97 = tpu.memref_slice %arg9[%dma_start3A_95, %dma_start3A_96] : memref<200x128xf32, #tpu.memory_space<vmem>> -> memref<80x128xf32, #tpu.memory_space<vmem>>
        %dma_start3A_98 = arith.constant 0 : i32
        %dma_start3A_99 = tpu.memref_slice %arg12[%add3A_85, %dma_start3A_98] : memref<10240x128xf32, #tpu.memory_space<vmem_shared>> -> memref<80x128xf32, #tpu.memory_space<vmem_shared>>
        tpu.enqueue_dma source(%dma_start3A_99 : memref<80x128xf32, #tpu.memory_space<vmem_shared>>) target(%dma_start3A_97 : memref<80x128xf32, #tpu.memory_space<vmem>>) target_semaphore(%run_scoped3A : memref<!tpu.dma_semaphore, #tpu.memory_space<semaphore_mem>>)
        %dma_wait3A = arith.constant 0 : i32
        %dma_wait3A_100 = arith.constant 0 : i32
        %dma_wait3A_101 = tpu.memref_slice %arg9[%dma_wait3A, %dma_wait3A_100] : memref<200x128xf32, #tpu.memory_space<vmem>> -> memref<80x128xf32, #tpu.memory_space<vmem>>
        %dma_wait3A_102 = arith.constant 0 : i32
        %dma_wait3A_103 = tpu.memref_slice %arg12[%add3A_85, %dma_wait3A_102] : memref<10240x128xf32, #tpu.memory_space<vmem_shared>> -> memref<80x128xf32, #tpu.memory_space<vmem_shared>>
        %dma_wait3A_104 = arith.constant 0 : i32
        %dma_wait3A_105 = arith.constant 0 : i32
        %dma_wait3A_106 = tpu.memref_slice %arg9[%dma_wait3A_104, %dma_wait3A_105] : memref<200x128xf32, #tpu.memory_space<vmem>> -> memref<80x128xf32, #tpu.memory_space<vmem>>
        %dma_wait3A_107 = arith.constant 0 : i32
        %dma_wait3A_108 = tpu.memref_slice %arg12[%add3A_85, %dma_wait3A_107] : memref<10240x128xf32, #tpu.memory_space<vmem_shared>> -> memref<80x128xf32, #tpu.memory_space<vmem_shared>>
        tpu.wait_dma2 semaphore(%run_scoped3A : memref<!tpu.dma_semaphore, #tpu.memory_space<semaphore_mem>>) src(%dma_wait3A_108 : memref<80x128xf32, #tpu.memory_space<vmem_shared>>) dst(%dma_wait3A_106 : memref<80x128xf32, #tpu.memory_space<vmem>>)
        tpu.yield
      }) : () -> ()
      "tpu.region"() ({
        %run_scoped3A = tpu.sem_alloc : memref<!tpu.dma_semaphore, #tpu.memory_space<semaphore_mem>>
        %dma_start3A = arith.constant 80 : i32
        %dma_start3A_91 = arith.constant 0 : i32
        %dma_start3A_92 = tpu.memref_slice %arg9[%dma_start3A, %dma_start3A_91] : memref<200x128xf32, #tpu.memory_space<vmem>> -> memref<80x128xf32, #tpu.memory_space<vmem>>
        %dma_start3A_93 = arith.constant 0 : i32
        %dma_start3A_94 = tpu.memref_slice %arg3[%add3A_85, %dma_start3A_93] : memref<10240x128xf32, #tpu.memory_space<hbm>> -> memref<80x128xf32, #tpu.memory_space<hbm>>
        %dma_start3A_95 = arith.constant 80 : i32
        %dma_start3A_96 = arith.constant 0 : i32
        %dma_start3A_97 = tpu.memref_slice %arg9[%dma_start3A_95, %dma_start3A_96] : memref<200x128xf32, #tpu.memory_space<vmem>> -> memref<80x128xf32, #tpu.memory_space<vmem>>
        %dma_start3A_98 = arith.constant 0 : i32
        %dma_start3A_99 = tpu.memref_slice %arg3[%add3A_85, %dma_start3A_98] : memref<10240x128xf32, #tpu.memory_space<hbm>> -> memref<80x128xf32, #tpu.memory_space<hbm>>
        tpu.enqueue_dma source(%dma_start3A_99 : memref<80x128xf32, #tpu.memory_space<hbm>>) target(%dma_start3A_97 : memref<80x128xf32, #tpu.memory_space<vmem>>) target_semaphore(%run_scoped3A : memref<!tpu.dma_semaphore, #tpu.memory_space<semaphore_mem>>)
        %dma_wait3A = arith.constant 80 : i32
        %dma_wait3A_100 = arith.constant 0 : i32
        %dma_wait3A_101 = tpu.memref_slice %arg9[%dma_wait3A, %dma_wait3A_100] : memref<200x128xf32, #tpu.memory_space<vmem>> -> memref<80x128xf32, #tpu.memory_space<vmem>>
        %dma_wait3A_102 = arith.constant 0 : i32
        %dma_wait3A_103 = tpu.memref_slice %arg3[%add3A_85, %dma_wait3A_102] : memref<10240x128xf32, #tpu.memory_space<hbm>> -> memref<80x128xf32, #tpu.memory_space<hbm>>
        %dma_wait3A_104 = arith.constant 80 : i32
        %dma_wait3A_105 = arith.constant 0 : i32
        %dma_wait3A_106 = tpu.memref_slice %arg9[%dma_wait3A_104, %dma_wait3A_105] : memref<200x128xf32, #tpu.memory_space<vmem>> -> memref<80x128xf32, #tpu.memory_space<vmem>>
        %dma_wait3A_107 = arith.constant 0 : i32
        %dma_wait3A_108 = tpu.memref_slice %arg3[%add3A_85, %dma_wait3A_107] : memref<10240x128xf32, #tpu.memory_space<hbm>> -> memref<80x128xf32, #tpu.memory_space<hbm>>
        tpu.wait_dma2 semaphore(%run_scoped3A : memref<!tpu.dma_semaphore, #tpu.memory_space<semaphore_mem>>) src(%dma_wait3A_108 : memref<80x128xf32, #tpu.memory_space<hbm>>) dst(%dma_wait3A_106 : memref<80x128xf32, #tpu.memory_space<vmem>>)
        tpu.yield
      }) : () -> ()
      %scan3A_86 = arith.constant 0 : i32
      %scan3A_87 = arith.constant 80 : i32
      %scan3A_88 = arith.addi %scan3A_86, %scan3A_87 : i32
      %scan3A_89 = arith.constant 1 : i32
      scf.for %scan3A_91 = %scan3A_86 to %scan3A_88 step %scan3A_89  : i32 {
        %mul3A_92 = arith.constant 1 : i32
        %mul3A_93 = arith.muli %scan3A_91, %mul3A_92 : i32
        %add3A_94 = arith.constant 0 : i32
        %add3A_95 = arith.addi %add3A_94, %mul3A_93 : i32
        %scan3A_96 = arith.constant 0 : i32
        %scan3A_97 = arith.constant 8 : i32
        %scan3A_98 = arith.addi %scan3A_96, %scan3A_97 : i32
        %scan3A_99 = arith.constant 1 : i32
        scf.for %scan3A_101 = %scan3A_96 to %scan3A_98 step %scan3A_99  : i32 {
          %mul3A_102 = arith.constant 1 : i32
          %mul3A_103 = arith.muli %scan3A_101, %mul3A_102 : i32
          %add3A_104 = arith.constant 0 : i32
          %add3A_105 = arith.addi %add3A_104, %mul3A_103 : i32
          %mul3A_106 = arith.constant 16 : i32
          %mul3A_107 = arith.muli %add3A_105, %mul3A_106 : i32
          %get3A = arith.index_cast %add3A_95 : i32 to index
          %get3A_108 = arith.index_cast %mul3A_107 : i32 to index
          %get3A_109 = tpu.vector_load %arg9[%get3A, %get3A_108] {strides = array<i32>} : memref<200x128xf32, #tpu.memory_space<vmem>>, vector<1x16xf32>,
          %get3A_110 = vector.shape_cast %get3A_109 : vector<1x16xf32> to vector<16xf32>
          %add3A_111 = arith.constant 80 : i32
          %add3A_112 = arith.addi %add3A_111, %add3A_95 : i32
          %get3A_113 = arith.index_cast %add3A_112 : i32 to index
          %get3A_114 = arith.index_cast %mul3A_107 : i32 to index
          %get3A_115 = tpu.vector_load %arg9[%get3A_113, %get3A_114] {strides = array<i32>} : memref<200x128xf32, #tpu.memory_space<vmem>>, vector<1x16xf32>,
          %get3A_116 = vector.shape_cast %get3A_115 : vector<1x16xf32> to vector<16xf32>
          %add3A_117 = arith.addf %get3A_110, %get3A_116 : vector<16xf32>
          %max3A = arith.constant 0.000000e+00 : f32
          %max3A_118 = vector.broadcast %max3A : f32 to vector<16xf32>
          %max3A_119 = arith.maximumf %add3A_117, %max3A_118 : vector<16xf32>
          %swap3A = arith.index_cast %add3A_95 : i32 to index
          %swap3A_120 = arith.index_cast %mul3A_107 : i32 to index
          %swap3A_121 = tpu.vector_load %arg9[%swap3A, %swap3A_120] {strides = array<i32>} : memref<200x128xf32, #tpu.memory_space<vmem>>, vector<1x16xf32>,
          %swap3A_122 = vector.shape_cast %swap3A_121 : vector<1x16xf32> to vector<16xf32>
          %swap3A_123 = vector.shape_cast %max3A_119 : vector<16xf32> to vector<1x16xf32>
          tpu.vector_store %arg9[%swap3A, %swap3A_120], %swap3A_123 {strides = array<i32>} : memref<200x128xf32, #tpu.memory_space<vmem>>, vector<1x16xf32>,
        }
        %scan3A_100 = arith.constant 8 : i32
      }
      %scan3A_90 = arith.constant 80 : i32
      "tpu.region"() ({
        %run_scoped3A = tpu.sem_alloc : memref<!tpu.dma_semaphore, #tpu.memory_space<semaphore_mem>>
        %dma_start3A = arith.constant 0 : i32
        %dma_start3A_91 = arith.constant 0 : i32
        %dma_start3A_92 = tpu.memref_slice %arg9[%dma_start3A, %dma_start3A_91] : memref<200x128xf32, #tpu.memory_space<vmem>> -> memref<80x128xf32, #tpu.memory_space<vmem>>
        %dma_start3A_93 = arith.constant 0 : i32
        %dma_start3A_94 = tpu.memref_slice %arg7[%arg0, %add3A_85, %dma_start3A_93] : memref<2x10240x128xf32, #tpu.memory_space<hbm>> -> memref<1x80x128xf32, #tpu.memory_space<hbm>>
        %dma_start3A_95 = tpu.memref_squeeze %dma_start3A_94 : memref<1x80x128xf32, #tpu.memory_space<hbm>> -> memref<80x128xf32, #tpu.memory_space<hbm>>
        %dma_start3A_96 = arith.constant 0 : i32
        %dma_start3A_97 = tpu.memref_slice %arg7[%arg0, %add3A_85, %dma_start3A_96] : memref<2x10240x128xf32, #tpu.memory_space<hbm>> -> memref<1x80x128xf32, #tpu.memory_space<hbm>>
        %dma_start3A_98 = tpu.memref_squeeze %dma_start3A_97 : memref<1x80x128xf32, #tpu.memory_space<hbm>> -> memref<80x128xf32, #tpu.memory_space<hbm>>
        %dma_start3A_99 = arith.constant 0 : i32
        %dma_start3A_100 = arith.constant 0 : i32
        %dma_start3A_101 = tpu.memref_slice %arg9[%dma_start3A_99, %dma_start3A_100] : memref<200x128xf32, #tpu.memory_space<vmem>> -> memref<80x128xf32, #tpu.memory_space<vmem>>
        tpu.enqueue_dma source(%dma_start3A_101 : memref<80x128xf32, #tpu.memory_space<vmem>>) target(%dma_start3A_98 : memref<80x128xf32, #tpu.memory_space<hbm>>) target_semaphore(%run_scoped3A : memref<!tpu.dma_semaphore, #tpu.memory_space<semaphore_mem>>)
        %dma_wait3A = arith.constant 0 : i32
        %dma_wait3A_102 = arith.constant 0 : i32
        %dma_wait3A_103 = tpu.memref_slice %arg9[%dma_wait3A, %dma_wait3A_102] : memref<200x128xf32, #tpu.memory_space<vmem>> -> memref<80x128xf32, #tpu.memory_space<vmem>>
        %dma_wait3A_104 = arith.constant 0 : i32
        %dma_wait3A_105 = tpu.memref_slice %arg7[%arg0, %add3A_85, %dma_wait3A_104] : memref<2x10240x128xf32, #tpu.memory_space<hbm>> -> memref<1x80x128xf32, #tpu.memory_space<hbm>>
        %dma_wait3A_106 = tpu.memref_squeeze %dma_wait3A_105 : memref<1x80x128xf32, #tpu.memory_space<hbm>> -> memref<80x128xf32, #tpu.memory_space<hbm>>
        %dma_wait3A_107 = arith.constant 0 : i32
        %dma_wait3A_108 = tpu.memref_slice %arg7[%arg0, %add3A_85, %dma_wait3A_107] : memref<2x10240x128xf32, #tpu.memory_space<hbm>> -> memref<1x80x128xf32, #tpu.memory_space<hbm>>
        %dma_wait3A_109 = tpu.memref_squeeze %dma_wait3A_108 : memref<1x80x128xf32, #tpu.memory_space<hbm>> -> memref<80x128xf32, #tpu.memory_space<hbm>>
        %dma_wait3A_110 = arith.constant 0 : i32
        %dma_wait3A_111 = arith.constant 0 : i32
        %dma_wait3A_112 = tpu.memref_slice %arg9[%dma_wait3A_110, %dma_wait3A_111] : memref<200x128xf32, #tpu.memory_space<vmem>> -> memref<80x128xf32, #tpu.memory_space<vmem>>
        tpu.wait_dma2 semaphore(%run_scoped3A : memref<!tpu.dma_semaphore, #tpu.memory_space<semaphore_mem>>) src(%dma_wait3A_112 : memref<80x128xf32, #tpu.memory_space<vmem>>) dst(%dma_wait3A_109 : memref<80x128xf32, #tpu.memory_space<hbm>>)
        tpu.yield
      }) : () -> ()
    }
    %scan3A_31 = arith.constant 8 : i32
    %scan3A_32 = arith.constant 0 : i32
    %scan3A_33 = arith.constant 200 : i32
    %scan3A_34 = arith.addi %scan3A_32, %scan3A_33 : i32
    %scan3A_35 = arith.constant 1 : i32
    scf.for %scan3A_76 = %scan3A_32 to %scan3A_34 step %scan3A_35  : i32 {
      %mul3A_77 = arith.constant 1 : i32
      %mul3A_78 = arith.muli %scan3A_76, %mul3A_77 : i32
      %add3A_79 = arith.constant 0 : i32
      %add3A_80 = arith.addi %add3A_79, %mul3A_78 : i32
      %scan3A_81 = arith.constant 0 : i32
      %scan3A_82 = arith.constant 8 : i32
      %scan3A_83 = arith.addi %scan3A_81, %scan3A_82 : i32
      %scan3A_84 = arith.constant 1 : i32
      scf.for %scan3A_86 = %scan3A_81 to %scan3A_83 step %scan3A_84  : i32 {
        %mul3A_87 = arith.constant 1 : i32
        %mul3A_88 = arith.muli %scan3A_86, %mul3A_87 : i32
        %add3A_89 = arith.constant 0 : i32
        %add3A_90 = arith.addi %add3A_89, %mul3A_88 : i32
        %broadcast_in_dim3A = arith.constant 0.000000e+00 : f32
        %broadcast_in_dim3A_91 = vector.broadcast %broadcast_in_dim3A : f32 to vector<16xf32>
        %mul3A_92 = arith.constant 16 : i32
        %mul3A_93 = arith.muli %add3A_90, %mul3A_92 : i32
        %swap3A = arith.index_cast %add3A_80 : i32 to index
        %swap3A_94 = arith.index_cast %mul3A_93 : i32 to index
        %swap3A_95 = tpu.vector_load %arg9[%swap3A, %swap3A_94] {strides = array<i32>} : memref<200x128xf32, #tpu.memory_space<vmem>>, vector<1x16xf32>,
        %swap3A_96 = vector.shape_cast %swap3A_95 : vector<1x16xf32> to vector<16xf32>
        %swap3A_97 = vector.shape_cast %broadcast_in_dim3A_91 : vector<16xf32> to vector<1x16xf32>
        tpu.vector_store %arg9[%swap3A, %swap3A_94], %swap3A_97 {strides = array<i32>} : memref<200x128xf32, #tpu.memory_space<vmem>>, vector<1x16xf32>,
      }
      %scan3A_85 = arith.constant 8 : i32
    }
    %scan3A_36 = arith.constant 200 : i32
    %mul3A_37 = arith.constant 640 : i32
    %mul3A_38 = arith.muli %arg1, %mul3A_37 : i32
    %add3A_39 = arith.constant 0 : i32
    %add3A_40 = arith.addi %mul3A_38, %add3A_39 : i32
    "tpu.region"() ({
      %run_scoped3A = tpu.sem_alloc : memref<!tpu.dma_semaphore, #tpu.memory_space<semaphore_mem>>
      %dma_start3A = arith.constant 0 : i32
      %dma_start3A_76 = arith.constant 0 : i32
      %dma_start3A_77 = tpu.memref_slice %arg9[%dma_start3A, %dma_start3A_76] : memref<200x128xf32, #tpu.memory_space<vmem>> -> memref<200x128xf32, #tpu.memory_space<vmem>>
      %dma_start3A_78 = arith.constant 0 : i32
      %dma_start3A_79 = tpu.memref_slice %arg12[%add3A_40, %dma_start3A_78] : memref<10240x128xf32, #tpu.memory_space<vmem_shared>> -> memref<200x128xf32, #tpu.memory_space<vmem_shared>>
      %dma_start3A_80 = arith.constant 0 : i32
      %dma_start3A_81 = tpu.memref_slice %arg12[%add3A_40, %dma_start3A_80] : memref<10240x128xf32, #tpu.memory_space<vmem_shared>> -> memref<200x128xf32, #tpu.memory_space<vmem_shared>>
      %dma_start3A_82 = arith.constant 0 : i32
      %dma_start3A_83 = arith.constant 0 : i32
      %dma_start3A_84 = tpu.memref_slice %arg9[%dma_start3A_82, %dma_start3A_83] : memref<200x128xf32, #tpu.memory_space<vmem>> -> memref<200x128xf32, #tpu.memory_space<vmem>>
      tpu.enqueue_dma source(%dma_start3A_84 : memref<200x128xf32, #tpu.memory_space<vmem>>) target(%dma_start3A_81 : memref<200x128xf32, #tpu.memory_space<vmem_shared>>) target_semaphore(%run_scoped3A : memref<!tpu.dma_semaphore, #tpu.memory_space<semaphore_mem>>)
      %dma_wait3A = arith.constant 0 : i32
      %dma_wait3A_85 = arith.constant 0 : i32
      %dma_wait3A_86 = tpu.memref_slice %arg9[%dma_wait3A, %dma_wait3A_85] : memref<200x128xf32, #tpu.memory_space<vmem>> -> memref<200x128xf32, #tpu.memory_space<vmem>>
      %dma_wait3A_87 = arith.constant 0 : i32
      %dma_wait3A_88 = tpu.memref_slice %arg12[%add3A_40, %dma_wait3A_87] : memref<10240x128xf32, #tpu.memory_space<vmem_shared>> -> memref<200x128xf32, #tpu.memory_space<vmem_shared>>
      %dma_wait3A_89 = arith.constant 0 : i32
      %dma_wait3A_90 = tpu.memref_slice %arg12[%add3A_40, %dma_wait3A_89] : memref<10240x128xf32, #tpu.memory_space<vmem_shared>> -> memref<200x128xf32, #tpu.memory_space<vmem_shared>>
      %dma_wait3A_91 = arith.constant 0 : i32
      %dma_wait3A_92 = arith.constant 0 : i32
      %dma_wait3A_93 = tpu.memref_slice %arg9[%dma_wait3A_91, %dma_wait3A_92] : memref<200x128xf32, #tpu.memory_space<vmem>> -> memref<200x128xf32, #tpu.memory_space<vmem>>
      tpu.wait_dma2 semaphore(%run_scoped3A : memref<!tpu.dma_semaphore, #tpu.memory_space<semaphore_mem>>) src(%dma_wait3A_93 : memref<200x128xf32, #tpu.memory_space<vmem>>) dst(%dma_wait3A_90 : memref<200x128xf32, #tpu.memory_space<vmem_shared>>)
      tpu.yield
    }) : () -> ()
    %mul3A_41 = arith.constant 640 : i32
    %mul3A_42 = arith.muli %arg1, %mul3A_41 : i32
    %add3A_43 = arith.constant 200 : i32
    %add3A_44 = arith.addi %mul3A_42, %add3A_43 : i32
    "tpu.region"() ({
      %run_scoped3A = tpu.sem_alloc : memref<!tpu.dma_semaphore, #tpu.memory_space<semaphore_mem>>
      %dma_start3A = arith.constant 0 : i32
      %dma_start3A_76 = arith.constant 0 : i32
      %dma_start3A_77 = tpu.memref_slice %arg9[%dma_start3A, %dma_start3A_76] : memref<200x128xf32, #tpu.memory_space<vmem>> -> memref<200x128xf32, #tpu.memory_space<vmem>>
      %dma_start3A_78 = arith.constant 0 : i32
      %dma_start3A_79 = tpu.memref_slice %arg12[%add3A_44, %dma_start3A_78] : memref<10240x128xf32, #tpu.memory_space<vmem_shared>> -> memref<200x128xf32, #tpu.memory_space<vmem_shared>>
      %dma_start3A_80 = arith.constant 0 : i32
      %dma_start3A_81 = tpu.memref_slice %arg12[%add3A_44, %dma_start3A_80] : memref<10240x128xf32, #tpu.memory_space<vmem_shared>> -> memref<200x128xf32, #tpu.memory_space<vmem_shared>>
      %dma_start3A_82 = arith.constant 0 : i32
      %dma_start3A_83 = arith.constant 0 : i32
      %dma_start3A_84 = tpu.memref_slice %arg9[%dma_start3A_82, %dma_start3A_83] : memref<200x128xf32, #tpu.memory_space<vmem>> -> memref<200x128xf32, #tpu.memory_space<vmem>>
      tpu.enqueue_dma source(%dma_start3A_84 : memref<200x128xf32, #tpu.memory_space<vmem>>) target(%dma_start3A_81 : memref<200x128xf32, #tpu.memory_space<vmem_shared>>) target_semaphore(%run_scoped3A : memref<!tpu.dma_semaphore, #tpu.memory_space<semaphore_mem>>)
      %dma_wait3A = arith.constant 0 : i32
      %dma_wait3A_85 = arith.constant 0 : i32
      %dma_wait3A_86 = tpu.memref_slice %arg9[%dma_wait3A, %dma_wait3A_85] : memref<200x128xf32, #tpu.memory_space<vmem>> -> memref<200x128xf32, #tpu.memory_space<vmem>>
      %dma_wait3A_87 = arith.constant 0 : i32
      %dma_wait3A_88 = tpu.memref_slice %arg12[%add3A_44, %dma_wait3A_87] : memref<10240x128xf32, #tpu.memory_space<vmem_shared>> -> memref<200x128xf32, #tpu.memory_space<vmem_shared>>
      %dma_wait3A_89 = arith.constant 0 : i32
      %dma_wait3A_90 = tpu.memref_slice %arg12[%add3A_44, %dma_wait3A_89] : memref<10240x128xf32, #tpu.memory_space<vmem_shared>> -> memref<200x128xf32, #tpu.memory_space<vmem_shared>>
      %dma_wait3A_91 = arith.constant 0 : i32
      %dma_wait3A_92 = arith.constant 0 : i32
      %dma_wait3A_93 = tpu.memref_slice %arg9[%dma_wait3A_91, %dma_wait3A_92] : memref<200x128xf32, #tpu.memory_space<vmem>> -> memref<200x128xf32, #tpu.memory_space<vmem>>
      tpu.wait_dma2 semaphore(%run_scoped3A : memref<!tpu.dma_semaphore, #tpu.memory_space<semaphore_mem>>) src(%dma_wait3A_93 : memref<200x128xf32, #tpu.memory_space<vmem>>) dst(%dma_wait3A_90 : memref<200x128xf32, #tpu.memory_space<vmem_shared>>)
      tpu.yield
    }) : () -> ()
    %mul3A_45 = arith.constant 640 : i32
    %mul3A_46 = arith.muli %arg1, %mul3A_45 : i32
    %add3A_47 = arith.constant 400 : i32
    %add3A_48 = arith.addi %mul3A_46, %add3A_47 : i32
    "tpu.region"() ({
      %run_scoped3A = tpu.sem_alloc : memref<!tpu.dma_semaphore, #tpu.memory_space<semaphore_mem>>
      %dma_start3A = arith.constant 0 : i32
      %dma_start3A_76 = arith.constant 0 : i32
      %dma_start3A_77 = tpu.memref_slice %arg9[%dma_start3A, %dma_start3A_76] : memref<200x128xf32, #tpu.memory_space<vmem>> -> memref<200x128xf32, #tpu.memory_space<vmem>>
      %dma_start3A_78 = arith.constant 0 : i32
      %dma_start3A_79 = tpu.memref_slice %arg12[%add3A_48, %dma_start3A_78] : memref<10240x128xf32, #tpu.memory_space<vmem_shared>> -> memref<200x128xf32, #tpu.memory_space<vmem_shared>>
      %dma_start3A_80 = arith.constant 0 : i32
      %dma_start3A_81 = tpu.memref_slice %arg12[%add3A_48, %dma_start3A_80] : memref<10240x128xf32, #tpu.memory_space<vmem_shared>> -> memref<200x128xf32, #tpu.memory_space<vmem_shared>>
      %dma_start3A_82 = arith.constant 0 : i32
      %dma_start3A_83 = arith.constant 0 : i32
      %dma_start3A_84 = tpu.memref_slice %arg9[%dma_start3A_82, %dma_start3A_83] : memref<200x128xf32, #tpu.memory_space<vmem>> -> memref<200x128xf32, #tpu.memory_space<vmem>>
      tpu.enqueue_dma source(%dma_start3A_84 : memref<200x128xf32, #tpu.memory_space<vmem>>) target(%dma_start3A_81 : memref<200x128xf32, #tpu.memory_space<vmem_shared>>) target_semaphore(%run_scoped3A : memref<!tpu.dma_semaphore, #tpu.memory_space<semaphore_mem>>)
      %dma_wait3A = arith.constant 0 : i32
      %dma_wait3A_85 = arith.constant 0 : i32
      %dma_wait3A_86 = tpu.memref_slice %arg9[%dma_wait3A, %dma_wait3A_85] : memref<200x128xf32, #tpu.memory_space<vmem>> -> memref<200x128xf32, #tpu.memory_space<vmem>>
      %dma_wait3A_87 = arith.constant 0 : i32
      %dma_wait3A_88 = tpu.memref_slice %arg12[%add3A_48, %dma_wait3A_87] : memref<10240x128xf32, #tpu.memory_space<vmem_shared>> -> memref<200x128xf32, #tpu.memory_space<vmem_shared>>
      %dma_wait3A_89 = arith.constant 0 : i32
      %dma_wait3A_90 = tpu.memref_slice %arg12[%add3A_48, %dma_wait3A_89] : memref<10240x128xf32, #tpu.memory_space<vmem_shared>> -> memref<200x128xf32, #tpu.memory_space<vmem_shared>>
      %dma_wait3A_91 = arith.constant 0 : i32
      %dma_wait3A_92 = arith.constant 0 : i32
      %dma_wait3A_93 = tpu.memref_slice %arg9[%dma_wait3A_91, %dma_wait3A_92] : memref<200x128xf32, #tpu.memory_space<vmem>> -> memref<200x128xf32, #tpu.memory_space<vmem>>
      tpu.wait_dma2 semaphore(%run_scoped3A : memref<!tpu.dma_semaphore, #tpu.memory_space<semaphore_mem>>) src(%dma_wait3A_93 : memref<200x128xf32, #tpu.memory_space<vmem>>) dst(%dma_wait3A_90 : memref<200x128xf32, #tpu.memory_space<vmem_shared>>)
      tpu.yield
    }) : () -> ()
    %mul3A_49 = arith.constant 640 : i32
    %mul3A_50 = arith.muli %arg1, %mul3A_49 : i32
    %add3A_51 = arith.constant 600 : i32
    %add3A_52 = arith.addi %mul3A_50, %add3A_51 : i32
    "tpu.region"() ({
      %run_scoped3A = tpu.sem_alloc : memref<!tpu.dma_semaphore, #tpu.memory_space<semaphore_mem>>
      %dma_start3A = arith.constant 0 : i32
      %dma_start3A_76 = arith.constant 0 : i32
      %dma_start3A_77 = tpu.memref_slice %arg9[%dma_start3A, %dma_start3A_76] : memref<200x128xf32, #tpu.memory_space<vmem>> -> memref<40x128xf32, #tpu.memory_space<vmem>>
      %dma_start3A_78 = arith.constant 0 : i32
      %dma_start3A_79 = tpu.memref_slice %arg12[%add3A_52, %dma_start3A_78] : memref<10240x128xf32, #tpu.memory_space<vmem_shared>> -> memref<40x128xf32, #tpu.memory_space<vmem_shared>>
      %dma_start3A_80 = arith.constant 0 : i32
      %dma_start3A_81 = tpu.memref_slice %arg12[%add3A_52, %dma_start3A_80] : memref<10240x128xf32, #tpu.memory_space<vmem_shared>> -> memref<40x128xf32, #tpu.memory_space<vmem_shared>>
      %dma_start3A_82 = arith.constant 0 : i32
      %dma_start3A_83 = arith.constant 0 : i32
      %dma_start3A_84 = tpu.memref_slice %arg9[%dma_start3A_82, %dma_start3A_83] : memref<200x128xf32, #tpu.memory_space<vmem>> -> memref<40x128xf32, #tpu.memory_space<vmem>>
      tpu.enqueue_dma source(%dma_start3A_84 : memref<40x128xf32, #tpu.memory_space<vmem>>) target(%dma_start3A_81 : memref<40x128xf32, #tpu.memory_space<vmem_shared>>) target_semaphore(%run_scoped3A : memref<!tpu.dma_semaphore, #tpu.memory_space<semaphore_mem>>)
      %dma_wait3A = arith.constant 0 : i32
      %dma_wait3A_85 = arith.constant 0 : i32
      %dma_wait3A_86 = tpu.memref_slice %arg9[%dma_wait3A, %dma_wait3A_85] : memref<200x128xf32, #tpu.memory_space<vmem>> -> memref<40x128xf32, #tpu.memory_space<vmem>>
      %dma_wait3A_87 = arith.constant 0 : i32
      %dma_wait3A_88 = tpu.memref_slice %arg12[%add3A_52, %dma_wait3A_87] : memref<10240x128xf32, #tpu.memory_space<vmem_shared>> -> memref<40x128xf32, #tpu.memory_space<vmem_shared>>
      %dma_wait3A_89 = arith.constant 0 : i32
      %dma_wait3A_90 = tpu.memref_slice %arg12[%add3A_52, %dma_wait3A_89] : memref<10240x128xf32, #tpu.memory_space<vmem_shared>> -> memref<40x128xf32, #tpu.memory_space<vmem_shared>>
      %dma_wait3A_91 = arith.constant 0 : i32
      %dma_wait3A_92 = arith.constant 0 : i32
      %dma_wait3A_93 = tpu.memref_slice %arg9[%dma_wait3A_91, %dma_wait3A_92] : memref<200x128xf32, #tpu.memory_space<vmem>> -> memref<40x128xf32, #tpu.memory_space<vmem>>
      tpu.wait_dma2 semaphore(%run_scoped3A : memref<!tpu.dma_semaphore, #tpu.memory_space<semaphore_mem>>) src(%dma_wait3A_93 : memref<40x128xf32, #tpu.memory_space<vmem>>) dst(%dma_wait3A_90 : memref<40x128xf32, #tpu.memory_space<vmem_shared>>)
      tpu.yield
    }) : () -> ()
    %barrier3A_53 = arith.constant 0 : index
    tpu.barrier barrier_id(%barrier3A_53)
    %scan3A_54 = arith.constant 0 : i32
    %scan3A_55 = arith.constant 2 : i32
    %scan3A_56 = arith.addi %scan3A_54, %scan3A_55 : i32
    %scan3A_57 = arith.constant 1 : i32
    scf.for %scan3A_76 = %scan3A_54 to %scan3A_56 step %scan3A_57  : i32 {
      %mul3A_77 = arith.constant 1 : i32
      %mul3A_78 = arith.muli %scan3A_76, %mul3A_77 : i32
      %add3A_79 = arith.constant 0 : i32
      %add3A_80 = arith.addi %add3A_79, %mul3A_78 : i32
      %mul3A_81 = arith.constant 10000 : i32
      %mul3A_82 = arith.muli %add3A, %mul3A_81 : i32
      %mul3A_83 = arith.constant 5000 : i32
      %mul3A_84 = arith.muli %add3A_80, %mul3A_83 : i32
      %add3A_85 = arith.addi %mul3A_82, %mul3A_84 : i32
      "tpu.region"() ({
        %run_scoped3A = tpu.sem_alloc : memref<!tpu.dma_semaphore, #tpu.memory_space<semaphore_mem>>
        %dma_start3A_209 = tpu.memref_slice %arg4[%add3A_85] : memref<320000xi32, #tpu.memory_space<hbm>> -> memref<5000xi32, #tpu.memory_space<hbm>>
        %dma_start3A_210 = tpu.memref_slice %arg4[%add3A_85] : memref<320000xi32, #tpu.memory_space<hbm>> -> memref<5000xi32, #tpu.memory_space<hbm>>
        tpu.enqueue_dma source(%dma_start3A_210 : memref<5000xi32, #tpu.memory_space<hbm>>) target(%arg10 : memref<5000xi32, #tpu.memory_space<vmem>>) target_semaphore(%run_scoped3A : memref<!tpu.dma_semaphore, #tpu.memory_space<semaphore_mem>>)
        %dma_wait3A_211 = tpu.memref_slice %arg4[%add3A_85] : memref<320000xi32, #tpu.memory_space<hbm>> -> memref<5000xi32, #tpu.memory_space<hbm>>
        %dma_wait3A_212 = tpu.memref_slice %arg4[%add3A_85] : memref<320000xi32, #tpu.memory_space<hbm>> -> memref<5000xi32, #tpu.memory_space<hbm>>
        tpu.wait_dma2 semaphore(%run_scoped3A : memref<!tpu.dma_semaphore, #tpu.memory_space<semaphore_mem>>) src(%dma_wait3A_212 : memref<5000xi32, #tpu.memory_space<hbm>>) dst(%arg10 : memref<5000xi32, #tpu.memory_space<vmem>>)
        tpu.yield
      }) : () -> ()
      "tpu.region"() ({
        %run_scoped3A = tpu.sem_alloc : memref<!tpu.dma_semaphore, #tpu.memory_space<semaphore_mem>>
        %dma_start3A_209 = arith.constant 0 : i32
        %dma_start3A_210 = arith.constant 0 : i32
        %dma_start3A_211 = arith.constant 0 : i32
        %dma_start3A_212 = tpu.memref_slice %arg6[%add3A, %add3A_80, %dma_start3A_209, %dma_start3A_210, %dma_start3A_211] : memref<32x2x125x1x40xi32, #tpu.memory_space<hbm>> -> memref<1x1x125x1x40xi32, #tpu.memory_space<hbm>>
        %dma_start3A_213 = tpu.memref_squeeze %dma_start3A_212 : memref<1x1x125x1x40xi32, #tpu.memory_space<hbm>> -> memref<125x1x40xi32, #tpu.memory_space<hbm>>
        %dma_start3A_214 = arith.constant 0 : i32
        %dma_start3A_215 = arith.constant 0 : i32
        %dma_start3A_216 = arith.constant 0 : i32
        %dma_start3A_217 = tpu.memref_slice %arg6[%add3A, %add3A_80, %dma_start3A_214, %dma_start3A_215, %dma_start3A_216] : memref<32x2x125x1x40xi32, #tpu.memory_space<hbm>> -> memref<1x1x125x1x40xi32, #tpu.memory_space<hbm>>
        %dma_start3A_218 = tpu.memref_squeeze %dma_start3A_217 : memref<1x1x125x1x40xi32, #tpu.memory_space<hbm>> -> memref<125x1x40xi32, #tpu.memory_space<hbm>>
        tpu.enqueue_dma source(%dma_start3A_218 : memref<125x1x40xi32, #tpu.memory_space<hbm>>) target(%arg11 : memref<125x1x40xi32, #tpu.memory_space<vmem>>) target_semaphore(%run_scoped3A : memref<!tpu.dma_semaphore, #tpu.memory_space<semaphore_mem>>)
        %dma_wait3A_219 = arith.constant 0 : i32
        %dma_wait3A_220 = arith.constant 0 : i32
        %dma_wait3A_221 = arith.constant 0 : i32
        %dma_wait3A_222 = tpu.memref_slice %arg6[%add3A, %add3A_80, %dma_wait3A_219, %dma_wait3A_220, %dma_wait3A_221] : memref<32x2x125x1x40xi32, #tpu.memory_space<hbm>> -> memref<1x1x125x1x40xi32, #tpu.memory_space<hbm>>
        %dma_wait3A_223 = tpu.memref_squeeze %dma_wait3A_222 : memref<1x1x125x1x40xi32, #tpu.memory_space<hbm>> -> memref<125x1x40xi32, #tpu.memory_space<hbm>>
        %dma_wait3A_224 = arith.constant 0 : i32
        %dma_wait3A_225 = arith.constant 0 : i32
        %dma_wait3A_226 = arith.constant 0 : i32
        %dma_wait3A_227 = tpu.memref_slice %arg6[%add3A, %add3A_80, %dma_wait3A_224, %dma_wait3A_225, %dma_wait3A_226] : memref<32x2x125x1x40xi32, #tpu.memory_space<hbm>> -> memref<1x1x125x1x40xi32, #tpu.memory_space<hbm>>
        %dma_wait3A_228 = tpu.memref_squeeze %dma_wait3A_227 : memref<1x1x125x1x40xi32, #tpu.memory_space<hbm>> -> memref<125x1x40xi32, #tpu.memory_space<hbm>>
        tpu.wait_dma2 semaphore(%run_scoped3A : memref<!tpu.dma_semaphore, #tpu.memory_space<semaphore_mem>>) src(%dma_wait3A_228 : memref<125x1x40xi32, #tpu.memory_space<hbm>>) dst(%arg11 : memref<125x1x40xi32, #tpu.memory_space<vmem>>)
        tpu.yield
      }) : () -> ()
      %dma_start3A = arith.constant 0 : i32
      %dma_start3A_86 = arith.constant 0 : i32
      %dma_start3A_87 = arith.constant 0 : i32
      %dma_start3A_88 = tpu.memref_slice %arg9[%dma_start3A_86, %dma_start3A_87] : memref<200x128xf32, #tpu.memory_space<vmem>> -> memref<40x128xf32, #tpu.memory_space<vmem>>
      %dma_start3A_89 = arith.constant 0 : i32
      %dma_start3A_90 = tpu.memref_slice %arg10[%dma_start3A_89] : memref<5000xi32, #tpu.memory_space<vmem>> -> memref<40xi32, #tpu.memory_space<vmem>>
      %dma_start3A_91 = arith.constant 0 : i32
      %dma_start3A_92 = arith.constant 0 : i32
      %dma_start3A_93 = tpu.memref_slice %arg7[%arg0, %dma_start3A_91, %dma_start3A_92] : memref<2x10240x128xf32, #tpu.memory_space<hbm>> -> memref<1x10240x128xf32, #tpu.memory_space<hbm>>
      %dma_start3A_94 = tpu.memref_squeeze %dma_start3A_93 : memref<1x10240x128xf32, #tpu.memory_space<hbm>> -> memref<10240x128xf32, #tpu.memory_space<hbm>>
      %dma_start3A_95 = arith.constant 0 : i32
      %dma_start3A_96 = arith.constant 0 : i32
      %dma_start3A_97 = tpu.memref_slice %dma_start3A_94[%dma_start3A_95, %dma_start3A_96] : memref<10240x128xf32, #tpu.memory_space<hbm>> -> memref<10240x128xf32, #tpu.memory_space<hbm>>
      %dma_start3A_98 = tpu.memref_slice %arg13[%dma_start3A] : memref<5x!tpu.dma_semaphore, #tpu.memory_space<semaphore_mem>> -> memref<1x!tpu.dma_semaphore, #tpu.memory_space<semaphore_mem>>
      %dma_start3A_99 = tpu.memref_squeeze %dma_start3A_98 : memref<1x!tpu.dma_semaphore, #tpu.memory_space<semaphore_mem>> -> memref<!tpu.dma_semaphore, #tpu.memory_space<semaphore_mem>>
      tpu.enqueue_indirect_dma source(%dma_start3A_97 : memref<10240x128xf32, #tpu.memory_space<hbm>>) target(%dma_start3A_88 : memref<40x128xf32, #tpu.memory_space<vmem>>) offsets(%dma_start3A_90 : memref<40xi32, #tpu.memory_space<vmem>>) semaphore(%dma_start3A_99 : memref<!tpu.dma_semaphore, #tpu.memory_space<semaphore_mem>>)
      %dma_start3A_100 = arith.constant 1 : i32
      %dma_start3A_101 = arith.constant 40 : i32
      %dma_start3A_102 = arith.constant 0 : i32
      %dma_start3A_103 = tpu.memref_slice %arg9[%dma_start3A_101, %dma_start3A_102] : memref<200x128xf32, #tpu.memory_space<vmem>> -> memref<40x128xf32, #tpu.memory_space<vmem>>
      %dma_start3A_104 = arith.constant 40 : i32
      %dma_start3A_105 = tpu.memref_slice %arg10[%dma_start3A_104] : memref<5000xi32, #tpu.memory_space<vmem>> -> memref<40xi32, #tpu.memory_space<vmem>>
      %dma_start3A_106 = arith.constant 0 : i32
      %dma_start3A_107 = arith.constant 0 : i32
      %dma_start3A_108 = tpu.memref_slice %arg7[%arg0, %dma_start3A_106, %dma_start3A_107] : memref<2x10240x128xf32, #tpu.memory_space<hbm>> -> memref<1x10240x128xf32, #tpu.memory_space<hbm>>
      %dma_start3A_109 = tpu.memref_squeeze %dma_start3A_108 : memref<1x10240x128xf32, #tpu.memory_space<hbm>> -> memref<10240x128xf32, #tpu.memory_space<hbm>>
      %dma_start3A_110 = arith.constant 0 : i32
      %dma_start3A_111 = arith.constant 0 : i32
      %dma_start3A_112 = tpu.memref_slice %dma_start3A_109[%dma_start3A_110, %dma_start3A_111] : memref<10240x128xf32, #tpu.memory_space<hbm>> -> memref<10240x128xf32, #tpu.memory_space<hbm>>
      %dma_start3A_113 = tpu.memref_slice %arg13[%dma_start3A_100] : memref<5x!tpu.dma_semaphore, #tpu.memory_space<semaphore_mem>> -> memref<1x!tpu.dma_semaphore, #tpu.memory_space<semaphore_mem>>
      %dma_start3A_114 = tpu.memref_squeeze %dma_start3A_113 : memref<1x!tpu.dma_semaphore, #tpu.memory_space<semaphore_mem>> -> memref<!tpu.dma_semaphore, #tpu.memory_space<semaphore_mem>>
      tpu.enqueue_indirect_dma source(%dma_start3A_112 : memref<10240x128xf32, #tpu.memory_space<hbm>>) target(%dma_start3A_103 : memref<40x128xf32, #tpu.memory_space<vmem>>) offsets(%dma_start3A_105 : memref<40xi32, #tpu.memory_space<vmem>>) semaphore(%dma_start3A_114 : memref<!tpu.dma_semaphore, #tpu.memory_space<semaphore_mem>>)
      %dma_start3A_115 = arith.constant 2 : i32
      %dma_start3A_116 = arith.constant 80 : i32
      %dma_start3A_117 = arith.constant 0 : i32
      %dma_start3A_118 = tpu.memref_slice %arg9[%dma_start3A_116, %dma_start3A_117] : memref<200x128xf32, #tpu.memory_space<vmem>> -> memref<40x128xf32, #tpu.memory_space<vmem>>
      %dma_start3A_119 = arith.constant 80 : i32
      %dma_start3A_120 = tpu.memref_slice %arg10[%dma_start3A_119] : memref<5000xi32, #tpu.memory_space<vmem>> -> memref<40xi32, #tpu.memory_space<vmem>>
      %dma_start3A_121 = arith.constant 0 : i32
      %dma_start3A_122 = arith.constant 0 : i32
      %dma_start3A_123 = tpu.memref_slice %arg7[%arg0, %dma_start3A_121, %dma_start3A_122] : memref<2x10240x128xf32, #tpu.memory_space<hbm>> -> memref<1x10240x128xf32, #tpu.memory_space<hbm>>
      %dma_start3A_124 = tpu.memref_squeeze %dma_start3A_123 : memref<1x10240x128xf32, #tpu.memory_space<hbm>> -> memref<10240x128xf32, #tpu.memory_space<hbm>>
      %dma_start3A_125 = arith.constant 0 : i32
      %dma_start3A_126 = arith.constant 0 : i32
      %dma_start3A_127 = tpu.memref_slice %dma_start3A_124[%dma_start3A_125, %dma_start3A_126] : memref<10240x128xf32, #tpu.memory_space<hbm>> -> memref<10240x128xf32, #tpu.memory_space<hbm>>
      %dma_start3A_128 = tpu.memref_slice %arg13[%dma_start3A_115] : memref<5x!tpu.dma_semaphore, #tpu.memory_space<semaphore_mem>> -> memref<1x!tpu.dma_semaphore, #tpu.memory_space<semaphore_mem>>
      %dma_start3A_129 = tpu.memref_squeeze %dma_start3A_128 : memref<1x!tpu.dma_semaphore, #tpu.memory_space<semaphore_mem>> -> memref<!tpu.dma_semaphore, #tpu.memory_space<semaphore_mem>>
      tpu.enqueue_indirect_dma source(%dma_start3A_127 : memref<10240x128xf32, #tpu.memory_space<hbm>>) target(%dma_start3A_118 : memref<40x128xf32, #tpu.memory_space<vmem>>) offsets(%dma_start3A_120 : memref<40xi32, #tpu.memory_space<vmem>>) semaphore(%dma_start3A_129 : memref<!tpu.dma_semaphore, #tpu.memory_space<semaphore_mem>>)
      %scan3A_130 = arith.constant 0 : i32
      %scan3A_131 = arith.constant 25 : i32
      %scan3A_132 = arith.addi %scan3A_130, %scan3A_131 : i32
      %scan3A_133 = arith.constant 1 : i32
      scf.for %scan3A_209 = %scan3A_130 to %scan3A_132 step %scan3A_133  : i32 {
        %mul3A_210 = arith.constant 1 : i32
        %mul3A_211 = arith.muli %scan3A_209, %mul3A_210 : i32
        %add3A_212 = arith.constant 0 : i32
        %add3A_213 = arith.addi %add3A_212, %mul3A_211 : i32
        %mul3A_214 = arith.constant 5 : i32
        %mul3A_215 = arith.muli %add3A_213, %mul3A_214 : i32
        %add3A_216 = arith.constant 0 : i32
        %add3A_217 = arith.addi %mul3A_215, %add3A_216 : i32
        %ge3A = arith.constant 2 : i32
        %ge3A_218 = arith.cmpi sge, %add3A_217, %ge3A : i32
        %add3A_219 = arith.constant 3 : i32
        %add3A_220 = arith.addi %add3A_217, %add3A_219 : i32
        %lt3A = arith.constant 125 : i32
        %lt3A_221 = arith.cmpi slt, %add3A_220, %lt3A : i32
        %and3A = arith.andi %ge3A_218, %lt3A_221 : i1
        %convert_element_type3A = arith.extui %and3A : i1 to i32
        %cond3A = arith.constant 0 : i32
        %cond3A_222 = arith.cmpi ne, %convert_element_type3A, %cond3A : i32
        scf.if %cond3A_222 {
          %dma_wait3A_454 = arith.constant 3 : i32
          %dma_wait3A_455 = arith.constant 120 : i32
          %dma_wait3A_456 = arith.constant 0 : i32
          %dma_wait3A_457 = tpu.memref_slice %arg9[%dma_wait3A_455, %dma_wait3A_456] : memref<200x128xf32, #tpu.memory_space<vmem>> -> memref<40x128xf32, #tpu.memory_space<vmem>>
          %dma_wait3A_458 = arith.constant 0 : i32
          %dma_wait3A_459 = arith.constant 0 : i32
          %dma_wait3A_460 = tpu.memref_slice %arg12[%dma_wait3A_458, %dma_wait3A_459] : memref<10240x128xf32, #tpu.memory_space<vmem_shared>> -> memref<40x128xf32, #tpu.memory_space<vmem_shared>>
          %dma_wait3A_461 = tpu.memref_slice %arg14[%dma_wait3A_454] : memref<5x!tpu.dma_semaphore, #tpu.memory_space<semaphore_mem>> -> memref<1x!tpu.dma_semaphore, #tpu.memory_space<semaphore_mem>>
          %dma_wait3A_462 = tpu.memref_squeeze %dma_wait3A_461 : memref<1x!tpu.dma_semaphore, #tpu.memory_space<semaphore_mem>> -> memref<!tpu.dma_semaphore, #tpu.memory_space<semaphore_mem>>
          %dma_wait3A_463 = arith.constant 0 : i32
          %dma_wait3A_464 = arith.constant 0 : i32
          %dma_wait3A_465 = tpu.memref_slice %arg12[%dma_wait3A_463, %dma_wait3A_464] : memref<10240x128xf32, #tpu.memory_space<vmem_shared>> -> memref<40x128xf32, #tpu.memory_space<vmem_shared>>
          %dma_wait3A_466 = arith.constant 120 : i32
          %dma_wait3A_467 = arith.constant 0 : i32
          %dma_wait3A_468 = tpu.memref_slice %arg9[%dma_wait3A_466, %dma_wait3A_467] : memref<200x128xf32, #tpu.memory_space<vmem>> -> memref<40x128xf32, #tpu.memory_space<vmem>>
          tpu.wait_dma2 semaphore(%dma_wait3A_462 : memref<!tpu.dma_semaphore, #tpu.memory_space<semaphore_mem>>) src(%dma_wait3A_468 : memref<40x128xf32, #tpu.memory_space<vmem>>) dst(%dma_wait3A_465 : memref<40x128xf32, #tpu.memory_space<vmem_shared>>)
        } else {
        }
        %add3A_223 = arith.constant 3 : i32
        %add3A_224 = arith.addi %add3A_217, %add3A_223 : i32
        %lt3A_225 = arith.constant 125 : i32
        %lt3A_226 = arith.cmpi slt, %add3A_224, %lt3A_225 : i32
        %convert_element_type3A_227 = arith.extui %lt3A_226 : i1 to i32
        %cond3A_228 = arith.constant 0 : i32
        %cond3A_229 = arith.cmpi ne, %convert_element_type3A_227, %cond3A_228 : i32
        scf.if %cond3A_229 {
          %add3A_454 = arith.constant 3 : i32
          %add3A_455 = arith.addi %add3A_217, %add3A_454 : i32
          %mul3A_456 = arith.constant 40 : i32
          %mul3A_457 = arith.muli %add3A_455, %mul3A_456 : i32
          %dma_start3A_458 = arith.constant 3 : i32
          %dma_start3A_459 = arith.constant 120 : i32
          %dma_start3A_460 = arith.constant 0 : i32
          %dma_start3A_461 = tpu.memref_slice %arg9[%dma_start3A_459, %dma_start3A_460] : memref<200x128xf32, #tpu.memory_space<vmem>> -> memref<40x128xf32, #tpu.memory_space<vmem>>
          %dma_start3A_462 = tpu.memref_slice %arg10[%mul3A_457] : memref<5000xi32, #tpu.memory_space<vmem>> -> memref<40xi32, #tpu.memory_space<vmem>>
          %dma_start3A_463 = arith.constant 0 : i32
          %dma_start3A_464 = arith.constant 0 : i32
          %dma_start3A_465 = tpu.memref_slice %arg7[%arg0, %dma_start3A_463, %dma_start3A_464] : memref<2x10240x128xf32, #tpu.memory_space<hbm>> -> memref<1x10240x128xf32, #tpu.memory_space<hbm>>
          %dma_start3A_466 = tpu.memref_squeeze %dma_start3A_465 : memref<1x10240x128xf32, #tpu.memory_space<hbm>> -> memref<10240x128xf32, #tpu.memory_space<hbm>>
          %dma_start3A_467 = arith.constant 0 : i32
          %dma_start3A_468 = arith.constant 0 : i32
          %dma_start3A_469 = tpu.memref_slice %dma_start3A_466[%dma_start3A_467, %dma_start3A_468] : memref<10240x128xf32, #tpu.memory_space<hbm>> -> memref<10240x128xf32, #tpu.memory_space<hbm>>
          %dma_start3A_470 = tpu.memref_slice %arg13[%dma_start3A_458] : memref<5x!tpu.dma_semaphore, #tpu.memory_space<semaphore_mem>> -> memref<1x!tpu.dma_semaphore, #tpu.memory_space<semaphore_mem>>
          %dma_start3A_471 = tpu.memref_squeeze %dma_start3A_470 : memref<1x!tpu.dma_semaphore, #tpu.memory_space<semaphore_mem>> -> memref<!tpu.dma_semaphore, #tpu.memory_space<semaphore_mem>>
          tpu.enqueue_indirect_dma source(%dma_start3A_469 : memref<10240x128xf32, #tpu.memory_space<hbm>>) target(%dma_start3A_461 : memref<40x128xf32, #tpu.memory_space<vmem>>) offsets(%dma_start3A_462 : memref<40xi32, #tpu.memory_space<vmem>>) semaphore(%dma_start3A_471 : memref<!tpu.dma_semaphore, #tpu.memory_space<semaphore_mem>>)
        } else {
        }
        %dma_wait3A_230 = arith.constant 0 : i32
        %dma_wait3A_231 = arith.constant 0 : i32
        %dma_wait3A_232 = arith.constant 0 : i32
        %dma_wait3A_233 = tpu.memref_slice %arg9[%dma_wait3A_231, %dma_wait3A_232] : memref<200x128xf32, #tpu.memory_space<vmem>> -> memref<40x128xf32, #tpu.memory_space<vmem>>
        %dma_wait3A_234 = arith.constant 0 : i32
        %dma_wait3A_235 = tpu.memref_slice %arg10[%dma_wait3A_234] : memref<5000xi32, #tpu.memory_space<vmem>> -> memref<40xi32, #tpu.memory_space<vmem>>
        %dma_wait3A_236 = arith.constant 0 : i32
        %dma_wait3A_237 = arith.constant 0 : i32
        %dma_wait3A_238 = tpu.memref_slice %arg7[%arg0, %dma_wait3A_236, %dma_wait3A_237] : memref<2x10240x128xf32, #tpu.memory_space<hbm>> -> memref<1x10240x128xf32, #tpu.memory_space<hbm>>
        %dma_wait3A_239 = tpu.memref_squeeze %dma_wait3A_238 : memref<1x10240x128xf32, #tpu.memory_space<hbm>> -> memref<10240x128xf32, #tpu.memory_space<hbm>>
        %dma_wait3A_240 = arith.constant 0 : i32
        %dma_wait3A_241 = arith.constant 0 : i32
        %dma_wait3A_242 = tpu.memref_slice %dma_wait3A_239[%dma_wait3A_240, %dma_wait3A_241] : memref<10240x128xf32, #tpu.memory_space<hbm>> -> memref<10240x128xf32, #tpu.memory_space<hbm>>
        %dma_wait3A_243 = tpu.memref_slice %arg13[%dma_wait3A_230] : memref<5x!tpu.dma_semaphore, #tpu.memory_space<semaphore_mem>> -> memref<1x!tpu.dma_semaphore, #tpu.memory_space<semaphore_mem>>
        %dma_wait3A_244 = tpu.memref_squeeze %dma_wait3A_243 : memref<1x!tpu.dma_semaphore, #tpu.memory_space<semaphore_mem>> -> memref<!tpu.dma_semaphore, #tpu.memory_space<semaphore_mem>>
        tpu.wait_indirect_dma semaphore(%dma_wait3A_244 : memref<!tpu.dma_semaphore, #tpu.memory_space<semaphore_mem>>) src(%dma_wait3A_242 : memref<10240x128xf32, #tpu.memory_space<hbm>>) dst(%dma_wait3A_233 : memref<40x128xf32, #tpu.memory_space<vmem>>)
        %dma_start3A_245 = arith.constant 0 : i32
        %dma_start3A_246 = arith.constant 0 : i32
        %dma_start3A_247 = arith.constant 0 : i32
        %dma_start3A_248 = arith.constant 0 : i32
        %dma_start3A_249 = tpu.memref_slice %arg9[%dma_start3A_247, %dma_start3A_248] : memref<200x128xf32, #tpu.memory_space<vmem>> -> memref<40x128xf32, #tpu.memory_space<vmem>>
        %dma_start3A_250 = arith.constant 0 : i32
        %dma_start3A_251 = tpu.memref_slice %arg11[%add3A_217, %dma_start3A_245, %dma_start3A_250] : memref<125x1x40xi32, #tpu.memory_space<vmem>> -> memref<1x1x40xi32, #tpu.memory_space<vmem>>
        %dma_start3A_252 = tpu.memref_squeeze %dma_start3A_251 : memref<1x1x40xi32, #tpu.memory_space<vmem>> -> memref<40xi32, #tpu.memory_space<vmem>>
        %dma_start3A_253 = arith.constant 0 : i32
        %dma_start3A_254 = arith.constant 0 : i32
        %dma_start3A_255 = tpu.memref_slice %arg12[%dma_start3A_253, %dma_start3A_254] : memref<10240x128xf32, #tpu.memory_space<vmem_shared>> -> memref<10240x128xf32, #tpu.memory_space<vmem_shared>>
        %dma_start3A_256 = tpu.memref_slice %arg14[%dma_start3A_246] : memref<5x!tpu.dma_semaphore, #tpu.memory_space<semaphore_mem>> -> memref<1x!tpu.dma_semaphore, #tpu.memory_space<semaphore_mem>>
        %dma_start3A_257 = tpu.memref_squeeze %dma_start3A_256 : memref<1x!tpu.dma_semaphore, #tpu.memory_space<semaphore_mem>> -> memref<!tpu.dma_semaphore, #tpu.memory_space<semaphore_mem>>
        tpu.enqueue_indirect_dma source(%dma_start3A_249 : memref<40x128xf32, #tpu.memory_space<vmem>>) target(%dma_start3A_255 : memref<10240x128xf32, #tpu.memory_space<vmem_shared>>) offsets(%dma_start3A_252 : memref<40xi32, #tpu.memory_space<vmem>>) semaphore(%dma_start3A_257 : memref<!tpu.dma_semaphore, #tpu.memory_space<semaphore_mem>>) {add = true}
        %mul3A_258 = arith.constant 5 : i32
        %mul3A_259 = arith.muli %add3A_213, %mul3A_258 : i32
        %add3A_260 = arith.constant 1 : i32
        %add3A_261 = arith.addi %mul3A_259, %add3A_260 : i32
        %ge3A_262 = arith.constant 2 : i32
        %ge3A_263 = arith.cmpi sge, %add3A_261, %ge3A_262 : i32
        %add3A_264 = arith.constant 3 : i32
        %add3A_265 = arith.addi %add3A_261, %add3A_264 : i32
        %lt3A_266 = arith.constant 125 : i32
        %lt3A_267 = arith.cmpi slt, %add3A_265, %lt3A_266 : i32
        %and3A_268 = arith.andi %ge3A_263, %lt3A_267 : i1
        %convert_element_type3A_269 = arith.extui %and3A_268 : i1 to i32
        %cond3A_270 = arith.constant 0 : i32
        %cond3A_271 = arith.cmpi ne, %convert_element_type3A_269, %cond3A_270 : i32
        scf.if %cond3A_271 {
          %dma_wait3A_454 = arith.constant 4 : i32
          %dma_wait3A_455 = arith.constant 160 : i32
          %dma_wait3A_456 = arith.constant 0 : i32
          %dma_wait3A_457 = tpu.memref_slice %arg9[%dma_wait3A_455, %dma_wait3A_456] : memref<200x128xf32, #tpu.memory_space<vmem>> -> memref<40x128xf32, #tpu.memory_space<vmem>>
          %dma_wait3A_458 = arith.constant 0 : i32
          %dma_wait3A_459 = arith.constant 0 : i32
          %dma_wait3A_460 = tpu.memref_slice %arg12[%dma_wait3A_458, %dma_wait3A_459] : memref<10240x128xf32, #tpu.memory_space<vmem_shared>> -> memref<40x128xf32, #tpu.memory_space<vmem_shared>>
          %dma_wait3A_461 = tpu.memref_slice %arg14[%dma_wait3A_454] : memref<5x!tpu.dma_semaphore, #tpu.memory_space<semaphore_mem>> -> memref<1x!tpu.dma_semaphore, #tpu.memory_space<semaphore_mem>>
          %dma_wait3A_462 = tpu.memref_squeeze %dma_wait3A_461 : memref<1x!tpu.dma_semaphore, #tpu.memory_space<semaphore_mem>> -> memref<!tpu.dma_semaphore, #tpu.memory_space<semaphore_mem>>
          %dma_wait3A_463 = arith.constant 0 : i32
          %dma_wait3A_464 = arith.constant 0 : i32
          %dma_wait3A_465 = tpu.memref_slice %arg12[%dma_wait3A_463, %dma_wait3A_464] : memref<10240x128xf32, #tpu.memory_space<vmem_shared>> -> memref<40x128xf32, #tpu.memory_space<vmem_shared>>
          %dma_wait3A_466 = arith.constant 160 : i32
          %dma_wait3A_467 = arith.constant 0 : i32
          %dma_wait3A_468 = tpu.memref_slice %arg9[%dma_wait3A_466, %dma_wait3A_467] : memref<200x128xf32, #tpu.memory_space<vmem>> -> memref<40x128xf32, #tpu.memory_space<vmem>>
          tpu.wait_dma2 semaphore(%dma_wait3A_462 : memref<!tpu.dma_semaphore, #tpu.memory_space<semaphore_mem>>) src(%dma_wait3A_468 : memref<40x128xf32, #tpu.memory_space<vmem>>) dst(%dma_wait3A_465 : memref<40x128xf32, #tpu.memory_space<vmem_shared>>)
        } else {
        }
        %add3A_272 = arith.constant 3 : i32
        %add3A_273 = arith.addi %add3A_261, %add3A_272 : i32
        %lt3A_274 = arith.constant 125 : i32
        %lt3A_275 = arith.cmpi slt, %add3A_273, %lt3A_274 : i32
        %convert_element_type3A_276 = arith.extui %lt3A_275 : i1 to i32
        %cond3A_277 = arith.constant 0 : i32
        %cond3A_278 = arith.cmpi ne, %convert_element_type3A_276, %cond3A_277 : i32
        scf.if %cond3A_278 {
          %add3A_454 = arith.constant 3 : i32
          %add3A_455 = arith.addi %add3A_261, %add3A_454 : i32
          %mul3A_456 = arith.constant 40 : i32
          %mul3A_457 = arith.muli %add3A_455, %mul3A_456 : i32
          %dma_start3A_458 = arith.constant 4 : i32
          %dma_start3A_459 = arith.constant 160 : i32
          %dma_start3A_460 = arith.constant 0 : i32
          %dma_start3A_461 = tpu.memref_slice %arg9[%dma_start3A_459, %dma_start3A_460] : memref<200x128xf32, #tpu.memory_space<vmem>> -> memref<40x128xf32, #tpu.memory_space<vmem>>
          %dma_start3A_462 = tpu.memref_slice %arg10[%mul3A_457] : memref<5000xi32, #tpu.memory_space<vmem>> -> memref<40xi32, #tpu.memory_space<vmem>>
          %dma_start3A_463 = arith.constant 0 : i32
          %dma_start3A_464 = arith.constant 0 : i32
          %dma_start3A_465 = tpu.memref_slice %arg7[%arg0, %dma_start3A_463, %dma_start3A_464] : memref<2x10240x128xf32, #tpu.memory_space<hbm>> -> memref<1x10240x128xf32, #tpu.memory_space<hbm>>
          %dma_start3A_466 = tpu.memref_squeeze %dma_start3A_465 : memref<1x10240x128xf32, #tpu.memory_space<hbm>> -> memref<10240x128xf32, #tpu.memory_space<hbm>>
          %dma_start3A_467 = arith.constant 0 : i32
          %dma_start3A_468 = arith.constant 0 : i32
          %dma_start3A_469 = tpu.memref_slice %dma_start3A_466[%dma_start3A_467, %dma_start3A_468] : memref<10240x128xf32, #tpu.memory_space<hbm>> -> memref<10240x128xf32, #tpu.memory_space<hbm>>
          %dma_start3A_470 = tpu.memref_slice %arg13[%dma_start3A_458] : memref<5x!tpu.dma_semaphore, #tpu.memory_space<semaphore_mem>> -> memref<1x!tpu.dma_semaphore, #tpu.memory_space<semaphore_mem>>
          %dma_start3A_471 = tpu.memref_squeeze %dma_start3A_470 : memref<1x!tpu.dma_semaphore, #tpu.memory_space<semaphore_mem>> -> memref<!tpu.dma_semaphore, #tpu.memory_space<semaphore_mem>>
          tpu.enqueue_indirect_dma source(%dma_start3A_469 : memref<10240x128xf32, #tpu.memory_space<hbm>>) target(%dma_start3A_461 : memref<40x128xf32, #tpu.memory_space<vmem>>) offsets(%dma_start3A_462 : memref<40xi32, #tpu.memory_space<vmem>>) semaphore(%dma_start3A_471 : memref<!tpu.dma_semaphore, #tpu.memory_space<semaphore_mem>>)
        } else {
        }
        %dma_wait3A_279 = arith.constant 1 : i32
        %dma_wait3A_280 = arith.constant 40 : i32
        %dma_wait3A_281 = arith.constant 0 : i32
        %dma_wait3A_282 = tpu.memref_slice %arg9[%dma_wait3A_280, %dma_wait3A_281] : memref<200x128xf32, #tpu.memory_space<vmem>> -> memref<40x128xf32, #tpu.memory_space<vmem>>
        %dma_wait3A_283 = arith.constant 0 : i32
        %dma_wait3A_284 = tpu.memref_slice %arg10[%dma_wait3A_283] : memref<5000xi32, #tpu.memory_space<vmem>> -> memref<40xi32, #tpu.memory_space<vmem>>
        %dma_wait3A_285 = arith.constant 0 : i32
        %dma_wait3A_286 = arith.constant 0 : i32
        %dma_wait3A_287 = tpu.memref_slice %arg7[%arg0, %dma_wait3A_285, %dma_wait3A_286] : memref<2x10240x128xf32, #tpu.memory_space<hbm>> -> memref<1x10240x128xf32, #tpu.memory_space<hbm>>
        %dma_wait3A_288 = tpu.memref_squeeze %dma_wait3A_287 : memref<1x10240x128xf32, #tpu.memory_space<hbm>> -> memref<10240x128xf32, #tpu.memory_space<hbm>>
        %dma_wait3A_289 = arith.constant 0 : i32
        %dma_wait3A_290 = arith.constant 0 : i32
        %dma_wait3A_291 = tpu.memref_slice %dma_wait3A_288[%dma_wait3A_289, %dma_wait3A_290] : memref<10240x128xf32, #tpu.memory_space<hbm>> -> memref<10240x128xf32, #tpu.memory_space<hbm>>
        %dma_wait3A_292 = tpu.memref_slice %arg13[%dma_wait3A_279] : memref<5x!tpu.dma_semaphore, #tpu.memory_space<semaphore_mem>> -> memref<1x!tpu.dma_semaphore, #tpu.memory_space<semaphore_mem>>
        %dma_wait3A_293 = tpu.memref_squeeze %dma_wait3A_292 : memref<1x!tpu.dma_semaphore, #tpu.memory_space<semaphore_mem>> -> memref<!tpu.dma_semaphore, #tpu.memory_space<semaphore_mem>>
        tpu.wait_indirect_dma semaphore(%dma_wait3A_293 : memref<!tpu.dma_semaphore, #tpu.memory_space<semaphore_mem>>) src(%dma_wait3A_291 : memref<10240x128xf32, #tpu.memory_space<hbm>>) dst(%dma_wait3A_282 : memref<40x128xf32, #tpu.memory_space<vmem>>)
        %dma_start3A_294 = arith.constant 0 : i32
        %dma_start3A_295 = arith.constant 1 : i32
        %dma_start3A_296 = arith.constant 40 : i32
        %dma_start3A_297 = arith.constant 0 : i32
        %dma_start3A_298 = tpu.memref_slice %arg9[%dma_start3A_296, %dma_start3A_297] : memref<200x128xf32, #tpu.memory_space<vmem>> -> memref<40x128xf32, #tpu.memory_space<vmem>>
        %dma_start3A_299 = arith.constant 0 : i32
        %dma_start3A_300 = tpu.memref_slice %arg11[%add3A_261, %dma_start3A_294, %dma_start3A_299] : memref<125x1x40xi32, #tpu.memory_space<vmem>> -> memref<1x1x40xi32, #tpu.memory_space<vmem>>
        %dma_start3A_301 = tpu.memref_squeeze %dma_start3A_300 : memref<1x1x40xi32, #tpu.memory_space<vmem>> -> memref<40xi32, #tpu.memory_space<vmem>>
        %dma_start3A_302 = arith.constant 0 : i32
        %dma_start3A_303 = arith.constant 0 : i32
        %dma_start3A_304 = tpu.memref_slice %arg12[%dma_start3A_302, %dma_start3A_303] : memref<10240x128xf32, #tpu.memory_space<vmem_shared>> -> memref<10240x128xf32, #tpu.memory_space<vmem_shared>>
        %dma_start3A_305 = tpu.memref_slice %arg14[%dma_start3A_295] : memref<5x!tpu.dma_semaphore, #tpu.memory_space<semaphore_mem>> -> memref<1x!tpu.dma_semaphore, #tpu.memory_space<semaphore_mem>>
        %dma_start3A_306 = tpu.memref_squeeze %dma_start3A_305 : memref<1x!tpu.dma_semaphore, #tpu.memory_space<semaphore_mem>> -> memref<!tpu.dma_semaphore, #tpu.memory_space<semaphore_mem>>
        tpu.enqueue_indirect_dma source(%dma_start3A_298 : memref<40x128xf32, #tpu.memory_space<vmem>>) target(%dma_start3A_304 : memref<10240x128xf32, #tpu.memory_space<vmem_shared>>) offsets(%dma_start3A_301 : memref<40xi32, #tpu.memory_space<vmem>>) semaphore(%dma_start3A_306 : memref<!tpu.dma_semaphore, #tpu.memory_space<semaphore_mem>>) {add = true}
        %mul3A_307 = arith.constant 5 : i32
        %mul3A_308 = arith.muli %add3A_213, %mul3A_307 : i32
        %add3A_309 = arith.constant 2 : i32
        %add3A_310 = arith.addi %mul3A_308, %add3A_309 : i32
        %ge3A_311 = arith.constant 2 : i32
        %ge3A_312 = arith.cmpi sge, %add3A_310, %ge3A_311 : i32
        %add3A_313 = arith.constant 3 : i32
        %add3A_314 = arith.addi %add3A_310, %add3A_313 : i32
        %lt3A_315 = arith.constant 125 : i32
        %lt3A_316 = arith.cmpi slt, %add3A_314, %lt3A_315 : i32
        %and3A_317 = arith.andi %ge3A_312, %lt3A_316 : i1
        %convert_element_type3A_318 = arith.extui %and3A_317 : i1 to i32
        %cond3A_319 = arith.constant 0 : i32
        %cond3A_320 = arith.cmpi ne, %convert_element_type3A_318, %cond3A_319 : i32
        scf.if %cond3A_320 {
          %dma_wait3A_454 = arith.constant 0 : i32
          %dma_wait3A_455 = arith.constant 0 : i32
          %dma_wait3A_456 = arith.constant 0 : i32
          %dma_wait3A_457 = tpu.memref_slice %arg9[%dma_wait3A_455, %dma_wait3A_456] : memref<200x128xf32, #tpu.memory_space<vmem>> -> memref<40x128xf32, #tpu.memory_space<vmem>>
          %dma_wait3A_458 = arith.constant 0 : i32
          %dma_wait3A_459 = arith.constant 0 : i32
          %dma_wait3A_460 = tpu.memref_slice %arg12[%dma_wait3A_458, %dma_wait3A_459] : memref<10240x128xf32, #tpu.memory_space<vmem_shared>> -> memref<40x128xf32, #tpu.memory_space<vmem_shared>>
          %dma_wait3A_461 = tpu.memref_slice %arg14[%dma_wait3A_454] : memref<5x!tpu.dma_semaphore, #tpu.memory_space<semaphore_mem>> -> memref<1x!tpu.dma_semaphore, #tpu.memory_space<semaphore_mem>>
          %dma_wait3A_462 = tpu.memref_squeeze %dma_wait3A_461 : memref<1x!tpu.dma_semaphore, #tpu.memory_space<semaphore_mem>> -> memref<!tpu.dma_semaphore, #tpu.memory_space<semaphore_mem>>
          %dma_wait3A_463 = arith.constant 0 : i32
          %dma_wait3A_464 = arith.constant 0 : i32
          %dma_wait3A_465 = tpu.memref_slice %arg12[%dma_wait3A_463, %dma_wait3A_464] : memref<10240x128xf32, #tpu.memory_space<vmem_shared>> -> memref<40x128xf32, #tpu.memory_space<vmem_shared>>
          %dma_wait3A_466 = arith.constant 0 : i32
          %dma_wait3A_467 = arith.constant 0 : i32
          %dma_wait3A_468 = tpu.memref_slice %arg9[%dma_wait3A_466, %dma_wait3A_467] : memref<200x128xf32, #tpu.memory_space<vmem>> -> memref<40x128xf32, #tpu.memory_space<vmem>>
          tpu.wait_dma2 semaphore(%dma_wait3A_462 : memref<!tpu.dma_semaphore, #tpu.memory_space<semaphore_mem>>) src(%dma_wait3A_468 : memref<40x128xf32, #tpu.memory_space<vmem>>) dst(%dma_wait3A_465 : memref<40x128xf32, #tpu.memory_space<vmem_shared>>)
        } else {
        }
        %add3A_321 = arith.constant 3 : i32
        %add3A_322 = arith.addi %add3A_310, %add3A_321 : i32
        %lt3A_323 = arith.constant 125 : i32
        %lt3A_324 = arith.cmpi slt, %add3A_322, %lt3A_323 : i32
        %convert_element_type3A_325 = arith.extui %lt3A_324 : i1 to i32
        %cond3A_326 = arith.constant 0 : i32
        %cond3A_327 = arith.cmpi ne, %convert_element_type3A_325, %cond3A_326 : i32
        scf.if %cond3A_327 {
          %add3A_454 = arith.constant 3 : i32
          %add3A_455 = arith.addi %add3A_310, %add3A_454 : i32
          %mul3A_456 = arith.constant 40 : i32
          %mul3A_457 = arith.muli %add3A_455, %mul3A_456 : i32
          %dma_start3A_458 = arith.constant 0 : i32
          %dma_start3A_459 = arith.constant 0 : i32
          %dma_start3A_460 = arith.constant 0 : i32
          %dma_start3A_461 = tpu.memref_slice %arg9[%dma_start3A_459, %dma_start3A_460] : memref<200x128xf32, #tpu.memory_space<vmem>> -> memref<40x128xf32, #tpu.memory_space<vmem>>
          %dma_start3A_462 = tpu.memref_slice %arg10[%mul3A_457] : memref<5000xi32, #tpu.memory_space<vmem>> -> memref<40xi32, #tpu.memory_space<vmem>>
          %dma_start3A_463 = arith.constant 0 : i32
          %dma_start3A_464 = arith.constant 0 : i32
          %dma_start3A_465 = tpu.memref_slice %arg7[%arg0, %dma_start3A_463, %dma_start3A_464] : memref<2x10240x128xf32, #tpu.memory_space<hbm>> -> memref<1x10240x128xf32, #tpu.memory_space<hbm>>
          %dma_start3A_466 = tpu.memref_squeeze %dma_start3A_465 : memref<1x10240x128xf32, #tpu.memory_space<hbm>> -> memref<10240x128xf32, #tpu.memory_space<hbm>>
          %dma_start3A_467 = arith.constant 0 : i32
          %dma_start3A_468 = arith.constant 0 : i32
          %dma_start3A_469 = tpu.memref_slice %dma_start3A_466[%dma_start3A_467, %dma_start3A_468] : memref<10240x128xf32, #tpu.memory_space<hbm>> -> memref<10240x128xf32, #tpu.memory_space<hbm>>
          %dma_start3A_470 = tpu.memref_slice %arg13[%dma_start3A_458] : memref<5x!tpu.dma_semaphore, #tpu.memory_space<semaphore_mem>> -> memref<1x!tpu.dma_semaphore, #tpu.memory_space<semaphore_mem>>
          %dma_start3A_471 = tpu.memref_squeeze %dma_start3A_470 : memref<1x!tpu.dma_semaphore, #tpu.memory_space<semaphore_mem>> -> memref<!tpu.dma_semaphore, #tpu.memory_space<semaphore_mem>>
          tpu.enqueue_indirect_dma source(%dma_start3A_469 : memref<10240x128xf32, #tpu.memory_space<hbm>>) target(%dma_start3A_461 : memref<40x128xf32, #tpu.memory_space<vmem>>) offsets(%dma_start3A_462 : memref<40xi32, #tpu.memory_space<vmem>>) semaphore(%dma_start3A_471 : memref<!tpu.dma_semaphore, #tpu.memory_space<semaphore_mem>>)
        } else {
        }
        %dma_wait3A_328 = arith.constant 2 : i32
        %dma_wait3A_329 = arith.constant 80 : i32
        %dma_wait3A_330 = arith.constant 0 : i32
        %dma_wait3A_331 = tpu.memref_slice %arg9[%dma_wait3A_329, %dma_wait3A_330] : memref<200x128xf32, #tpu.memory_space<vmem>> -> memref<40x128xf32, #tpu.memory_space<vmem>>
        %dma_wait3A_332 = arith.constant 0 : i32
        %dma_wait3A_333 = tpu.memref_slice %arg10[%dma_wait3A_332] : memref<5000xi32, #tpu.memory_space<vmem>> -> memref<40xi32, #tpu.memory_space<vmem>>
        %dma_wait3A_334 = arith.constant 0 : i32
        %dma_wait3A_335 = arith.constant 0 : i32
        %dma_wait3A_336 = tpu.memref_slice %arg7[%arg0, %dma_wait3A_334, %dma_wait3A_335] : memref<2x10240x128xf32, #tpu.memory_space<hbm>> -> memref<1x10240x128xf32, #tpu.memory_space<hbm>>
        %dma_wait3A_337 = tpu.memref_squeeze %dma_wait3A_336 : memref<1x10240x128xf32, #tpu.memory_space<hbm>> -> memref<10240x128xf32, #tpu.memory_space<hbm>>
        %dma_wait3A_338 = arith.constant 0 : i32
        %dma_wait3A_339 = arith.constant 0 : i32
        %dma_wait3A_340 = tpu.memref_slice %dma_wait3A_337[%dma_wait3A_338, %dma_wait3A_339] : memref<10240x128xf32, #tpu.memory_space<hbm>> -> memref<10240x128xf32, #tpu.memory_space<hbm>>
        %dma_wait3A_341 = tpu.memref_slice %arg13[%dma_wait3A_328] : memref<5x!tpu.dma_semaphore, #tpu.memory_space<semaphore_mem>> -> memref<1x!tpu.dma_semaphore, #tpu.memory_space<semaphore_mem>>
        %dma_wait3A_342 = tpu.memref_squeeze %dma_wait3A_341 : memref<1x!tpu.dma_semaphore, #tpu.memory_space<semaphore_mem>> -> memref<!tpu.dma_semaphore, #tpu.memory_space<semaphore_mem>>
        tpu.wait_indirect_dma semaphore(%dma_wait3A_342 : memref<!tpu.dma_semaphore, #tpu.memory_space<semaphore_mem>>) src(%dma_wait3A_340 : memref<10240x128xf32, #tpu.memory_space<hbm>>) dst(%dma_wait3A_331 : memref<40x128xf32, #tpu.memory_space<vmem>>)
        %dma_start3A_343 = arith.constant 0 : i32
        %dma_start3A_344 = arith.constant 2 : i32
        %dma_start3A_345 = arith.constant 80 : i32
        %dma_start3A_346 = arith.constant 0 : i32
        %dma_start3A_347 = tpu.memref_slice %arg9[%dma_start3A_345, %dma_start3A_346] : memref<200x128xf32, #tpu.memory_space<vmem>> -> memref<40x128xf32, #tpu.memory_space<vmem>>
        %dma_start3A_348 = arith.constant 0 : i32
        %dma_start3A_349 = tpu.memref_slice %arg11[%add3A_310, %dma_start3A_343, %dma_start3A_348] : memref<125x1x40xi32, #tpu.memory_space<vmem>> -> memref<1x1x40xi32, #tpu.memory_space<vmem>>
        %dma_start3A_350 = tpu.memref_squeeze %dma_start3A_349 : memref<1x1x40xi32, #tpu.memory_space<vmem>> -> memref<40xi32, #tpu.memory_space<vmem>>
        %dma_start3A_351 = arith.constant 0 : i32
        %dma_start3A_352 = arith.constant 0 : i32
        %dma_start3A_353 = tpu.memref_slice %arg12[%dma_start3A_351, %dma_start3A_352] : memref<10240x128xf32, #tpu.memory_space<vmem_shared>> -> memref<10240x128xf32, #tpu.memory_space<vmem_shared>>
        %dma_start3A_354 = tpu.memref_slice %arg14[%dma_start3A_344] : memref<5x!tpu.dma_semaphore, #tpu.memory_space<semaphore_mem>> -> memref<1x!tpu.dma_semaphore, #tpu.memory_space<semaphore_mem>>
        %dma_start3A_355 = tpu.memref_squeeze %dma_start3A_354 : memref<1x!tpu.dma_semaphore, #tpu.memory_space<semaphore_mem>> -> memref<!tpu.dma_semaphore, #tpu.memory_space<semaphore_mem>>
        tpu.enqueue_indirect_dma source(%dma_start3A_347 : memref<40x128xf32, #tpu.memory_space<vmem>>) target(%dma_start3A_353 : memref<10240x128xf32, #tpu.memory_space<vmem_shared>>) offsets(%dma_start3A_350 : memref<40xi32, #tpu.memory_space<vmem>>) semaphore(%dma_start3A_355 : memref<!tpu.dma_semaphore, #tpu.memory_space<semaphore_mem>>) {add = true}
        %mul3A_356 = arith.constant 5 : i32
        %mul3A_357 = arith.muli %add3A_213, %mul3A_356 : i32
        %add3A_358 = arith.constant 3 : i32
        %add3A_359 = arith.addi %mul3A_357, %add3A_358 : i32
        %ge3A_360 = arith.constant 2 : i32
        %ge3A_361 = arith.cmpi sge, %add3A_359, %ge3A_360 : i32
        %add3A_362 = arith.constant 3 : i32
        %add3A_363 = arith.addi %add3A_359, %add3A_362 : i32
        %lt3A_364 = arith.constant 125 : i32
        %lt3A_365 = arith.cmpi slt, %add3A_363, %lt3A_364 : i32
        %and3A_366 = arith.andi %ge3A_361, %lt3A_365 : i1
        %convert_element_type3A_367 = arith.extui %and3A_366 : i1 to i32
        %cond3A_368 = arith.constant 0 : i32
        %cond3A_369 = arith.cmpi ne, %convert_element_type3A_367, %cond3A_368 : i32
        scf.if %cond3A_369 {
          %dma_wait3A_454 = arith.constant 1 : i32
          %dma_wait3A_455 = arith.constant 40 : i32
          %dma_wait3A_456 = arith.constant 0 : i32
          %dma_wait3A_457 = tpu.memref_slice %arg9[%dma_wait3A_455, %dma_wait3A_456] : memref<200x128xf32, #tpu.memory_space<vmem>> -> memref<40x128xf32, #tpu.memory_space<vmem>>
          %dma_wait3A_458 = arith.constant 0 : i32
          %dma_wait3A_459 = arith.constant 0 : i32
          %dma_wait3A_460 = tpu.memref_slice %arg12[%dma_wait3A_458, %dma_wait3A_459] : memref<10240x128xf32, #tpu.memory_space<vmem_shared>> -> memref<40x128xf32, #tpu.memory_space<vmem_shared>>
          %dma_wait3A_461 = tpu.memref_slice %arg14[%dma_wait3A_454] : memref<5x!tpu.dma_semaphore, #tpu.memory_space<semaphore_mem>> -> memref<1x!tpu.dma_semaphore, #tpu.memory_space<semaphore_mem>>
          %dma_wait3A_462 = tpu.memref_squeeze %dma_wait3A_461 : memref<1x!tpu.dma_semaphore, #tpu.memory_space<semaphore_mem>> -> memref<!tpu.dma_semaphore, #tpu.memory_space<semaphore_mem>>
          %dma_wait3A_463 = arith.constant 0 : i32
          %dma_wait3A_464 = arith.constant 0 : i32
          %dma_wait3A_465 = tpu.memref_slice %arg12[%dma_wait3A_463, %dma_wait3A_464] : memref<10240x128xf32, #tpu.memory_space<vmem_shared>> -> memref<40x128xf32, #tpu.memory_space<vmem_shared>>
          %dma_wait3A_466 = arith.constant 40 : i32
          %dma_wait3A_467 = arith.constant 0 : i32
          %dma_wait3A_468 = tpu.memref_slice %arg9[%dma_wait3A_466, %dma_wait3A_467] : memref<200x128xf32, #tpu.memory_space<vmem>> -> memref<40x128xf32, #tpu.memory_space<vmem>>
          tpu.wait_dma2 semaphore(%dma_wait3A_462 : memref<!tpu.dma_semaphore, #tpu.memory_space<semaphore_mem>>) src(%dma_wait3A_468 : memref<40x128xf32, #tpu.memory_space<vmem>>) dst(%dma_wait3A_465 : memref<40x128xf32, #tpu.memory_space<vmem_shared>>)
        } else {
        }
        %add3A_370 = arith.constant 3 : i32
        %add3A_371 = arith.addi %add3A_359, %add3A_370 : i32
        %lt3A_372 = arith.constant 125 : i32
        %lt3A_373 = arith.cmpi slt, %add3A_371, %lt3A_372 : i32
        %convert_element_type3A_374 = arith.extui %lt3A_373 : i1 to i32
        %cond3A_375 = arith.constant 0 : i32
        %cond3A_376 = arith.cmpi ne, %convert_element_type3A_374, %cond3A_375 : i32
        scf.if %cond3A_376 {
          %add3A_454 = arith.constant 3 : i32
          %add3A_455 = arith.addi %add3A_359, %add3A_454 : i32
          %mul3A_456 = arith.constant 40 : i32
          %mul3A_457 = arith.muli %add3A_455, %mul3A_456 : i32
          %dma_start3A_458 = arith.constant 1 : i32
          %dma_start3A_459 = arith.constant 40 : i32
          %dma_start3A_460 = arith.constant 0 : i32
          %dma_start3A_461 = tpu.memref_slice %arg9[%dma_start3A_459, %dma_start3A_460] : memref<200x128xf32, #tpu.memory_space<vmem>> -> memref<40x128xf32, #tpu.memory_space<vmem>>
          %dma_start3A_462 = tpu.memref_slice %arg10[%mul3A_457] : memref<5000xi32, #tpu.memory_space<vmem>> -> memref<40xi32, #tpu.memory_space<vmem>>
          %dma_start3A_463 = arith.constant 0 : i32
          %dma_start3A_464 = arith.constant 0 : i32
          %dma_start3A_465 = tpu.memref_slice %arg7[%arg0, %dma_start3A_463, %dma_start3A_464] : memref<2x10240x128xf32, #tpu.memory_space<hbm>> -> memref<1x10240x128xf32, #tpu.memory_space<hbm>>
          %dma_start3A_466 = tpu.memref_squeeze %dma_start3A_465 : memref<1x10240x128xf32, #tpu.memory_space<hbm>> -> memref<10240x128xf32, #tpu.memory_space<hbm>>
          %dma_start3A_467 = arith.constant 0 : i32
          %dma_start3A_468 = arith.constant 0 : i32
          %dma_start3A_469 = tpu.memref_slice %dma_start3A_466[%dma_start3A_467, %dma_start3A_468] : memref<10240x128xf32, #tpu.memory_space<hbm>> -> memref<10240x128xf32, #tpu.memory_space<hbm>>
          %dma_start3A_470 = tpu.memref_slice %arg13[%dma_start3A_458] : memref<5x!tpu.dma_semaphore, #tpu.memory_space<semaphore_mem>> -> memref<1x!tpu.dma_semaphore, #tpu.memory_space<semaphore_mem>>
          %dma_start3A_471 = tpu.memref_squeeze %dma_start3A_470 : memref<1x!tpu.dma_semaphore, #tpu.memory_space<semaphore_mem>> -> memref<!tpu.dma_semaphore, #tpu.memory_space<semaphore_mem>>
          tpu.enqueue_indirect_dma source(%dma_start3A_469 : memref<10240x128xf32, #tpu.memory_space<hbm>>) target(%dma_start3A_461 : memref<40x128xf32, #tpu.memory_space<vmem>>) offsets(%dma_start3A_462 : memref<40xi32, #tpu.memory_space<vmem>>) semaphore(%dma_start3A_471 : memref<!tpu.dma_semaphore, #tpu.memory_space<semaphore_mem>>)
        } else {
        }
        %dma_wait3A_377 = arith.constant 3 : i32
        %dma_wait3A_378 = arith.constant 120 : i32
        %dma_wait3A_379 = arith.constant 0 : i32
        %dma_wait3A_380 = tpu.memref_slice %arg9[%dma_wait3A_378, %dma_wait3A_379] : memref<200x128xf32, #tpu.memory_space<vmem>> -> memref<40x128xf32, #tpu.memory_space<vmem>>
        %dma_wait3A_381 = arith.constant 0 : i32
        %dma_wait3A_382 = tpu.memref_slice %arg10[%dma_wait3A_381] : memref<5000xi32, #tpu.memory_space<vmem>> -> memref<40xi32, #tpu.memory_space<vmem>>
        %dma_wait3A_383 = arith.constant 0 : i32
        %dma_wait3A_384 = arith.constant 0 : i32
        %dma_wait3A_385 = tpu.memref_slice %arg7[%arg0, %dma_wait3A_383, %dma_wait3A_384] : memref<2x10240x128xf32, #tpu.memory_space<hbm>> -> memref<1x10240x128xf32, #tpu.memory_space<hbm>>
        %dma_wait3A_386 = tpu.memref_squeeze %dma_wait3A_385 : memref<1x10240x128xf32, #tpu.memory_space<hbm>> -> memref<10240x128xf32, #tpu.memory_space<hbm>>
        %dma_wait3A_387 = arith.constant 0 : i32
        %dma_wait3A_388 = arith.constant 0 : i32
        %dma_wait3A_389 = tpu.memref_slice %dma_wait3A_386[%dma_wait3A_387, %dma_wait3A_388] : memref<10240x128xf32, #tpu.memory_space<hbm>> -> memref<10240x128xf32, #tpu.memory_space<hbm>>
        %dma_wait3A_390 = tpu.memref_slice %arg13[%dma_wait3A_377] : memref<5x!tpu.dma_semaphore, #tpu.memory_space<semaphore_mem>> -> memref<1x!tpu.dma_semaphore, #tpu.memory_space<semaphore_mem>>
        %dma_wait3A_391 = tpu.memref_squeeze %dma_wait3A_390 : memref<1x!tpu.dma_semaphore, #tpu.memory_space<semaphore_mem>> -> memref<!tpu.dma_semaphore, #tpu.memory_space<semaphore_mem>>
        tpu.wait_indirect_dma semaphore(%dma_wait3A_391 : memref<!tpu.dma_semaphore, #tpu.memory_space<semaphore_mem>>) src(%dma_wait3A_389 : memref<10240x128xf32, #tpu.memory_space<hbm>>) dst(%dma_wait3A_380 : memref<40x128xf32, #tpu.memory_space<vmem>>)
        %dma_start3A_392 = arith.constant 0 : i32
        %dma_start3A_393 = arith.constant 3 : i32
        %dma_start3A_394 = arith.constant 120 : i32
        %dma_start3A_395 = arith.constant 0 : i32
        %dma_start3A_396 = tpu.memref_slice %arg9[%dma_start3A_394, %dma_start3A_395] : memref<200x128xf32, #tpu.memory_space<vmem>> -> memref<40x128xf32, #tpu.memory_space<vmem>>
        %dma_start3A_397 = arith.constant 0 : i32
        %dma_start3A_398 = tpu.memref_slice %arg11[%add3A_359, %dma_start3A_392, %dma_start3A_397] : memref<125x1x40xi32, #tpu.memory_space<vmem>> -> memref<1x1x40xi32, #tpu.memory_space<vmem>>
        %dma_start3A_399 = tpu.memref_squeeze %dma_start3A_398 : memref<1x1x40xi32, #tpu.memory_space<vmem>> -> memref<40xi32, #tpu.memory_space<vmem>>
        %dma_start3A_400 = arith.constant 0 : i32
        %dma_start3A_401 = arith.constant 0 : i32
        %dma_start3A_402 = tpu.memref_slice %arg12[%dma_start3A_400, %dma_start3A_401] : memref<10240x128xf32, #tpu.memory_space<vmem_shared>> -> memref<10240x128xf32, #tpu.memory_space<vmem_shared>>
        %dma_start3A_403 = tpu.memref_slice %arg14[%dma_start3A_393] : memref<5x!tpu.dma_semaphore, #tpu.memory_space<semaphore_mem>> -> memref<1x!tpu.dma_semaphore, #tpu.memory_space<semaphore_mem>>
        %dma_start3A_404 = tpu.memref_squeeze %dma_start3A_403 : memref<1x!tpu.dma_semaphore, #tpu.memory_space<semaphore_mem>> -> memref<!tpu.dma_semaphore, #tpu.memory_space<semaphore_mem>>
        tpu.enqueue_indirect_dma source(%dma_start3A_396 : memref<40x128xf32, #tpu.memory_space<vmem>>) target(%dma_start3A_402 : memref<10240x128xf32, #tpu.memory_space<vmem_shared>>) offsets(%dma_start3A_399 : memref<40xi32, #tpu.memory_space<vmem>>) semaphore(%dma_start3A_404 : memref<!tpu.dma_semaphore, #tpu.memory_space<semaphore_mem>>) {add = true}
        %mul3A_405 = arith.constant 5 : i32
        %mul3A_406 = arith.muli %add3A_213, %mul3A_405 : i32
        %add3A_407 = arith.constant 4 : i32
        %add3A_408 = arith.addi %mul3A_406, %add3A_407 : i32
        %ge3A_409 = arith.constant 2 : i32
        %ge3A_410 = arith.cmpi sge, %add3A_408, %ge3A_409 : i32
        %add3A_411 = arith.constant 3 : i32
        %add3A_412 = arith.addi %add3A_408, %add3A_411 : i32
        %lt3A_413 = arith.constant 125 : i32
        %lt3A_414 = arith.cmpi slt, %add3A_412, %lt3A_413 : i32
        %and3A_415 = arith.andi %ge3A_410, %lt3A_414 : i1
        %convert_element_type3A_416 = arith.extui %and3A_415 : i1 to i32
        %cond3A_417 = arith.constant 0 : i32
        %cond3A_418 = arith.cmpi ne, %convert_element_type3A_416, %cond3A_417 : i32
        scf.if %cond3A_418 {
          %dma_wait3A_454 = arith.constant 2 : i32
          %dma_wait3A_455 = arith.constant 80 : i32
          %dma_wait3A_456 = arith.constant 0 : i32
          %dma_wait3A_457 = tpu.memref_slice %arg9[%dma_wait3A_455, %dma_wait3A_456] : memref<200x128xf32, #tpu.memory_space<vmem>> -> memref<40x128xf32, #tpu.memory_space<vmem>>
          %dma_wait3A_458 = arith.constant 0 : i32
          %dma_wait3A_459 = arith.constant 0 : i32
          %dma_wait3A_460 = tpu.memref_slice %arg12[%dma_wait3A_458, %dma_wait3A_459] : memref<10240x128xf32, #tpu.memory_space<vmem_shared>> -> memref<40x128xf32, #tpu.memory_space<vmem_shared>>
          %dma_wait3A_461 = tpu.memref_slice %arg14[%dma_wait3A_454] : memref<5x!tpu.dma_semaphore, #tpu.memory_space<semaphore_mem>> -> memref<1x!tpu.dma_semaphore, #tpu.memory_space<semaphore_mem>>
          %dma_wait3A_462 = tpu.memref_squeeze %dma_wait3A_461 : memref<1x!tpu.dma_semaphore, #tpu.memory_space<semaphore_mem>> -> memref<!tpu.dma_semaphore, #tpu.memory_space<semaphore_mem>>
          %dma_wait3A_463 = arith.constant 0 : i32
          %dma_wait3A_464 = arith.constant 0 : i32
          %dma_wait3A_465 = tpu.memref_slice %arg12[%dma_wait3A_463, %dma_wait3A_464] : memref<10240x128xf32, #tpu.memory_space<vmem_shared>> -> memref<40x128xf32, #tpu.memory_space<vmem_shared>>
          %dma_wait3A_466 = arith.constant 80 : i32
          %dma_wait3A_467 = arith.constant 0 : i32
          %dma_wait3A_468 = tpu.memref_slice %arg9[%dma_wait3A_466, %dma_wait3A_467] : memref<200x128xf32, #tpu.memory_space<vmem>> -> memref<40x128xf32, #tpu.memory_space<vmem>>
          tpu.wait_dma2 semaphore(%dma_wait3A_462 : memref<!tpu.dma_semaphore, #tpu.memory_space<semaphore_mem>>) src(%dma_wait3A_468 : memref<40x128xf32, #tpu.memory_space<vmem>>) dst(%dma_wait3A_465 : memref<40x128xf32, #tpu.memory_space<vmem_shared>>)
        } else {
        }
        %add3A_419 = arith.constant 3 : i32
        %add3A_420 = arith.addi %add3A_408, %add3A_419 : i32
        %lt3A_421 = arith.constant 125 : i32
        %lt3A_422 = arith.cmpi slt, %add3A_420, %lt3A_421 : i32
        %convert_element_type3A_423 = arith.extui %lt3A_422 : i1 to i32
        %cond3A_424 = arith.constant 0 : i32
        %cond3A_425 = arith.cmpi ne, %convert_element_type3A_423, %cond3A_424 : i32
        scf.if %cond3A_425 {
          %add3A_454 = arith.constant 3 : i32
          %add3A_455 = arith.addi %add3A_408, %add3A_454 : i32
          %mul3A_456 = arith.constant 40 : i32
          %mul3A_457 = arith.muli %add3A_455, %mul3A_456 : i32
          %dma_start3A_458 = arith.constant 2 : i32
          %dma_start3A_459 = arith.constant 80 : i32
          %dma_start3A_460 = arith.constant 0 : i32
          %dma_start3A_461 = tpu.memref_slice %arg9[%dma_start3A_459, %dma_start3A_460] : memref<200x128xf32, #tpu.memory_space<vmem>> -> memref<40x128xf32, #tpu.memory_space<vmem>>
          %dma_start3A_462 = tpu.memref_slice %arg10[%mul3A_457] : memref<5000xi32, #tpu.memory_space<vmem>> -> memref<40xi32, #tpu.memory_space<vmem>>
          %dma_start3A_463 = arith.constant 0 : i32
          %dma_start3A_464 = arith.constant 0 : i32
          %dma_start3A_465 = tpu.memref_slice %arg7[%arg0, %dma_start3A_463, %dma_start3A_464] : memref<2x10240x128xf32, #tpu.memory_space<hbm>> -> memref<1x10240x128xf32, #tpu.memory_space<hbm>>
          %dma_start3A_466 = tpu.memref_squeeze %dma_start3A_465 : memref<1x10240x128xf32, #tpu.memory_space<hbm>> -> memref<10240x128xf32, #tpu.memory_space<hbm>>
          %dma_start3A_467 = arith.constant 0 : i32
          %dma_start3A_468 = arith.constant 0 : i32
          %dma_start3A_469 = tpu.memref_slice %dma_start3A_466[%dma_start3A_467, %dma_start3A_468] : memref<10240x128xf32, #tpu.memory_space<hbm>> -> memref<10240x128xf32, #tpu.memory_space<hbm>>
          %dma_start3A_470 = tpu.memref_slice %arg13[%dma_start3A_458] : memref<5x!tpu.dma_semaphore, #tpu.memory_space<semaphore_mem>> -> memref<1x!tpu.dma_semaphore, #tpu.memory_space<semaphore_mem>>
          %dma_start3A_471 = tpu.memref_squeeze %dma_start3A_470 : memref<1x!tpu.dma_semaphore, #tpu.memory_space<semaphore_mem>> -> memref<!tpu.dma_semaphore, #tpu.memory_space<semaphore_mem>>
          tpu.enqueue_indirect_dma source(%dma_start3A_469 : memref<10240x128xf32, #tpu.memory_space<hbm>>) target(%dma_start3A_461 : memref<40x128xf32, #tpu.memory_space<vmem>>) offsets(%dma_start3A_462 : memref<40xi32, #tpu.memory_space<vmem>>) semaphore(%dma_start3A_471 : memref<!tpu.dma_semaphore, #tpu.memory_space<semaphore_mem>>)
        } else {
        }
        %dma_wait3A_426 = arith.constant 4 : i32
        %dma_wait3A_427 = arith.constant 160 : i32
        %dma_wait3A_428 = arith.constant 0 : i32
        %dma_wait3A_429 = tpu.memref_slice %arg9[%dma_wait3A_427, %dma_wait3A_428] : memref<200x128xf32, #tpu.memory_space<vmem>> -> memref<40x128xf32, #tpu.memory_space<vmem>>
        %dma_wait3A_430 = arith.constant 0 : i32
        %dma_wait3A_431 = tpu.memref_slice %arg10[%dma_wait3A_430] : memref<5000xi32, #tpu.memory_space<vmem>> -> memref<40xi32, #tpu.memory_space<vmem>>
        %dma_wait3A_432 = arith.constant 0 : i32
        %dma_wait3A_433 = arith.constant 0 : i32
        %dma_wait3A_434 = tpu.memref_slice %arg7[%arg0, %dma_wait3A_432, %dma_wait3A_433] : memref<2x10240x128xf32, #tpu.memory_space<hbm>> -> memref<1x10240x128xf32, #tpu.memory_space<hbm>>
        %dma_wait3A_435 = tpu.memref_squeeze %dma_wait3A_434 : memref<1x10240x128xf32, #tpu.memory_space<hbm>> -> memref<10240x128xf32, #tpu.memory_space<hbm>>
        %dma_wait3A_436 = arith.constant 0 : i32
        %dma_wait3A_437 = arith.constant 0 : i32
        %dma_wait3A_438 = tpu.memref_slice %dma_wait3A_435[%dma_wait3A_436, %dma_wait3A_437] : memref<10240x128xf32, #tpu.memory_space<hbm>> -> memref<10240x128xf32, #tpu.memory_space<hbm>>
        %dma_wait3A_439 = tpu.memref_slice %arg13[%dma_wait3A_426] : memref<5x!tpu.dma_semaphore, #tpu.memory_space<semaphore_mem>> -> memref<1x!tpu.dma_semaphore, #tpu.memory_space<semaphore_mem>>
        %dma_wait3A_440 = tpu.memref_squeeze %dma_wait3A_439 : memref<1x!tpu.dma_semaphore, #tpu.memory_space<semaphore_mem>> -> memref<!tpu.dma_semaphore, #tpu.memory_space<semaphore_mem>>
        tpu.wait_indirect_dma semaphore(%dma_wait3A_440 : memref<!tpu.dma_semaphore, #tpu.memory_space<semaphore_mem>>) src(%dma_wait3A_438 : memref<10240x128xf32, #tpu.memory_space<hbm>>) dst(%dma_wait3A_429 : memref<40x128xf32, #tpu.memory_space<vmem>>)
        %dma_start3A_441 = arith.constant 0 : i32
        %dma_start3A_442 = arith.constant 4 : i32
        %dma_start3A_443 = arith.constant 160 : i32
        %dma_start3A_444 = arith.constant 0 : i32
        %dma_start3A_445 = tpu.memref_slice %arg9[%dma_start3A_443, %dma_start3A_444] : memref<200x128xf32, #tpu.memory_space<vmem>> -> memref<40x128xf32, #tpu.memory_space<vmem>>
        %dma_start3A_446 = arith.constant 0 : i32
        %dma_start3A_447 = tpu.memref_slice %arg11[%add3A_408, %dma_start3A_441, %dma_start3A_446] : memref<125x1x40xi32, #tpu.memory_space<vmem>> -> memref<1x1x40xi32, #tpu.memory_space<vmem>>
        %dma_start3A_448 = tpu.memref_squeeze %dma_start3A_447 : memref<1x1x40xi32, #tpu.memory_space<vmem>> -> memref<40xi32, #tpu.memory_space<vmem>>
        %dma_start3A_449 = arith.constant 0 : i32
        %dma_start3A_450 = arith.constant 0 : i32
        %dma_start3A_451 = tpu.memref_slice %arg12[%dma_start3A_449, %dma_start3A_450] : memref<10240x128xf32, #tpu.memory_space<vmem_shared>> -> memref<10240x128xf32, #tpu.memory_space<vmem_shared>>
        %dma_start3A_452 = tpu.memref_slice %arg14[%dma_start3A_442] : memref<5x!tpu.dma_semaphore, #tpu.memory_space<semaphore_mem>> -> memref<1x!tpu.dma_semaphore, #tpu.memory_space<semaphore_mem>>
        %dma_start3A_453 = tpu.memref_squeeze %dma_start3A_452 : memref<1x!tpu.dma_semaphore, #tpu.memory_space<semaphore_mem>> -> memref<!tpu.dma_semaphore, #tpu.memory_space<semaphore_mem>>
        tpu.enqueue_indirect_dma source(%dma_start3A_445 : memref<40x128xf32, #tpu.memory_space<vmem>>) target(%dma_start3A_451 : memref<10240x128xf32, #tpu.memory_space<vmem_shared>>) offsets(%dma_start3A_448 : memref<40xi32, #tpu.memory_space<vmem>>) semaphore(%dma_start3A_453 : memref<!tpu.dma_semaphore, #tpu.memory_space<semaphore_mem>>) {add = true}
      }
      %scan3A_134 = arith.constant 25 : i32
      %dma_wait3A = arith.constant 0 : i32
      %dma_wait3A_135 = arith.constant 0 : i32
      %dma_wait3A_136 = arith.constant 0 : i32
      %dma_wait3A_137 = tpu.memref_slice %arg9[%dma_wait3A_135, %dma_wait3A_136] : memref<200x128xf32, #tpu.memory_space<vmem>> -> memref<40x128xf32, #tpu.memory_space<vmem>>
      %dma_wait3A_138 = arith.constant 0 : i32
      %dma_wait3A_139 = arith.constant 0 : i32
      %dma_wait3A_140 = tpu.memref_slice %arg12[%dma_wait3A_138, %dma_wait3A_139] : memref<10240x128xf32, #tpu.memory_space<vmem_shared>> -> memref<40x128xf32, #tpu.memory_space<vmem_shared>>
      %dma_wait3A_141 = tpu.memref_slice %arg14[%dma_wait3A] : memref<5x!tpu.dma_semaphore, #tpu.memory_space<semaphore_mem>> -> memref<1x!tpu.dma_semaphore, #tpu.memory_space<semaphore_mem>>
      %dma_wait3A_142 = tpu.memref_squeeze %dma_wait3A_141 : memref<1x!tpu.dma_semaphore, #tpu.memory_space<semaphore_mem>> -> memref<!tpu.dma_semaphore, #tpu.memory_space<semaphore_mem>>
      %dma_wait3A_143 = arith.constant 0 : i32
      %dma_wait3A_144 = arith.constant 0 : i32
      %dma_wait3A_145 = tpu.memref_slice %arg12[%dma_wait3A_143, %dma_wait3A_144] : memref<10240x128xf32, #tpu.memory_space<vmem_shared>> -> memref<40x128xf32, #tpu.memory_space<vmem_shared>>
      %dma_wait3A_146 = arith.constant 0 : i32
      %dma_wait3A_147 = arith.constant 0 : i32
      %dma_wait3A_148 = tpu.memref_slice %arg9[%dma_wait3A_146, %dma_wait3A_147] : memref<200x128xf32, #tpu.memory_space<vmem>> -> memref<40x128xf32, #tpu.memory_space<vmem>>
      tpu.wait_dma2 semaphore(%dma_wait3A_142 : memref<!tpu.dma_semaphore, #tpu.memory_space<semaphore_mem>>) src(%dma_wait3A_148 : memref<40x128xf32, #tpu.memory_space<vmem>>) dst(%dma_wait3A_145 : memref<40x128xf32, #tpu.memory_space<vmem_shared>>)
      %dma_wait3A_149 = arith.constant 1 : i32
      %dma_wait3A_150 = arith.constant 40 : i32
      %dma_wait3A_151 = arith.constant 0 : i32
      %dma_wait3A_152 = tpu.memref_slice %arg9[%dma_wait3A_150, %dma_wait3A_151] : memref<200x128xf32, #tpu.memory_space<vmem>> -> memref<40x128xf32, #tpu.memory_space<vmem>>
      %dma_wait3A_153 = arith.constant 0 : i32
      %dma_wait3A_154 = arith.constant 0 : i32
      %dma_wait3A_155 = tpu.memref_slice %arg12[%dma_wait3A_153, %dma_wait3A_154] : memref<10240x128xf32, #tpu.memory_space<vmem_shared>> -> memref<40x128xf32, #tpu.memory_space<vmem_shared>>
      %dma_wait3A_156 = tpu.memref_slice %arg14[%dma_wait3A_149] : memref<5x!tpu.dma_semaphore, #tpu.memory_space<semaphore_mem>> -> memref<1x!tpu.dma_semaphore, #tpu.memory_space<semaphore_mem>>
      %dma_wait3A_157 = tpu.memref_squeeze %dma_wait3A_156 : memref<1x!tpu.dma_semaphore, #tpu.memory_space<semaphore_mem>> -> memref<!tpu.dma_semaphore, #tpu.memory_space<semaphore_mem>>
      %dma_wait3A_158 = arith.constant 0 : i32
      %dma_wait3A_159 = arith.constant 0 : i32
      %dma_wait3A_160 = tpu.memref_slice %arg12[%dma_wait3A_158, %dma_wait3A_159] : memref<10240x128xf32, #tpu.memory_space<vmem_shared>> -> memref<40x128xf32, #tpu.memory_space<vmem_shared>>
      %dma_wait3A_161 = arith.constant 40 : i32
      %dma_wait3A_162 = arith.constant 0 : i32
      %dma_wait3A_163 = tpu.memref_slice %arg9[%dma_wait3A_161, %dma_wait3A_162] : memref<200x128xf32, #tpu.memory_space<vmem>> -> memref<40x128xf32, #tpu.memory_space<vmem>>
      tpu.wait_dma2 semaphore(%dma_wait3A_157 : memref<!tpu.dma_semaphore, #tpu.memory_space<semaphore_mem>>) src(%dma_wait3A_163 : memref<40x128xf32, #tpu.memory_space<vmem>>) dst(%dma_wait3A_160 : memref<40x128xf32, #tpu.memory_space<vmem_shared>>)
      %dma_wait3A_164 = arith.constant 2 : i32
      %dma_wait3A_165 = arith.constant 80 : i32
      %dma_wait3A_166 = arith.constant 0 : i32
      %dma_wait3A_167 = tpu.memref_slice %arg9[%dma_wait3A_165, %dma_wait3A_166] : memref<200x128xf32, #tpu.memory_space<vmem>> -> memref<40x128xf32, #tpu.memory_space<vmem>>
      %dma_wait3A_168 = arith.constant 0 : i32
      %dma_wait3A_169 = arith.constant 0 : i32
      %dma_wait3A_170 = tpu.memref_slice %arg12[%dma_wait3A_168, %dma_wait3A_169] : memref<10240x128xf32, #tpu.memory_space<vmem_shared>> -> memref<40x128xf32, #tpu.memory_space<vmem_shared>>
      %dma_wait3A_171 = tpu.memref_slice %arg14[%dma_wait3A_164] : memref<5x!tpu.dma_semaphore, #tpu.memory_space<semaphore_mem>> -> memref<1x!tpu.dma_semaphore, #tpu.memory_space<semaphore_mem>>
      %dma_wait3A_172 = tpu.memref_squeeze %dma_wait3A_171 : memref<1x!tpu.dma_semaphore, #tpu.memory_space<semaphore_mem>> -> memref<!tpu.dma_semaphore, #tpu.memory_space<semaphore_mem>>
      %dma_wait3A_173 = arith.constant 0 : i32
      %dma_wait3A_174 = arith.constant 0 : i32
      %dma_wait3A_175 = tpu.memref_slice %arg12[%dma_wait3A_173, %dma_wait3A_174] : memref<10240x128xf32, #tpu.memory_space<vmem_shared>> -> memref<40x128xf32, #tpu.memory_space<vmem_shared>>
      %dma_wait3A_176 = arith.constant 80 : i32
      %dma_wait3A_177 = arith.constant 0 : i32
      %dma_wait3A_178 = tpu.memref_slice %arg9[%dma_wait3A_176, %dma_wait3A_177] : memref<200x128xf32, #tpu.memory_space<vmem>> -> memref<40x128xf32, #tpu.memory_space<vmem>>
      tpu.wait_dma2 semaphore(%dma_wait3A_172 : memref<!tpu.dma_semaphore, #tpu.memory_space<semaphore_mem>>) src(%dma_wait3A_178 : memref<40x128xf32, #tpu.memory_space<vmem>>) dst(%dma_wait3A_175 : memref<40x128xf32, #tpu.memory_space<vmem_shared>>)
      %dma_wait3A_179 = arith.constant 3 : i32
      %dma_wait3A_180 = arith.constant 120 : i32
      %dma_wait3A_181 = arith.constant 0 : i32
      %dma_wait3A_182 = tpu.memref_slice %arg9[%dma_wait3A_180, %dma_wait3A_181] : memref<200x128xf32, #tpu.memory_space<vmem>> -> memref<40x128xf32, #tpu.memory_space<vmem>>
      %dma_wait3A_183 = arith.constant 0 : i32
      %dma_wait3A_184 = arith.constant 0 : i32
      %dma_wait3A_185 = tpu.memref_slice %arg12[%dma_wait3A_183, %dma_wait3A_184] : memref<10240x128xf32, #tpu.memory_space<vmem_shared>> -> memref<40x128xf32, #tpu.memory_space<vmem_shared>>
      %dma_wait3A_186 = tpu.memref_slice %arg14[%dma_wait3A_179] : memref<5x!tpu.dma_semaphore, #tpu.memory_space<semaphore_mem>> -> memref<1x!tpu.dma_semaphore, #tpu.memory_space<semaphore_mem>>
      %dma_wait3A_187 = tpu.memref_squeeze %dma_wait3A_186 : memref<1x!tpu.dma_semaphore, #tpu.memory_space<semaphore_mem>> -> memref<!tpu.dma_semaphore, #tpu.memory_space<semaphore_mem>>
      %dma_wait3A_188 = arith.constant 0 : i32
      %dma_wait3A_189 = arith.constant 0 : i32
      %dma_wait3A_190 = tpu.memref_slice %arg12[%dma_wait3A_188, %dma_wait3A_189] : memref<10240x128xf32, #tpu.memory_space<vmem_shared>> -> memref<40x128xf32, #tpu.memory_space<vmem_shared>>
      %dma_wait3A_191 = arith.constant 120 : i32
      %dma_wait3A_192 = arith.constant 0 : i32
      %dma_wait3A_193 = tpu.memref_slice %arg9[%dma_wait3A_191, %dma_wait3A_192] : memref<200x128xf32, #tpu.memory_space<vmem>> -> memref<40x128xf32, #tpu.memory_space<vmem>>
      tpu.wait_dma2 semaphore(%dma_wait3A_187 : memref<!tpu.dma_semaphore, #tpu.memory_space<semaphore_mem>>) src(%dma_wait3A_193 : memref<40x128xf32, #tpu.memory_space<vmem>>) dst(%dma_wait3A_190 : memref<40x128xf32, #tpu.memory_space<vmem_shared>>)
      %dma_wait3A_194 = arith.constant 4 : i32
      %dma_wait3A_195 = arith.constant 160 : i32
      %dma_wait3A_196 = arith.constant 0 : i32
      %dma_wait3A_197 = tpu.memref_slice %arg9[%dma_wait3A_195, %dma_wait3A_196] : memref<200x128xf32, #tpu.memory_space<vmem>> -> memref<40x128xf32, #tpu.memory_space<vmem>>
      %dma_wait3A_198 = arith.constant 0 : i32
      %dma_wait3A_199 = arith.constant 0 : i32
      %dma_wait3A_200 = tpu.memref_slice %arg12[%dma_wait3A_198, %dma_wait3A_199] : memref<10240x128xf32, #tpu.memory_space<vmem_shared>> -> memref<40x128xf32, #tpu.memory_space<vmem_shared>>
      %dma_wait3A_201 = tpu.memref_slice %arg14[%dma_wait3A_194] : memref<5x!tpu.dma_semaphore, #tpu.memory_space<semaphore_mem>> -> memref<1x!tpu.dma_semaphore, #tpu.memory_space<semaphore_mem>>
      %dma_wait3A_202 = tpu.memref_squeeze %dma_wait3A_201 : memref<1x!tpu.dma_semaphore, #tpu.memory_space<semaphore_mem>> -> memref<!tpu.dma_semaphore, #tpu.memory_space<semaphore_mem>>
      %dma_wait3A_203 = arith.constant 0 : i32
      %dma_wait3A_204 = arith.constant 0 : i32
      %dma_wait3A_205 = tpu.memref_slice %arg12[%dma_wait3A_203, %dma_wait3A_204] : memref<10240x128xf32, #tpu.memory_space<vmem_shared>> -> memref<40x128xf32, #tpu.memory_space<vmem_shared>>
      %dma_wait3A_206 = arith.constant 160 : i32
      %dma_wait3A_207 = arith.constant 0 : i32
      %dma_wait3A_208 = tpu.memref_slice %arg9[%dma_wait3A_206, %dma_wait3A_207] : memref<200x128xf32, #tpu.memory_space<vmem>> -> memref<40x128xf32, #tpu.memory_space<vmem>>
      tpu.wait_dma2 semaphore(%dma_wait3A_202 : memref<!tpu.dma_semaphore, #tpu.memory_space<semaphore_mem>>) src(%dma_wait3A_208 : memref<40x128xf32, #tpu.memory_space<vmem>>) dst(%dma_wait3A_205 : memref<40x128xf32, #tpu.memory_space<vmem_shared>>)
    }
    %scan3A_58 = arith.constant 2 : i32
    %barrier3A_59 = arith.constant 0 : index
    tpu.barrier barrier_id(%barrier3A_59)
    %mul3A_60 = arith.constant 640 : i32
    %mul3A_61 = arith.muli %arg1, %mul3A_60 : i32
    %add3A_62 = arith.constant 0 : i32
    %add3A_63 = arith.addi %mul3A_61, %add3A_62 : i32
    "tpu.region"() ({
      %run_scoped3A = tpu.sem_alloc : memref<!tpu.dma_semaphore, #tpu.memory_space<semaphore_mem>>
      %dma_start3A = arith.constant 0 : i32
      %dma_start3A_76 = arith.constant 0 : i32
      %dma_start3A_77 = tpu.memref_slice %arg9[%dma_start3A, %dma_start3A_76] : memref<200x128xf32, #tpu.memory_space<vmem>> -> memref<200x128xf32, #tpu.memory_space<vmem>>
      %dma_start3A_78 = arith.constant 0 : i32
      %dma_start3A_79 = tpu.memref_slice %arg12[%add3A_63, %dma_start3A_78] : memref<10240x128xf32, #tpu.memory_space<vmem_shared>> -> memref<200x128xf32, #tpu.memory_space<vmem_shared>>
      %dma_start3A_80 = arith.constant 0 : i32
      %dma_start3A_81 = arith.constant 0 : i32
      %dma_start3A_82 = tpu.memref_slice %arg9[%dma_start3A_80, %dma_start3A_81] : memref<200x128xf32, #tpu.memory_space<vmem>> -> memref<200x128xf32, #tpu.memory_space<vmem>>
      %dma_start3A_83 = arith.constant 0 : i32
      %dma_start3A_84 = tpu.memref_slice %arg12[%add3A_63, %dma_start3A_83] : memref<10240x128xf32, #tpu.memory_space<vmem_shared>> -> memref<200x128xf32, #tpu.memory_space<vmem_shared>>
      tpu.enqueue_dma source(%dma_start3A_84 : memref<200x128xf32, #tpu.memory_space<vmem_shared>>) target(%dma_start3A_82 : memref<200x128xf32, #tpu.memory_space<vmem>>) target_semaphore(%run_scoped3A : memref<!tpu.dma_semaphore, #tpu.memory_space<semaphore_mem>>)
      %dma_wait3A = arith.constant 0 : i32
      %dma_wait3A_85 = arith.constant 0 : i32
      %dma_wait3A_86 = tpu.memref_slice %arg9[%dma_wait3A, %dma_wait3A_85] : memref<200x128xf32, #tpu.memory_space<vmem>> -> memref<200x128xf32, #tpu.memory_space<vmem>>
      %dma_wait3A_87 = arith.constant 0 : i32
      %dma_wait3A_88 = tpu.memref_slice %arg12[%add3A_63, %dma_wait3A_87] : memref<10240x128xf32, #tpu.memory_space<vmem_shared>> -> memref<200x128xf32, #tpu.memory_space<vmem_shared>>
      %dma_wait3A_89 = arith.constant 0 : i32
      %dma_wait3A_90 = arith.constant 0 : i32
      %dma_wait3A_91 = tpu.memref_slice %arg9[%dma_wait3A_89, %dma_wait3A_90] : memref<200x128xf32, #tpu.memory_space<vmem>> -> memref<200x128xf32, #tpu.memory_space<vmem>>
      %dma_wait3A_92 = arith.constant 0 : i32
      %dma_wait3A_93 = tpu.memref_slice %arg12[%add3A_63, %dma_wait3A_92] : memref<10240x128xf32, #tpu.memory_space<vmem_shared>> -> memref<200x128xf32, #tpu.memory_space<vmem_shared>>
      tpu.wait_dma2 semaphore(%run_scoped3A : memref<!tpu.dma_semaphore, #tpu.memory_space<semaphore_mem>>) src(%dma_wait3A_93 : memref<200x128xf32, #tpu.memory_space<vmem_shared>>) dst(%dma_wait3A_91 : memref<200x128xf32, #tpu.memory_space<vmem>>)
      tpu.yield
    }) : () -> ()
    "tpu.region"() ({
      %run_scoped3A = tpu.sem_alloc : memref<!tpu.dma_semaphore, #tpu.memory_space<semaphore_mem>>
      %dma_start3A = arith.constant 0 : i32
      %dma_start3A_76 = arith.constant 0 : i32
      %dma_start3A_77 = tpu.memref_slice %arg9[%dma_start3A, %dma_start3A_76] : memref<200x128xf32, #tpu.memory_space<vmem>> -> memref<200x128xf32, #tpu.memory_space<vmem>>
      %dma_start3A_78 = arith.constant 0 : i32
      %dma_start3A_79 = tpu.memref_slice %arg8[%arg0, %add3A_63, %dma_start3A_78] : memref<2x10240x128xf32, #tpu.memory_space<hbm>> -> memref<1x200x128xf32, #tpu.memory_space<hbm>>
      %dma_start3A_80 = tpu.memref_squeeze %dma_start3A_79 : memref<1x200x128xf32, #tpu.memory_space<hbm>> -> memref<200x128xf32, #tpu.memory_space<hbm>>
      %dma_start3A_81 = arith.constant 0 : i32
      %dma_start3A_82 = tpu.memref_slice %arg8[%arg0, %add3A_63, %dma_start3A_81] : memref<2x10240x128xf32, #tpu.memory_space<hbm>> -> memref<1x200x128xf32, #tpu.memory_space<hbm>>
      %dma_start3A_83 = tpu.memref_squeeze %dma_start3A_82 : memref<1x200x128xf32, #tpu.memory_space<hbm>> -> memref<200x128xf32, #tpu.memory_space<hbm>>
      %dma_start3A_84 = arith.constant 0 : i32
      %dma_start3A_85 = arith.constant 0 : i32
      %dma_start3A_86 = tpu.memref_slice %arg9[%dma_start3A_84, %dma_start3A_85] : memref<200x128xf32, #tpu.memory_space<vmem>> -> memref<200x128xf32, #tpu.memory_space<vmem>>
      tpu.enqueue_dma source(%dma_start3A_86 : memref<200x128xf32, #tpu.memory_space<vmem>>) target(%dma_start3A_83 : memref<200x128xf32, #tpu.memory_space<hbm>>) target_semaphore(%run_scoped3A : memref<!tpu.dma_semaphore, #tpu.memory_space<semaphore_mem>>)
      %dma_wait3A = arith.constant 0 : i32
      %dma_wait3A_87 = arith.constant 0 : i32
      %dma_wait3A_88 = tpu.memref_slice %arg9[%dma_wait3A, %dma_wait3A_87] : memref<200x128xf32, #tpu.memory_space<vmem>> -> memref<200x128xf32, #tpu.memory_space<vmem>>
      %dma_wait3A_89 = arith.constant 0 : i32
      %dma_wait3A_90 = tpu.memref_slice %arg8[%arg0, %add3A_63, %dma_wait3A_89] : memref<2x10240x128xf32, #tpu.memory_space<hbm>> -> memref<1x200x128xf32, #tpu.memory_space<hbm>>
      %dma_wait3A_91 = tpu.memref_squeeze %dma_wait3A_90 : memref<1x200x128xf32, #tpu.memory_space<hbm>> -> memref<200x128xf32, #tpu.memory_space<hbm>>
      %dma_wait3A_92 = arith.constant 0 : i32
      %dma_wait3A_93 = tpu.memref_slice %arg8[%arg0, %add3A_63, %dma_wait3A_92] : memref<2x10240x128xf32, #tpu.memory_space<hbm>> -> memref<1x200x128xf32, #tpu.memory_space<hbm>>
      %dma_wait3A_94 = tpu.memref_squeeze %dma_wait3A_93 : memref<1x200x128xf32, #tpu.memory_space<hbm>> -> memref<200x128xf32, #tpu.memory_space<hbm>>
      %dma_wait3A_95 = arith.constant 0 : i32
      %dma_wait3A_96 = arith.constant 0 : i32
      %dma_wait3A_97 = tpu.memref_slice %arg9[%dma_wait3A_95, %dma_wait3A_96] : memref<200x128xf32, #tpu.memory_space<vmem>> -> memref<200x128xf32, #tpu.memory_space<vmem>>
      tpu.wait_dma2 semaphore(%run_scoped3A : memref<!tpu.dma_semaphore, #tpu.memory_space<semaphore_mem>>) src(%dma_wait3A_97 : memref<200x128xf32, #tpu.memory_space<vmem>>) dst(%dma_wait3A_94 : memref<200x128xf32, #tpu.memory_space<hbm>>)
      tpu.yield
    }) : () -> ()
    %mul3A_64 = arith.constant 640 : i32
    %mul3A_65 = arith.muli %arg1, %mul3A_64 : i32
    %add3A_66 = arith.constant 200 : i32
    %add3A_67 = arith.addi %mul3A_65, %add3A_66 : i32
    "tpu.region"() ({
      %run_scoped3A = tpu.sem_alloc : memref<!tpu.dma_semaphore, #tpu.memory_space<semaphore_mem>>
      %dma_start3A = arith.constant 0 : i32
      %dma_start3A_76 = arith.constant 0 : i32
      %dma_start3A_77 = tpu.memref_slice %arg9[%dma_start3A, %dma_start3A_76] : memref<200x128xf32, #tpu.memory_space<vmem>> -> memref<200x128xf32, #tpu.memory_space<vmem>>
      %dma_start3A_78 = arith.constant 0 : i32
      %dma_start3A_79 = tpu.memref_slice %arg12[%add3A_67, %dma_start3A_78] : memref<10240x128xf32, #tpu.memory_space<vmem_shared>> -> memref<200x128xf32, #tpu.memory_space<vmem_shared>>
      %dma_start3A_80 = arith.constant 0 : i32
      %dma_start3A_81 = arith.constant 0 : i32
      %dma_start3A_82 = tpu.memref_slice %arg9[%dma_start3A_80, %dma_start3A_81] : memref<200x128xf32, #tpu.memory_space<vmem>> -> memref<200x128xf32, #tpu.memory_space<vmem>>
      %dma_start3A_83 = arith.constant 0 : i32
      %dma_start3A_84 = tpu.memref_slice %arg12[%add3A_67, %dma_start3A_83] : memref<10240x128xf32, #tpu.memory_space<vmem_shared>> -> memref<200x128xf32, #tpu.memory_space<vmem_shared>>
      tpu.enqueue_dma source(%dma_start3A_84 : memref<200x128xf32, #tpu.memory_space<vmem_shared>>) target(%dma_start3A_82 : memref<200x128xf32, #tpu.memory_space<vmem>>) target_semaphore(%run_scoped3A : memref<!tpu.dma_semaphore, #tpu.memory_space<semaphore_mem>>)
      %dma_wait3A = arith.constant 0 : i32
      %dma_wait3A_85 = arith.constant 0 : i32
      %dma_wait3A_86 = tpu.memref_slice %arg9[%dma_wait3A, %dma_wait3A_85] : memref<200x128xf32, #tpu.memory_space<vmem>> -> memref<200x128xf32, #tpu.memory_space<vmem>>
      %dma_wait3A_87 = arith.constant 0 : i32
      %dma_wait3A_88 = tpu.memref_slice %arg12[%add3A_67, %dma_wait3A_87] : memref<10240x128xf32, #tpu.memory_space<vmem_shared>> -> memref<200x128xf32, #tpu.memory_space<vmem_shared>>
      %dma_wait3A_89 = arith.constant 0 : i32
      %dma_wait3A_90 = arith.constant 0 : i32
      %dma_wait3A_91 = tpu.memref_slice %arg9[%dma_wait3A_89, %dma_wait3A_90] : memref<200x128xf32, #tpu.memory_space<vmem>> -> memref<200x128xf32, #tpu.memory_space<vmem>>
      %dma_wait3A_92 = arith.constant 0 : i32
      %dma_wait3A_93 = tpu.memref_slice %arg12[%add3A_67, %dma_wait3A_92] : memref<10240x128xf32, #tpu.memory_space<vmem_shared>> -> memref<200x128xf32, #tpu.memory_space<vmem_shared>>
      tpu.wait_dma2 semaphore(%run_scoped3A : memref<!tpu.dma_semaphore, #tpu.memory_space<semaphore_mem>>) src(%dma_wait3A_93 : memref<200x128xf32, #tpu.memory_space<vmem_shared>>) dst(%dma_wait3A_91 : memref<200x128xf32, #tpu.memory_space<vmem>>)
      tpu.yield
    }) : () -> ()
    "tpu.region"() ({
      %run_scoped3A = tpu.sem_alloc : memref<!tpu.dma_semaphore, #tpu.memory_space<semaphore_mem>>
      %dma_start3A = arith.constant 0 : i32
      %dma_start3A_76 = arith.constant 0 : i32
      %dma_start3A_77 = tpu.memref_slice %arg9[%dma_start3A, %dma_start3A_76] : memref<200x128xf32, #tpu.memory_space<vmem>> -> memref<200x128xf32, #tpu.memory_space<vmem>>
      %dma_start3A_78 = arith.constant 0 : i32
      %dma_start3A_79 = tpu.memref_slice %arg8[%arg0, %add3A_67, %dma_start3A_78] : memref<2x10240x128xf32, #tpu.memory_space<hbm>> -> memref<1x200x128xf32, #tpu.memory_space<hbm>>
      %dma_start3A_80 = tpu.memref_squeeze %dma_start3A_79 : memref<1x200x128xf32, #tpu.memory_space<hbm>> -> memref<200x128xf32, #tpu.memory_space<hbm>>
      %dma_start3A_81 = arith.constant 0 : i32
      %dma_start3A_82 = tpu.memref_slice %arg8[%arg0, %add3A_67, %dma_start3A_81] : memref<2x10240x128xf32, #tpu.memory_space<hbm>> -> memref<1x200x128xf32, #tpu.memory_space<hbm>>
      %dma_start3A_83 = tpu.memref_squeeze %dma_start3A_82 : memref<1x200x128xf32, #tpu.memory_space<hbm>> -> memref<200x128xf32, #tpu.memory_space<hbm>>
      %dma_start3A_84 = arith.constant 0 : i32
      %dma_start3A_85 = arith.constant 0 : i32
      %dma_start3A_86 = tpu.memref_slice %arg9[%dma_start3A_84, %dma_start3A_85] : memref<200x128xf32, #tpu.memory_space<vmem>> -> memref<200x128xf32, #tpu.memory_space<vmem>>
      tpu.enqueue_dma source(%dma_start3A_86 : memref<200x128xf32, #tpu.memory_space<vmem>>) target(%dma_start3A_83 : memref<200x128xf32, #tpu.memory_space<hbm>>) target_semaphore(%run_scoped3A : memref<!tpu.dma_semaphore, #tpu.memory_space<semaphore_mem>>)
      %dma_wait3A = arith.constant 0 : i32
      %dma_wait3A_87 = arith.constant 0 : i32
      %dma_wait3A_88 = tpu.memref_slice %arg9[%dma_wait3A, %dma_wait3A_87] : memref<200x128xf32, #tpu.memory_space<vmem>> -> memref<200x128xf32, #tpu.memory_space<vmem>>
      %dma_wait3A_89 = arith.constant 0 : i32
      %dma_wait3A_90 = tpu.memref_slice %arg8[%arg0, %add3A_67, %dma_wait3A_89] : memref<2x10240x128xf32, #tpu.memory_space<hbm>> -> memref<1x200x128xf32, #tpu.memory_space<hbm>>
      %dma_wait3A_91 = tpu.memref_squeeze %dma_wait3A_90 : memref<1x200x128xf32, #tpu.memory_space<hbm>> -> memref<200x128xf32, #tpu.memory_space<hbm>>
      %dma_wait3A_92 = arith.constant 0 : i32
      %dma_wait3A_93 = tpu.memref_slice %arg8[%arg0, %add3A_67, %dma_wait3A_92] : memref<2x10240x128xf32, #tpu.memory_space<hbm>> -> memref<1x200x128xf32, #tpu.memory_space<hbm>>
      %dma_wait3A_94 = tpu.memref_squeeze %dma_wait3A_93 : memref<1x200x128xf32, #tpu.memory_space<hbm>> -> memref<200x128xf32, #tpu.memory_space<hbm>>
      %dma_wait3A_95 = arith.constant 0 : i32
      %dma_wait3A_96 = arith.constant 0 : i32
      %dma_wait3A_97 = tpu.memref_slice %arg9[%dma_wait3A_95, %dma_wait3A_96] : memref<200x128xf32, #tpu.memory_space<vmem>> -> memref<200x128xf32, #tpu.memory_space<vmem>>
      tpu.wait_dma2 semaphore(%run_scoped3A : memref<!tpu.dma_semaphore, #tpu.memory_space<semaphore_mem>>) src(%dma_wait3A_97 : memref<200x128xf32, #tpu.memory_space<vmem>>) dst(%dma_wait3A_94 : memref<200x128xf32, #tpu.memory_space<hbm>>)
      tpu.yield
    }) : () -> ()
    %mul3A_68 = arith.constant 640 : i32
    %mul3A_69 = arith.muli %arg1, %mul3A_68 : i32
    %add3A_70 = arith.constant 400 : i32
    %add3A_71 = arith.addi %mul3A_69, %add3A_70 : i32
    "tpu.region"() ({
      %run_scoped3A = tpu.sem_alloc : memref<!tpu.dma_semaphore, #tpu.memory_space<semaphore_mem>>
      %dma_start3A = arith.constant 0 : i32
      %dma_start3A_76 = arith.constant 0 : i32
      %dma_start3A_77 = tpu.memref_slice %arg9[%dma_start3A, %dma_start3A_76] : memref<200x128xf32, #tpu.memory_space<vmem>> -> memref<200x128xf32, #tpu.memory_space<vmem>>
      %dma_start3A_78 = arith.constant 0 : i32
      %dma_start3A_79 = tpu.memref_slice %arg12[%add3A_71, %dma_start3A_78] : memref<10240x128xf32, #tpu.memory_space<vmem_shared>> -> memref<200x128xf32, #tpu.memory_space<vmem_shared>>
      %dma_start3A_80 = arith.constant 0 : i32
      %dma_start3A_81 = arith.constant 0 : i32
      %dma_start3A_82 = tpu.memref_slice %arg9[%dma_start3A_80, %dma_start3A_81] : memref<200x128xf32, #tpu.memory_space<vmem>> -> memref<200x128xf32, #tpu.memory_space<vmem>>
      %dma_start3A_83 = arith.constant 0 : i32
      %dma_start3A_84 = tpu.memref_slice %arg12[%add3A_71, %dma_start3A_83] : memref<10240x128xf32, #tpu.memory_space<vmem_shared>> -> memref<200x128xf32, #tpu.memory_space<vmem_shared>>
      tpu.enqueue_dma source(%dma_start3A_84 : memref<200x128xf32, #tpu.memory_space<vmem_shared>>) target(%dma_start3A_82 : memref<200x128xf32, #tpu.memory_space<vmem>>) target_semaphore(%run_scoped3A : memref<!tpu.dma_semaphore, #tpu.memory_space<semaphore_mem>>)
      %dma_wait3A = arith.constant 0 : i32
      %dma_wait3A_85 = arith.constant 0 : i32
      %dma_wait3A_86 = tpu.memref_slice %arg9[%dma_wait3A, %dma_wait3A_85] : memref<200x128xf32, #tpu.memory_space<vmem>> -> memref<200x128xf32, #tpu.memory_space<vmem>>
      %dma_wait3A_87 = arith.constant 0 : i32
      %dma_wait3A_88 = tpu.memref_slice %arg12[%add3A_71, %dma_wait3A_87] : memref<10240x128xf32, #tpu.memory_space<vmem_shared>> -> memref<200x128xf32, #tpu.memory_space<vmem_shared>>
      %dma_wait3A_89 = arith.constant 0 : i32
      %dma_wait3A_90 = arith.constant 0 : i32
      %dma_wait3A_91 = tpu.memref_slice %arg9[%dma_wait3A_89, %dma_wait3A_90] : memref<200x128xf32, #tpu.memory_space<vmem>> -> memref<200x128xf32, #tpu.memory_space<vmem>>
      %dma_wait3A_92 = arith.constant 0 : i32
      %dma_wait3A_93 = tpu.memref_slice %arg12[%add3A_71, %dma_wait3A_92] : memref<10240x128xf32, #tpu.memory_space<vmem_shared>> -> memref<200x128xf32, #tpu.memory_space<vmem_shared>>
      tpu.wait_dma2 semaphore(%run_scoped3A : memref<!tpu.dma_semaphore, #tpu.memory_space<semaphore_mem>>) src(%dma_wait3A_93 : memref<200x128xf32, #tpu.memory_space<vmem_shared>>) dst(%dma_wait3A_91 : memref<200x128xf32, #tpu.memory_space<vmem>>)
      tpu.yield
    }) : () -> ()
    "tpu.region"() ({
      %run_scoped3A = tpu.sem_alloc : memref<!tpu.dma_semaphore, #tpu.memory_space<semaphore_mem>>
      %dma_start3A = arith.constant 0 : i32
      %dma_start3A_76 = arith.constant 0 : i32
      %dma_start3A_77 = tpu.memref_slice %arg9[%dma_start3A, %dma_start3A_76] : memref<200x128xf32, #tpu.memory_space<vmem>> -> memref<200x128xf32, #tpu.memory_space<vmem>>
      %dma_start3A_78 = arith.constant 0 : i32
      %dma_start3A_79 = tpu.memref_slice %arg8[%arg0, %add3A_71, %dma_start3A_78] : memref<2x10240x128xf32, #tpu.memory_space<hbm>> -> memref<1x200x128xf32, #tpu.memory_space<hbm>>
      %dma_start3A_80 = tpu.memref_squeeze %dma_start3A_79 : memref<1x200x128xf32, #tpu.memory_space<hbm>> -> memref<200x128xf32, #tpu.memory_space<hbm>>
      %dma_start3A_81 = arith.constant 0 : i32
      %dma_start3A_82 = tpu.memref_slice %arg8[%arg0, %add3A_71, %dma_start3A_81] : memref<2x10240x128xf32, #tpu.memory_space<hbm>> -> memref<1x200x128xf32, #tpu.memory_space<hbm>>
      %dma_start3A_83 = tpu.memref_squeeze %dma_start3A_82 : memref<1x200x128xf32, #tpu.memory_space<hbm>> -> memref<200x128xf32, #tpu.memory_space<hbm>>
      %dma_start3A_84 = arith.constant 0 : i32
      %dma_start3A_85 = arith.constant 0 : i32
      %dma_start3A_86 = tpu.memref_slice %arg9[%dma_start3A_84, %dma_start3A_85] : memref<200x128xf32, #tpu.memory_space<vmem>> -> memref<200x128xf32, #tpu.memory_space<vmem>>
      tpu.enqueue_dma source(%dma_start3A_86 : memref<200x128xf32, #tpu.memory_space<vmem>>) target(%dma_start3A_83 : memref<200x128xf32, #tpu.memory_space<hbm>>) target_semaphore(%run_scoped3A : memref<!tpu.dma_semaphore, #tpu.memory_space<semaphore_mem>>)
      %dma_wait3A = arith.constant 0 : i32
      %dma_wait3A_87 = arith.constant 0 : i32
      %dma_wait3A_88 = tpu.memref_slice %arg9[%dma_wait3A, %dma_wait3A_87] : memref<200x128xf32, #tpu.memory_space<vmem>> -> memref<200x128xf32, #tpu.memory_space<vmem>>
      %dma_wait3A_89 = arith.constant 0 : i32
      %dma_wait3A_90 = tpu.memref_slice %arg8[%arg0, %add3A_71, %dma_wait3A_89] : memref<2x10240x128xf32, #tpu.memory_space<hbm>> -> memref<1x200x128xf32, #tpu.memory_space<hbm>>
      %dma_wait3A_91 = tpu.memref_squeeze %dma_wait3A_90 : memref<1x200x128xf32, #tpu.memory_space<hbm>> -> memref<200x128xf32, #tpu.memory_space<hbm>>
      %dma_wait3A_92 = arith.constant 0 : i32
      %dma_wait3A_93 = tpu.memref_slice %arg8[%arg0, %add3A_71, %dma_wait3A_92] : memref<2x10240x128xf32, #tpu.memory_space<hbm>> -> memref<1x200x128xf32, #tpu.memory_space<hbm>>
      %dma_wait3A_94 = tpu.memref_squeeze %dma_wait3A_93 : memref<1x200x128xf32, #tpu.memory_space<hbm>> -> memref<200x128xf32, #tpu.memory_space<hbm>>
      %dma_wait3A_95 = arith.constant 0 : i32
      %dma_wait3A_96 = arith.constant 0 : i32
      %dma_wait3A_97 = tpu.memref_slice %arg9[%dma_wait3A_95, %dma_wait3A_96] : memref<200x128xf32, #tpu.memory_space<vmem>> -> memref<200x128xf32, #tpu.memory_space<vmem>>
      tpu.wait_dma2 semaphore(%run_scoped3A : memref<!tpu.dma_semaphore, #tpu.memory_space<semaphore_mem>>) src(%dma_wait3A_97 : memref<200x128xf32, #tpu.memory_space<vmem>>) dst(%dma_wait3A_94 : memref<200x128xf32, #tpu.memory_space<hbm>>)
      tpu.yield
    }) : () -> ()
    %mul3A_72 = arith.constant 640 : i32
    %mul3A_73 = arith.muli %arg1, %mul3A_72 : i32
    %add3A_74 = arith.constant 600 : i32
    %add3A_75 = arith.addi %mul3A_73, %add3A_74 : i32
    "tpu.region"() ({
      %run_scoped3A = tpu.sem_alloc : memref<!tpu.dma_semaphore, #tpu.memory_space<semaphore_mem>>
      %dma_start3A = arith.constant 0 : i32
      %dma_start3A_76 = arith.constant 0 : i32
      %dma_start3A_77 = tpu.memref_slice %arg9[%dma_start3A, %dma_start3A_76] : memref<200x128xf32, #tpu.memory_space<vmem>> -> memref<40x128xf32, #tpu.memory_space<vmem>>
      %dma_start3A_78 = arith.constant 0 : i32
      %dma_start3A_79 = tpu.memref_slice %arg12[%add3A_75, %dma_start3A_78] : memref<10240x128xf32, #tpu.memory_space<vmem_shared>> -> memref<40x128xf32, #tpu.memory_space<vmem_shared>>
      %dma_start3A_80 = arith.constant 0 : i32
      %dma_start3A_81 = arith.constant 0 : i32
      %dma_start3A_82 = tpu.memref_slice %arg9[%dma_start3A_80, %dma_start3A_81] : memref<200x128xf32, #tpu.memory_space<vmem>> -> memref<40x128xf32, #tpu.memory_space<vmem>>
      %dma_start3A_83 = arith.constant 0 : i32
      %dma_start3A_84 = tpu.memref_slice %arg12[%add3A_75, %dma_start3A_83] : memref<10240x128xf32, #tpu.memory_space<vmem_shared>> -> memref<40x128xf32, #tpu.memory_space<vmem_shared>>
      tpu.enqueue_dma source(%dma_start3A_84 : memref<40x128xf32, #tpu.memory_space<vmem_shared>>) target(%dma_start3A_82 : memref<40x128xf32, #tpu.memory_space<vmem>>) target_semaphore(%run_scoped3A : memref<!tpu.dma_semaphore, #tpu.memory_space<semaphore_mem>>)
      %dma_wait3A = arith.constant 0 : i32
      %dma_wait3A_85 = arith.constant 0 : i32
      %dma_wait3A_86 = tpu.memref_slice %arg9[%dma_wait3A, %dma_wait3A_85] : memref<200x128xf32, #tpu.memory_space<vmem>> -> memref<40x128xf32, #tpu.memory_space<vmem>>
      %dma_wait3A_87 = arith.constant 0 : i32
      %dma_wait3A_88 = tpu.memref_slice %arg12[%add3A_75, %dma_wait3A_87] : memref<10240x128xf32, #tpu.memory_space<vmem_shared>> -> memref<40x128xf32, #tpu.memory_space<vmem_shared>>
      %dma_wait3A_89 = arith.constant 0 : i32
      %dma_wait3A_90 = arith.constant 0 : i32
      %dma_wait3A_91 = tpu.memref_slice %arg9[%dma_wait3A_89, %dma_wait3A_90] : memref<200x128xf32, #tpu.memory_space<vmem>> -> memref<40x128xf32, #tpu.memory_space<vmem>>
      %dma_wait3A_92 = arith.constant 0 : i32
      %dma_wait3A_93 = tpu.memref_slice %arg12[%add3A_75, %dma_wait3A_92] : memref<10240x128xf32, #tpu.memory_space<vmem_shared>> -> memref<40x128xf32, #tpu.memory_space<vmem_shared>>
      tpu.wait_dma2 semaphore(%run_scoped3A : memref<!tpu.dma_semaphore, #tpu.memory_space<semaphore_mem>>) src(%dma_wait3A_93 : memref<40x128xf32, #tpu.memory_space<vmem_shared>>) dst(%dma_wait3A_91 : memref<40x128xf32, #tpu.memory_space<vmem>>)
      tpu.yield
    }) : () -> ()
    "tpu.region"() ({
      %run_scoped3A = tpu.sem_alloc : memref<!tpu.dma_semaphore, #tpu.memory_space<semaphore_mem>>
      %dma_start3A = arith.constant 0 : i32
      %dma_start3A_76 = arith.constant 0 : i32
      %dma_start3A_77 = tpu.memref_slice %arg9[%dma_start3A, %dma_start3A_76] : memref<200x128xf32, #tpu.memory_space<vmem>> -> memref<40x128xf32, #tpu.memory_space<vmem>>
      %dma_start3A_78 = arith.constant 0 : i32
      %dma_start3A_79 = tpu.memref_slice %arg8[%arg0, %add3A_75, %dma_start3A_78] : memref<2x10240x128xf32, #tpu.memory_space<hbm>> -> memref<1x40x128xf32, #tpu.memory_space<hbm>>
      %dma_start3A_80 = tpu.memref_squeeze %dma_start3A_79 : memref<1x40x128xf32, #tpu.memory_space<hbm>> -> memref<40x128xf32, #tpu.memory_space<hbm>>
      %dma_start3A_81 = arith.constant 0 : i32
      %dma_start3A_82 = tpu.memref_slice %arg8[%arg0, %add3A_75, %dma_start3A_81] : memref<2x10240x128xf32, #tpu.memory_space<hbm>> -> memref<1x40x128xf32, #tpu.memory_space<hbm>>
      %dma_start3A_83 = tpu.memref_squeeze %dma_start3A_82 : memref<1x40x128xf32, #tpu.memory_space<hbm>> -> memref<40x128xf32, #tpu.memory_space<hbm>>
      %dma_start3A_84 = arith.constant 0 : i32
      %dma_start3A_85 = arith.constant 0 : i32
      %dma_start3A_86 = tpu.memref_slice %arg9[%dma_start3A_84, %dma_start3A_85] : memref<200x128xf32, #tpu.memory_space<vmem>> -> memref<40x128xf32, #tpu.memory_space<vmem>>
      tpu.enqueue_dma source(%dma_start3A_86 : memref<40x128xf32, #tpu.memory_space<vmem>>) target(%dma_start3A_83 : memref<40x128xf32, #tpu.memory_space<hbm>>) target_semaphore(%run_scoped3A : memref<!tpu.dma_semaphore, #tpu.memory_space<semaphore_mem>>)
      %dma_wait3A = arith.constant 0 : i32
      %dma_wait3A_87 = arith.constant 0 : i32
      %dma_wait3A_88 = tpu.memref_slice %arg9[%dma_wait3A, %dma_wait3A_87] : memref<200x128xf32, #tpu.memory_space<vmem>> -> memref<40x128xf32, #tpu.memory_space<vmem>>
      %dma_wait3A_89 = arith.constant 0 : i32
      %dma_wait3A_90 = tpu.memref_slice %arg8[%arg0, %add3A_75, %dma_wait3A_89] : memref<2x10240x128xf32, #tpu.memory_space<hbm>> -> memref<1x40x128xf32, #tpu.memory_space<hbm>>
      %dma_wait3A_91 = tpu.memref_squeeze %dma_wait3A_90 : memref<1x40x128xf32, #tpu.memory_space<hbm>> -> memref<40x128xf32, #tpu.memory_space<hbm>>
      %dma_wait3A_92 = arith.constant 0 : i32
      %dma_wait3A_93 = tpu.memref_slice %arg8[%arg0, %add3A_75, %dma_wait3A_92] : memref<2x10240x128xf32, #tpu.memory_space<hbm>> -> memref<1x40x128xf32, #tpu.memory_space<hbm>>
      %dma_wait3A_94 = tpu.memref_squeeze %dma_wait3A_93 : memref<1x40x128xf32, #tpu.memory_space<hbm>> -> memref<40x128xf32, #tpu.memory_space<hbm>>
      %dma_wait3A_95 = arith.constant 0 : i32
      %dma_wait3A_96 = arith.constant 0 : i32
      %dma_wait3A_97 = tpu.memref_slice %arg9[%dma_wait3A_95, %dma_wait3A_96] : memref<200x128xf32, #tpu.memory_space<vmem>> -> memref<40x128xf32, #tpu.memory_space<vmem>>
      tpu.wait_dma2 semaphore(%run_scoped3A : memref<!tpu.dma_semaphore, #tpu.memory_space<semaphore_mem>>) src(%dma_wait3A_97 : memref<40x128xf32, #tpu.memory_space<vmem>>) dst(%dma_wait3A_94 : memref<40x128xf32, #tpu.memory_space<hbm>>)
      tpu.yield
    }) : () -> ()
    return
  }
}

module attributes {stable_mosaic.version = 14 : i64} {
  func.func @_pre_body(%arg0: i32, %arg1: memref<2560x128xf32, #tpu.memory_space<vmem>>, %arg2: memref<128x128xf32, #tpu.memory_space<vmem>>, %arg3: memref<128x128xf32, #tpu.memory_space<vmem>>, %arg4: memref<1x128xf32, #tpu.memory_space<vmem>>, %arg5: memref<2560x128xf32, #tpu.memory_space<vmem>>, %arg6: memref<2560x128xf32, #tpu.memory_space<vmem>>) attributes {dimension_semantics = [#tpu.dimension_semantics<arbitrary>], iteration_bounds = array<i64: 4>, scalar_prefetch = 0 : i64, scratch_operands = 0 : i64, tpu.core_type = #tpu.core_type<tc>, window_params = [{transform_indices = @transform_0, window_bounds = array<i64: 2560, 128>}, {pipeline_mode = #tpu.pipeline_mode<synchronous>, transform_indices = @transform_1, window_bounds = array<i64: 128, 128>}, {pipeline_mode = #tpu.pipeline_mode<synchronous>, transform_indices = @transform_2, window_bounds = array<i64: 128, 128>}, {pipeline_mode = #tpu.pipeline_mode<synchronous>, transform_indices = @transform_3, window_bounds = array<i64: 1, 128>}, {transform_indices = @transform_4, window_bounds = array<i64: 2560, 128>}, {transform_indices = @transform_5, window_bounds = array<i64: 2560, 128>}]} {
    %get3A = arith.constant 0 : index
    %get3A_0 = arith.constant 0 : index
    %get3A_1 = vector.load %arg1[%get3A, %get3A_0] : memref<2560x128xf32, #tpu.memory_space<vmem>>, vector<2560x128xf32>
    %get3A_2 = arith.constant 0 : index
    %get3A_3 = arith.constant 0 : index
    %get3A_4 = vector.load %arg2[%get3A_2, %get3A_3] : memref<128x128xf32, #tpu.memory_space<vmem>>, vector<128x128xf32>
    %dot_general3A = arith.constant dense<0.000000e+00> : vector<2560x128xf32>
    %dot_general3A_5 = tpu.matmul %get3A_1, %get3A_4, %dot_general3A {dimension_numbers = #tpu.dot_dimension_numbers<[1], [0], [0], [1], [0, 0, 1, 1], [], []>, precision = #tpu.contract_precision<fp32>, transpose_lhs_hint = false} : vector<2560x128xf32>, vector<128x128xf32>, vector<2560x128xf32> -> vector<2560x128xf32>
    %swap3A = arith.constant 0 : index
    %swap3A_6 = arith.constant 0 : index
    %swap3A_7 = vector.load %arg5[%swap3A, %swap3A_6] : memref<2560x128xf32, #tpu.memory_space<vmem>>, vector<2560x128xf32>
    tpu.vector_store %arg5[%swap3A, %swap3A_6], %dot_general3A_5 {strides = array<i32>} : memref<2560x128xf32, #tpu.memory_space<vmem>>, vector<2560x128xf32>,
    %get3A_8 = arith.constant 0 : index
    %get3A_9 = arith.constant 0 : index
    %get3A_10 = vector.load %arg3[%get3A_8, %get3A_9] : memref<128x128xf32, #tpu.memory_space<vmem>>, vector<128x128xf32>
    %dot_general3A_11 = arith.constant dense<0.000000e+00> : vector<2560x128xf32>
    %dot_general3A_12 = tpu.matmul %get3A_1, %get3A_10, %dot_general3A_11 {dimension_numbers = #tpu.dot_dimension_numbers<[1], [0], [0], [1], [0, 0, 1, 1], [], []>, precision = #tpu.contract_precision<fp32>, transpose_lhs_hint = false} : vector<2560x128xf32>, vector<128x128xf32>, vector<2560x128xf32> -> vector<2560x128xf32>
    %get3A_13 = arith.constant 0 : index
    %get3A_14 = arith.constant 0 : index
    %get3A_15 = vector.load %arg4[%get3A_13, %get3A_14] : memref<1x128xf32, #tpu.memory_space<vmem>>, vector<1x128xf32>
    %add3A = vector.broadcast %get3A_15 : vector<1x128xf32> to vector<2560x128xf32>
    %add3A_16 = arith.addf %dot_general3A_12, %add3A : vector<2560x128xf32>
    %swap3A_17 = arith.constant 0 : index
    %swap3A_18 = arith.constant 0 : index
    %swap3A_19 = vector.load %arg6[%swap3A_17, %swap3A_18] : memref<2560x128xf32, #tpu.memory_space<vmem>>, vector<2560x128xf32>
    tpu.vector_store %arg6[%swap3A_17, %swap3A_18], %add3A_16 {strides = array<i32>} : memref<2560x128xf32, #tpu.memory_space<vmem>>, vector<2560x128xf32>,
    return
  }
  func.func @transform_0(%arg0: i32) -> (i32, i32) {
    %c0_i32 = arith.constant 0 : i32
    %c0_i32_0 = arith.constant 0 : i32
    return %arg0, %c0_i32 : i32, i32
  }
  func.func @transform_1(%arg0: i32) -> (i32, i32) {
    %c0_i32 = arith.constant 0 : i32
    %c0_i32_0 = arith.constant 0 : i32
    %c0_i32_1 = arith.constant 0 : i32
    return %c0_i32, %c0_i32_0 : i32, i32
  }
  func.func @transform_2(%arg0: i32) -> (i32, i32) {
    %c0_i32 = arith.constant 0 : i32
    %c0_i32_0 = arith.constant 0 : i32
    %c0_i32_1 = arith.constant 0 : i32
    return %c0_i32, %c0_i32_0 : i32, i32
  }
  func.func @transform_3(%arg0: i32) -> (i32, i32) {
    %c0_i32 = arith.constant 0 : i32
    %c0_i32_0 = arith.constant 0 : i32
    %c0_i32_1 = arith.constant 0 : i32
    return %c0_i32, %c0_i32_0 : i32, i32
  }
  func.func @transform_4(%arg0: i32) -> (i32, i32) {
    %c0_i32 = arith.constant 0 : i32
    %c0_i32_0 = arith.constant 0 : i32
    return %arg0, %c0_i32 : i32, i32
  }
  func.func @transform_5(%arg0: i32) -> (i32, i32) {
    %c0_i32 = arith.constant 0 : i32
    %c0_i32_0 = arith.constant 0 : i32
    return %arg0, %c0_i32 : i32, i32
  }
}

module attributes {stable_mosaic.version = 14 : i64} {
  func.func @h2d_body(%arg0: i32, %arg1: memref<2x2560x128xf32, #tpu.memory_space<vmem>>, %arg2: memref<1x2560x128xf32, #tpu.memory_space<vmem>>, %arg3: memref<128x128xf32, #tpu.memory_space<vmem>>, %arg4: memref<128x128xf32, #tpu.memory_space<vmem>>, %arg5: memref<1x128xf32, #tpu.memory_space<vmem>>, %arg6: memref<2560x128xf32, #tpu.memory_space<vmem>>) attributes {dimension_semantics = [#tpu.dimension_semantics<arbitrary>], iteration_bounds = array<i64: 4>, scalar_prefetch = 0 : i64, scratch_operands = 0 : i64, tpu.core_type = #tpu.core_type<tc>, window_params = [{transform_indices = @transform_0, window_bounds = array<i64: 2, 2560, 128>}, {transform_indices = @transform_1, window_bounds = array<i64: 1, 2560, 128>}, {pipeline_mode = #tpu.pipeline_mode<synchronous>, transform_indices = @transform_2, window_bounds = array<i64: 128, 128>}, {pipeline_mode = #tpu.pipeline_mode<synchronous>, transform_indices = @transform_3, window_bounds = array<i64: 128, 128>}, {pipeline_mode = #tpu.pipeline_mode<synchronous>, transform_indices = @transform_4, window_bounds = array<i64: 1, 128>}, {transform_indices = @transform_5, window_bounds = array<i64: 2560, 128>}]} {
    %get3A = arith.constant 0 : index
    %get3A_0 = arith.constant 0 : index
    %get3A_1 = arith.constant 0 : index
    %get3A_2 = vector.load %arg2[%get3A, %get3A_0, %get3A_1] : memref<1x2560x128xf32, #tpu.memory_space<vmem>>, vector<1x2560x128xf32>
    %get3A_3 = vector.shape_cast %get3A_2 : vector<1x2560x128xf32> to vector<2560x128xf32>
    %get3A_4 = arith.constant 0 : index
    %get3A_5 = arith.constant 0 : index
    %get3A_6 = arith.constant 0 : index
    %get3A_7 = vector.load %arg1[%get3A_4, %get3A_5, %get3A_6] : memref<2x2560x128xf32, #tpu.memory_space<vmem>>, vector<1x2560x128xf32>
    %get3A_8 = vector.shape_cast %get3A_7 : vector<1x2560x128xf32> to vector<2560x128xf32>
    %get3A_9 = arith.constant 1 : index
    %get3A_10 = arith.constant 0 : index
    %get3A_11 = arith.constant 0 : index
    %get3A_12 = vector.load %arg1[%get3A_9, %get3A_10, %get3A_11] : memref<2x2560x128xf32, #tpu.memory_space<vmem>>, vector<1x2560x128xf32>
    %get3A_13 = vector.shape_cast %get3A_12 : vector<1x2560x128xf32> to vector<2560x128xf32>
    %add3A = arith.addf %get3A_8, %get3A_13 : vector<2560x128xf32>
    %get3A_14 = arith.constant 0 : index
    %get3A_15 = arith.constant 0 : index
    %get3A_16 = vector.load %arg3[%get3A_14, %get3A_15] : memref<128x128xf32, #tpu.memory_space<vmem>>, vector<128x128xf32>
    %dot_general3A = arith.constant dense<0.000000e+00> : vector<2560x128xf32>
    %dot_general3A_17 = tpu.matmul %add3A, %get3A_16, %dot_general3A {dimension_numbers = #tpu.dot_dimension_numbers<[1], [0], [0], [1], [0, 0, 1, 1], [], []>, precision = #tpu.contract_precision<fp32>, transpose_lhs_hint = false} : vector<2560x128xf32>, vector<128x128xf32>, vector<2560x128xf32> -> vector<2560x128xf32>
    %get3A_18 = arith.constant 0 : index
    %get3A_19 = arith.constant 0 : index
    %get3A_20 = vector.load %arg4[%get3A_18, %get3A_19] : memref<128x128xf32, #tpu.memory_space<vmem>>, vector<128x128xf32>
    %dot_general3A_21 = arith.constant dense<0.000000e+00> : vector<2560x128xf32>
    %dot_general3A_22 = tpu.matmul %get3A_3, %get3A_20, %dot_general3A_21 {dimension_numbers = #tpu.dot_dimension_numbers<[1], [0], [0], [1], [0, 0, 1, 1], [], []>, precision = #tpu.contract_precision<fp32>, transpose_lhs_hint = false} : vector<2560x128xf32>, vector<128x128xf32>, vector<2560x128xf32> -> vector<2560x128xf32>
    %add3A_23 = arith.addf %dot_general3A_17, %dot_general3A_22 : vector<2560x128xf32>
    %get3A_24 = arith.constant 0 : index
    %get3A_25 = arith.constant 0 : index
    %get3A_26 = vector.load %arg5[%get3A_24, %get3A_25] : memref<1x128xf32, #tpu.memory_space<vmem>>, vector<1x128xf32>
    %add3A_27 = vector.broadcast %get3A_26 : vector<1x128xf32> to vector<2560x128xf32>
    %add3A_28 = arith.addf %add3A_23, %add3A_27 : vector<2560x128xf32>
    %swap3A = arith.constant 0 : index
    %swap3A_29 = arith.constant 0 : index
    %swap3A_30 = vector.load %arg6[%swap3A, %swap3A_29] : memref<2560x128xf32, #tpu.memory_space<vmem>>, vector<2560x128xf32>
    tpu.vector_store %arg6[%swap3A, %swap3A_29], %add3A_28 {strides = array<i32>} : memref<2560x128xf32, #tpu.memory_space<vmem>>, vector<2560x128xf32>,
    return
  }
  func.func @transform_0(%arg0: i32) -> (i32, i32, i32) {
    %c0_i32 = arith.constant 0 : i32
    %c0_i32_0 = arith.constant 0 : i32
    %c0_i32_1 = arith.constant 0 : i32
    return %c0_i32, %arg0, %c0_i32_0 : i32, i32, i32
  }
  func.func @transform_1(%arg0: i32) -> (i32, i32, i32) {
    %c0_i32 = arith.constant 0 : i32
    %c0_i32_0 = arith.constant 0 : i32
    %c0_i32_1 = arith.constant 0 : i32
    return %c0_i32, %arg0, %c0_i32_0 : i32, i32, i32
  }
  func.func @transform_2(%arg0: i32) -> (i32, i32) {
    %c0_i32 = arith.constant 0 : i32
    %c0_i32_0 = arith.constant 0 : i32
    %c0_i32_1 = arith.constant 0 : i32
    return %c0_i32, %c0_i32_0 : i32, i32
  }
  func.func @transform_3(%arg0: i32) -> (i32, i32) {
    %c0_i32 = arith.constant 0 : i32
    %c0_i32_0 = arith.constant 0 : i32
    %c0_i32_1 = arith.constant 0 : i32
    return %c0_i32, %c0_i32_0 : i32, i32
  }
  func.func @transform_4(%arg0: i32) -> (i32, i32) {
    %c0_i32 = arith.constant 0 : i32
    %c0_i32_0 = arith.constant 0 : i32
    %c0_i32_1 = arith.constant 0 : i32
    return %c0_i32, %c0_i32_0 : i32, i32
  }
  func.func @transform_5(%arg0: i32) -> (i32, i32) {
    %c0_i32 = arith.constant 0 : i32
    %c0_i32_0 = arith.constant 0 : i32
    return %arg0, %c0_i32 : i32, i32
  }
}

</mosaic_0001>

<sc_bundles>
// kernel: kernel.5.cloned.1.call-start
scs
__scs_entry_jumppad:
0x0: {  	(pc) =	sbr.rel $0x88, $3  }
0x1: {  	(tag) =	ssettag $0x0;
	lr =	simm.s32 $0x1  }
0x2: {  	[smem:$0x3F99] =	sst lr;
	_ =	strace $0xD0000000  }
0x3: {  	_ = 	snop  }
0x4: {  	_ = 	snop  }
0x5: {  	_ = 	snop  }
0x6: {  	_ = 	snop  }
0x7: {  	_ = 	snop  }
__scs_overlays_trampoline_lowered:
0x8: {  	[smem:$0x3FA8] =	sst s0  }
0x9: {  	[smem:$0x3FA9] =	sst s1  }
0xa: {  	[smem:$0x3FAA] =	sst s2  }
0xb: {  	[smem:$0x3FAB] =	sst s3  }
0xc: {  	[smem:$0x3FAC] =	sst s4  }
0xd: {  	[smem:$0x3FAD] =	sst s5  }
0xe: {  	[smem:$0x3FAE] =	sst s6  }
0xf: {  	[smem:$0x3FAF] =	sst s7  }
0x10: {  	[smem:$0x3FB0] =	sst s8  }
0x11: {  	[smem:$0x3FB1] =	sst s9;
	s0 =	simm.s32 @!p0 $0x0  }
0x12: {  	s1 =	sld [smem:$0x3F97];
	s0 =	simm.s32 @p0 $0x1  }
0x13: {  	[smem:$0x3FB2] =	sst s0;
	s0 =	simm.s32 @!p1 $0x0  }
0x14: {  	s2 =	sld [smem:$0x3F96];
	s0 =	simm.s32 @p1 $0x1  }
0x15: {  	[smem:$0x3FB3] =	sst s0;
	s0 =	simm.s32 @!p2 $0x0  }
0x16: {  	s3 =	sld [smem:$0x3FDB];
	s0 =	simm.s32 @p2 $0x1  }
0x17: {  	s4 =	simm.s32 $0x1BF5;
	[smem:$0x3FB5] =	sst s0  }
0x18: {  	s0 =	sld [smem:$0x3F98];
	_ =	swait.ge [sflag:s4], $0x0  }
0x19: {  	s7 =	sld [smem:$0x3F99]  }
0x1a: {  	s8 =	sadd.s32 $0xFFFFE003, lr  }
0x1b: {  	s9 =	sadd.s32 $0xFFFFFEF7, lr;
	s5 =	simm.s32 $0xFFFFFFFF;
	p2 =	slt.u32 s8, $0xFFFFF086  }
0x1c: {  	p1 =	slt.u32 s9, $0xF7A;
	s5 =	simm.s32 @!p2 $0x0  }
0x1d: {  	s5 =	simm.s32 @p1 $0x1;
	p0 =	seq.s32 s7, s2  }
0x1e: {  	s7 =	smul.u32 @!p0 $0xF7A, s2;
	p2 =	seq.s32 @!p0 s5, $0x0  }
0x1f: {  	s9 =	smul.u32 $0xF7A, s1;
	s8 =	simm.s32 @!p0 $0x1BF5;
	p2 =	por !p2, p0  }
0x20: {  	[sflag:s8] =	ssyncset.s32 @!p0 $0xFFFFF086;
	s6 =	sadd.s32 @!p0 s3, s7;
	s7 =	simm.s32 @!p0 $0x108  }
0x21: {  	s3 =	sadd.s32 s3, s9;
	s6 =	sadd.s32 @!p0 $0x88, s6;
	s7 =	simm.s32 @p2 $0x1082  }
0x22: {  	[simem:s7], [sflag:s8] =	dma.local @!p0 [hbm:s6], $0xF7A  }
0x23: {  	s9 =	sor.u32 $0xD0000000, s2;
	s6 =	simm.s32 $0x108;
	_ =	swait.ge @!p0 [sflag:s8], $0x0  }
0x24: {  	s3 =	sadd.s32 $0x88, s3;
	s6 =	simm.s32 @!p1 $0x1082;
	[sflag:s4] =	ssyncset.s32 $0xFFFFF086  }
0x25: {  	[simem:s6], [sflag:s4] =	dma.local [hbm:s3], $0xF7A  }
0x26: {  	[smem:$0x3F99] =	sst s1;
	(tag) =	ssettag s2;
	_ =	strace s9  }
0x27: {  	s1 =	sld [smem:$0x3FA9]  }
0x28: {  	s2 =	sld [smem:$0x3FAA]  }
0x29: {  	s4 =	sld [smem:$0x3FAC]  }
0x2a: {  	p0 =	seq.s32 s5, $0x0;
	s5 =	sld [smem:$0x3FAD]  }
0x2b: {  	s6 =	sld [smem:$0x3FAE]  }
0x2c: {  	s7 =	sld [smem:$0x3FAF]  }
0x2d: {  	s3 =	simm.s32 $0x108;
	s8 =	sld [smem:$0x3FB0]  }
0x2e: {  	s3 =	simm.s32 @!p0 $0x1082;
	s9 =	sld [smem:$0x3FB1]  }
0x2f: {  	lr =	sadd.s32 s0, s3;
	s0 =	sld [smem:$0x3FA8]  }
0x30: {  	s3 =	sld [smem:$0x3FAB]  }
0x31: {  	[smem:$0x3FB4] =	sst s10  }
0x32: {  	s10 =	sld [smem:$0x3FB2];
	_ =	sdelay $0x3  }
0x33: {  	p0 =	seq.s32 s10, $0x1;
	s10 =	sld [smem:$0x3FB4];
	_ =	sdelay $0x3  }
0x34: {  	[smem:$0x3FB4] =	sst s10  }
0x35: {  	s10 =	sld [smem:$0x3FB3];
	_ =	sdelay $0x3  }
0x36: {  	p1 =	seq.s32 s10, $0x1;
	s10 =	sld [smem:$0x3FB4];
	_ =	sdelay $0x3  }
0x37: {  	[smem:$0x3FB4] =	sst s10  }
0x38: {  	s10 =	sld [smem:$0x3FB5]  }
0x39: {  	_ = 	snop;
	(pc) =	sbr.ind lr, $3  }
0x3a: {  	_ = 	snop  }
0x3b: {  	_ = 	snop  }
0x3c: {  	p2 =	seq.s32 s10, $0x1;
	s10 =	sld [smem:$0x3FB4]  }
0x3d: {  	_ =	shalt  }
0x3e: {  	_ =	shalt  }
0x3f: {  	_ =	shalt  }
0x40: {  	_ =	shalt  }
0x41: {  	_ =	shalt  }
0x42: {  	_ =	shalt  }
0x43: {  	_ =	shalt  }
0x44: {  	_ =	shalt  }
0x45: {  	_ =	shalt  }
0x46: {  	_ =	shalt  }
0x47: {  	_ =	shalt  }
0x48: {  	_ =	shalt  }
0x49: {  	_ =	shalt  }
0x4a: {  	_ =	shalt  }
0x4b: {  	_ =	shalt  }
0x4c: {  	_ =	shalt  }
0x4d: {  	_ =	shalt  }
0x4e: {  	_ =	shalt  }
0x4f: {  	_ =	shalt  }
0x50: {  	_ =	shalt  }
0x51: {  	_ =	shalt  }
0x52: {  	_ =	shalt  }
0x53: {  	_ =	shalt  }
0x54: {  	_ =	shalt  }
0x55: {  	_ =	shalt  }
0x56: {  	_ =	shalt  }
0x57: {  	_ =	shalt  }
0x58: {  	_ =	shalt  }
0x59: {  	_ =	shalt  }
0x5a: {  	_ =	shalt  }
0x5b: {  	_ =	shalt  }
0x5c: {  	_ =	shalt  }
0x5d: {  	_ =	shalt  }
0x5e: {  	_ =	shalt  }
0x5f: {  	_ =	shalt  }
0x60: {  	_ =	shalt  }
0x61: {  	_ =	shalt  }
0x62: {  	_ =	shalt  }
0x63: {  	_ =	shalt  }
0x64: {  	_ =	shalt  }
0x65: {  	_ =	shalt  }
0x66: {  	_ =	shalt  }
0x67: {  	_ =	shalt  }
0x68: {  	_ =	shalt  }
0x69: {  	_ =	shalt  }
0x6a: {  	_ =	shalt  }
0x6b: {  	_ =	shalt  }
0x6c: {  	_ =	shalt  }
0x6d: {  	_ =	shalt  }
0x6e: {  	_ =	shalt  }
0x6f: {  	_ =	shalt  }
0x70: {  	_ =	shalt  }
0x71: {  	_ =	shalt  }
0x72: {  	_ =	shalt  }
0x73: {  	_ =	shalt  }
0x74: {  	_ =	shalt  }
0x75: {  	_ =	shalt  }
0x76: {  	_ =	shalt  }
0x77: {  	_ =	shalt  }
0x78: {  	_ =	shalt  }
0x79: {  	_ =	shalt  }
0x7a: {  	_ =	shalt  }
0x7b: {  	_ =	shalt  }
0x7c: {  	_ =	shalt  }
0x7d: {  	_ =	shalt  }
0x7e: {  	_ =	shalt  }
0x7f: {  	_ =	shalt  }
0x80: {  	_ =	shalt  }
0x81: {  	_ =	shalt  }
0x82: {  	_ =	shalt  }
0x83: {  	_ =	shalt  }
0x84: {  	_ =	shalt  }
0x85: {  	_ =	shalt  }
0x86: {  	_ =	shalt  }
0x87: {  	_ =	shalt  }
.Lfunc_end0:
.L_simem_size_0:
called_computation_lowered:
.L_overlay_start_0:
0x88: {  	s2 =	sld [smem:$0x3FD9]  }
0x89: {  	s3 =	sld [smem:$0x3FFE];
	_ =	sdelay $0x1  }
0x8a: {  	s1 =	srdreg.scid  }
0x8b: {  	s0 =	sand.u32 $0x1, s1  }
0x8c: {  	s17 =	sshll.u32 s0, $0xA;
	s2 =	sadd.s32 s3, s2  }
0x8d: {  	s2 =	sadd.s32 s2, s17  }
0x8e: {  	[smem:$0x3FC0] =	sst s2  }
0x8f: {  	_ = 	snop  }
0x90: {  	s2 =	sld [smem:$0x3FD0];
	(tm) =	ssettm $0x1  }
0x91: {  	s18 =	sld [smem:$0x3FFB];
	_ =	sdelay $0x3  }
0x92: {  	_ =	strace s18  }
0x93: {  	s3 =	sld [smem:$0x3FFC];
	_ =	sdelay $0x3  }
0x94: {  	_ =	strace s3  }
0x95: {  	s3 =	sld [smem:$0x3FFD];
	_ =	sdelay $0x3  }
0x96: {  	_ =	strace s3  }
0x97: {  	_ =	strace $0x8FFFFFFF  }
0x98: {  	s19 =	sld [smem:$0x3FDB];
	_ =	sdelay $0x1  }
0x99: {  	s4 =	simm.s32 $_scs_section_size  }
0x9a: {  	s5 =	simm.s32 $_size__tile_overlayer_lowered;
	s6 =	simm.s32 $_tile_overlayer_lowered  }
0x9b: {  	s22 =	simm.s32 $0x1BFF;
	s21 =	sshll.u32 s6, $0x1;
	s3 =	sadd.s32 s4, s19  }
0x9c: {  	s7 =	simm.s32 $0x0;
	s20 =	sshll.u32 s5, $0x1;
	s5 =	sadd.s32 s21, s3  }
0x9d: {  	[timem:s7], [sflag:s22] =	dma.local [hbm:s5], s20  }
0x9e: {  	_ =	swait.ge [sflag:s22], s20  }
0x9f: {  	s4 =	ssub.s32 $0x0, s20;
	[sflag:s22] =	ssyncset.done $0x0  }
0xa0: {  	[sflag:s22] =	ssyncadd.s32 s4;
	_ =	sdelay $0x1  }
0xa1: {  	s23 =	simm.s32 $0x1B8B  }
0xa2: {  	_ =	swait.ge [sflag:s23], $0x1  }
0xa3: {  	[sflag:s23] =	ssyncset.done $0x0  }
0xa4: {  	s25 =	simm.s32 $0x1B8E;
	s24 =	sld [smem:$0x3FFE];
	[sflag:s23] =	ssyncadd.s32 $0xFFFFFFFF  }
0xa5: {  	s26 =	simm.s32 $execute0_lowered;
	[smem:$0x3FD2] =	sst s25  }
0xa6: {  	s5 =	sshll.u32 s26, $0x1;
	_ =	strace $0x80000046;
	[dreg:$0x1] =	wrdreg $0xFFFFFFFF  }
0xa7: {  	s28 =	simm.s32 $_size_execute0_lowered;
	s3 =	sadd.s32 s3, s5;
	[dreg:$0x0] =	wrdreg $0x0  }
0xa8: {  	s5 =	sshll.u32 s28, $0x1;
	[dreg:$0x2] =	wrdreg s3  }
0xa9: {  	[dreg:$0x3] =	wrdreg s5  }
0xaa: {  	[dreg:$0x4] =	wrdreg $0xC0  }
0xab: {  	_ =	task [dreg:s7], $0x5FFFF  }
0xac: {  	[dreg:$0x1] =	wrdreg $0xFFFFFFFF  }
0xad: {  	[dreg:$0x0] =	wrdreg $0x60  }
0xae: {  	[dreg:$0x2] =	wrdreg s24  }
0xaf: {  	[dreg:$0x3] =	wrdreg s2  }
0xb0: {  	[dreg:$0x4] =	wrdreg $0xB6800  }
0xb1: {  	[dreg:$0x5] =	wrdreg $0x9  }
0xb2: {  	_ =	task.clear_ibuf [dreg:s7], $0x6FFFF;
	_ =	strace $0x90000046  }
0xb3: {  	s29 =	simm.s32 $0x9;
	_ =	strace $0x80000048  }
0xb4: {  	_ =	swait.ge [sflag:s29], $0x1  }
0xb5: {  	[sflag:s29] =	ssyncadd.s32 $0xFFFFFFFF  }
0xb6: {  	_ =	strace $0x90000048  }
0xb7: {  	_ =	sfence  }
0xb8: {  	s30 =	sld [smem:$0x0];
	_ =	sdelay $0x2  }
0xb9: {  	s31 =	sshll.u32 s1, $0xD;
	s1 =	sshrl.u32 s1, $0x2  }
0xba: {  	s3 =	sand.u32 $0x4000, s31;
	s1 =	sadd.s32 s1, s30  }
0xbb: {  	s0 =	sor.u32 s3, s0;
	s1 =	sshll.u32 s1, $0x11  }
0xbc: {  	s0 =	sor.u32 s1, s0  }
0xbd: {  	s0 =	sadd.s32 $0x8F2B, s0  }
0xbe: {  	[sflag:s0] =	ssyncadd.remote.s32 $0x1  }
0xbf: {  	_ =	sfence.sel $0xFFFF  }
0xc0: {  	[dreg:$0x0] =	wrdreg $0xFFFFFFFF;
	(pc) =	sbr.abs _section_cstart, $3  }
0xc1: {  	[dreg:$0x1] =	wrdreg $0xFFFFFFFF  }
0xc2: {  	_ =	task.clear_ibuf [dreg:s7], $0x2FFFF;
	_ =	strace $0x9FFFFFFF  }
0xc3: {  	(tm) =	ssettm $0x7FFFFFFF  }
tec
execute0_lowered:
.L_overlay_start_1:
0x0: {  	(tag) =	ssettag $0x1  }
0x1: {  	s0 =	rddreg [dreg:$0x0]  }
0x2: {  	s2 =	rddreg [dreg:$0x2];
	s3 =	simm.s32 $0x0;
	s11 =	srdreg.scid  }
0x3: {  	s13 =	stileid.u32;
	s28 =	simm.s32 $0x6400;
	s29 =	simm.s32 $0x7800  }
0x4: {  	s30 =	simm.s32 $0x28;
	[smem:$0x7FF] =	sst s3;
	s5 =	sadd.s32 $0x2B000, s0  }
0x5: {  	s1 =	sadd.s32 $0x53000, s0;
	s7 =	sadd.s32 $0x1E00, s0;
	s10 =	smul.u32 $0x280, s13  }
0x6: {  	s31 =	sadd.s32 $0xBC00, s0;
	s15 =	sadd.s32 $0x7B000, s0;
	s6 =	smul.u32 $0x50000, s13  }
0x7: {  	s0 =	sadd.s32 $0xCB000, s0;
	_ =	strace $0x80000047;
	[dreg:$0x4] =	wrdreg s1  }
0x8: {  	s9 =	smul.u32 $0x14000, s13;
	s1 =	sand.u32 $0x1, s11;
	[dreg:$0x7] =	wrdreg s15  }
0x9: {  	s16 =	smul.u32 $0x4E20, s13;
	[dreg:$0x5] =	wrdreg s31;
	s4 =	ssub.s32 $0x2, s1  }
0xa: {  	s14 =	smul.u32 $0x140000, s1;
	s12 =	sshll.u32 s1, $0x4;
	[dreg:$0x6] =	wrdreg s10  }
0xb: {  	s6 =	sshrl.u32 s6, $0x2;
	s10 =	sshll.u32 s10, $0x7;
	[dreg:$0x9] =	wrdreg s16  }
0xc: {  	s22 =	smul.u32 $0x28000, s1;
	s8 =	sshrl.u32 s4, $0x1;
	s11 =	sadd.s32 $0x6400, s10  }
0xd: {  	s20 =	sadd.s32 s6, s2;
	s6 =	simm.s32 $0x3;
	s4 =	ssub.s32 s4, s8  }
0xe: {  	s8 =	sor.u32 s13, s12;
	s12 =	sadd.s32 $0xC800, s10;
	s9 =	sadd.s32 s9, s14  }
0xf: {  	s10 =	sadd.s32 $0x12C00, s10;
	s13 =	smul.u32 $0xFA00, s13;
	[dreg:$0x8] =	wrdreg s14  }
0x10: {  	[dreg:$0x10] =	wrdreg s20;
	s21 =	sadd.s32 s11, s2;
	s20 =	simm.s32 $0x2  }
0x11: {  	s9 =	sshrl.u32 s9, $0x3;
	s16 =	sadd.s32 s14, s12;
	s19 =	smul.u32 $0x2710, s8  }
0x12: {  	[dreg:$0x11] =	wrdreg s21;
	s23 =	sadd.s32 s12, s2;
	s24 =	sadd.s32 s10, s2  }
0x13: {  	s25 =	smul.u32 $0x7D00, s8;
	s26 =	smax.u32 s4, $0x1;
	s4 =	simm.s32 $0x9  }
0x14: {  	s8 =	simm.s32 $0x0;
	[dreg:$0xa] =	wrdreg s13;
	s9 =	sadd.s32 s0, s9  }
0x15: {  	s13 =	sadd.s32 s14, s11;
	s14 =	sadd.s32 s14, s10;
	[dreg:$0x12] =	wrdreg s23  }
0x16: {  	s17 =	sshrl.u32 s16, $0x3;
	[dreg:$0x13] =	wrdreg s24;
	s24 =	sadd.s32 s15, s22  }
0x17: {  	[dreg:$0x15] =	wrdreg s26;
	s26 =	simm.s32 $0xB;
	s16 =	simm.s32 $0x3C00  }
0x18: {  	s22 =	simm.s32 $0x6;
	s11 =	simm.s32 $0x4;
	[dreg:$0xb] =	wrdreg s9  }
0x19: {  	s23 =	simm.s32 $0x5;
	s15 =	simm.s32 $0xA;
	[dreg:$0xf] =	wrdreg s19  }
0x1a: {  	s9 =	sshrl.u32 s13, $0x3;
	s18 =	sshrl.u32 s14, $0x3;
	[dreg:$0x14] =	wrdreg s25  }
0x1b: {  	s14 =	simm.s32 $0x2800;
	s19 =	simm.s32 $0x5000;
	s9 =	sadd.s32 s0, s9  }
0x1c: {  	s13 =	simm.s32 $0x8;
	[dreg:$0xc] =	wrdreg s9;
	s9 =	sadd.s32 s0, s17  }
0x1d: {  	s0 =	sadd.s32 s0, s18;
	s17 =	simm.s32 $0x1;
	[dreg:$0xd] =	wrdreg s9  }
0x1e: {  	v0 =	vimm.f32 $0.0e+00;
	[dreg:$0xe] =	wrdreg s0;
	s0 =	simm.s32 $0x1400;
	s9 =	simm.s32 $0x7  }
.LBB2_1:
0x1f: {  	[dreg:$0x16] =	wrdreg s8;
	s1 =	simm.s32 $0x70;
	s10 =	simm.s32 $0x3C0  }
.LBB2_2:
0x20: {  	p0 =	sne.s32 s10, $0x18FC0;
	[tilespmem:s1+$0x0] =	vst v0  }
0x21: {  	[tilespmem:s1+$0xFFFFFF90] =	vst v0  }
0x22: {  	[tilespmem:s1+$0xFFFFFFA0] =	vst v0  }
.Ltmp0:
0x23: {  	[tilespmem:s1+$0xFFFFFFB0] =	vst v0;
	(pc) =	sbr.rel @p0 .LBB2_2-.Ltmp0, $4  }
0x24: {  	[tilespmem:s1+$0xFFFFFFC0] =	vst v0  }
0x25: {  	[tilespmem:s1+$0xFFFFFFD0] =	vst v0  }
0x26: {  	[tilespmem:s1+$0xFFFFFFE0] =	vst v0  }
0x27: {  	[tilespmem:s1+$0xFFFFFFF0] =	vst v0;
	s1 =	sshra.s32 s10, $0x2;
	s10 =	sadd.s32 $0x200, s10  }
0x28: {  	[tilespmem:s1+$0x0] =	vst v0  }
0x29: {  	[tilespmem:s1+$0xFFFFFF90] =	vst v0  }
0x2a: {  	[tilespmem:s1+$0xFFFFFFA0] =	vst v0  }
0x2b: {  	[tilespmem:s1+$0xFFFFFFB0] =	vst v0  }
0x2c: {  	[tilespmem:s1+$0xFFFFFFC0] =	vst v0  }
0x2d: {  	[tilespmem:s1+$0xFFFFFFD0] =	vst v0  }
0x2e: {  	[tilespmem:s1+$0xFFFFFFE0] =	vst v0  }
0x2f: {  	[tilespmem:s1+$0xFFFFFFF0] =	vst v0;
	s10 =	simm.s32 $0x0;
	s18 =	rddreg [dreg:$0x10]  }
0x30: {  	[spmem:s18] =	stream.linear.scatter [tilespmem:s10], [sflag:$0xB], $0x6400, $0x38;
	[tilespmem:$0x1F680] =	vst v63  }
0x31: {  	_ =	swait.ge [sflag:s26], $0x6400  }
0x32: {  	[sflag:s26] =	ssyncset.done $0x0  }
0x33: {  	s21 =	rddreg [dreg:$0x11];
	[sflag:s26] =	ssyncadd.s32 $0xFFFF9C00  }
0x34: {  	[spmem:s21] =	stream.linear.scatter [tilespmem:s10], [sflag:$0xB], $0x6400, $0x38;
	[tilespmem:$0x1F680] =	vst v63  }
0x35: {  	_ =	swait.ge [sflag:s26], $0x6400  }
0x36: {  	[sflag:s26] =	ssyncset.done $0x0  }
0x37: {  	s25 =	rddreg [dreg:$0x12];
	[sflag:s26] =	ssyncadd.s32 $0xFFFF9C00  }
0x38: {  	[spmem:s25] =	stream.linear.scatter [tilespmem:s10], [sflag:$0xB], $0x6400, $0x38;
	[tilespmem:$0x1F680] =	vst v63  }
0x39: {  	_ =	swait.ge [sflag:s26], $0x6400  }
0x3a: {  	[sflag:s26] =	ssyncset.done $0x0  }
0x3b: {  	s31 =	rddreg [dreg:$0x13];
	[sflag:s26] =	ssyncadd.s32 $0xFFFF9C00  }
0x3c: {  	[spmem:s31] =	stream.linear.scatter [tilespmem:s10], [sflag:$0xB], $0x1400, $0x38;
	[tilespmem:$0x1F680] =	vst v63  }
0x3d: {  	_ =	swait.ge [sflag:s26], $0x1400  }
0x3e: {  	[sflag:s26] =	ssyncset.done $0x0  }
0x3f: {  	[sflag:s26] =	ssyncadd.s32 $0xFFFFEC00  }
0x40: {  	s12 =	simm.s32 $0x0;
	[bflag:$0x0] =	sbarrier.arrive $0xFFFF  }
.LBB2_4:
0x41: {  	s1 =	smul.u32 $0x1388, s12  }
0x42: {  	s8 =	rddreg [dreg:$0x9]  }
0x43: {  	s1 =	sadd.s32 s8, s1  }
0x44: {  	s1 =	sshrl.u32 s1, $0x3  }
0x45: {  	s1 =	sadd.s32 s7, s1  }
0x46: {  	[tilespmem:s28], [sflag:$0xB] =	stream.linear.gather [hbm4b:s1+s10], $0x1388, $0x38;
	[tilespmem:$0x1F680] =	vst v63  }
0x47: {  	s18 =	smul.u32 $0x3E80, s12;
	_ =	swait.ge [sflag:s26], $0x1388  }
0x48: {  	s21 =	rddreg [dreg:$0xa];
	[sflag:s26] =	ssyncset.done $0x0  }
0x49: {  	s1 =	sadd.s32 s21, s18;
	[sflag:s26] =	ssyncadd.s32 $0xFFFFEC78  }
0x4a: {  	s1 =	sshrl.u32 s1, $0x3;
	s25 =	rddreg [dreg:$0x1]  }
0x4b: {  	s1 =	sadd.s32 s25, s1  }
0x4c: {  	[tilespmem:s29], [sflag:$0xB] =	stream.linear.gather [hbm4b:s1+s10], $0x3E80, $0x38;
	[tilespmem:$0x1F680] =	vst v63  }
0x4d: {  	_ =	swait.ge [sflag:s26], $0x3E80  }
0x4e: {  	[sflag:s26] =	ssyncset.done $0x0  }
0x4f: {  	[sflag:s26] =	ssyncadd.s32 $0xFFFFC180  }
0x50: {  	[tilespmem:s10], [sflag:$0x1] =	stream.indirect.gather [hbm4b:s5+s30], $0x80, s28, s30, $0xb8;
	[tilespmem:$0x1F680] =	vst v63  }
0x51: {  	s8 =	simm.s32 $0x6428  }
0x52: {  	[tilespmem:s0], [sflag:$0x2] =	stream.indirect.gather [hbm4b:s5+s30], $0x80, s8, s30, $0xb8;
	[tilespmem:$0x1F680] =	vst v63  }
0x53: {  	s18 =	simm.s32 $0x6450  }
0x54: {  	[tilespmem:s14], [sflag:$0x3] =	stream.indirect.gather [hbm4b:s5+s30], $0x80, s18, s30, $0xb8;
	[tilespmem:$0x1F680] =	vst v63  }
0x55: {  	s21 =	simm.s32 $0x6478  }
0x56: {  	[tilespmem:s16], [sflag:$0x4] =	stream.indirect.gather [hbm4b:s5+s30], $0x80, s21, s30, $0xb8;
	[tilespmem:$0x1F680] =	vst v63  }
0x57: {  	_ =	swait.ge [sflag:s17], $0x1400  }
0x58: {  	[sflag:s17] =	ssyncset.done $0x0  }
0x59: {  	[sflag:s17] =	ssyncadd.s32 $0xFFFFEC00  }
0x5a: {  	[spmem:s2] =	stream.indirect.scatter.add.f32 [tilespmem:s10], [sflag:$0x6], $0x80, s29, s30, $0xb8;
	[tilespmem:$0x1F680] =	vst v63  }
0x5b: {  	s25 =	simm.s32 $0x64A0  }
0x5c: {  	[tilespmem:s19], [sflag:$0x5] =	stream.indirect.gather [hbm4b:s5+s30], $0x80, s25, s30, $0xb8;
	[tilespmem:$0x1F680] =	vst v63  }
0x5d: {  	_ =	swait.ge [sflag:s20], $0x1400  }
0x5e: {  	[sflag:s20] =	ssyncset.done $0x0  }
0x5f: {  	s8 =	simm.s32 $0x7880;
	[sflag:s20] =	ssyncadd.s32 $0xFFFFEC00  }
0x60: {  	[spmem:s2] =	stream.indirect.scatter.add.f32 [tilespmem:s0], [sflag:$0x7], $0x80, s8, s30, $0xb8;
	[tilespmem:$0x1F680] =	vst v63  }
0x61: {  	_ =	swait.ge [sflag:s22], $0x1400  }
0x62: {  	[sflag:s22] =	ssyncset.done $0x0  }
0x63: {  	s18 =	simm.s32 $0x64C8;
	[sflag:s22] =	ssyncadd.s32 $0xFFFFEC00  }
0x64: {  	[tilespmem:s10], [sflag:$0x1] =	stream.indirect.gather [hbm4b:s5+s30], $0x80, s18, s30, $0xb8;
	[tilespmem:$0x1F680] =	vst v63  }
0x65: {  	_ =	swait.ge [sflag:s6], $0x1400  }
0x66: {  	[sflag:s6] =	ssyncset.done $0x0  }
0x67: {  	s21 =	simm.s32 $0x7900;
	[sflag:s6] =	ssyncadd.s32 $0xFFFFEC00  }
0x68: {  	[spmem:s2] =	stream.indirect.scatter.add.f32 [tilespmem:s14], [sflag:$0x8], $0x80, s21, s30, $0xb8;
	[tilespmem:$0x1F680] =	vst v63  }
0x69: {  	_ =	swait.ge [sflag:s9], $0x1400  }
0x6a: {  	[sflag:s9] =	ssyncset.done $0x0  }
0x6b: {  	s25 =	simm.s32 $0x64F0;
	[sflag:s9] =	ssyncadd.s32 $0xFFFFEC00  }
0x6c: {  	[tilespmem:s0], [sflag:$0x2] =	stream.indirect.gather [hbm4b:s5+s30], $0x80, s25, s30, $0xb8;
	[tilespmem:$0x1F680] =	vst v63  }
0x6d: {  	_ =	swait.ge [sflag:s11], $0x1400  }
0x6e: {  	[sflag:s11] =	ssyncset.done $0x0  }
0x6f: {  	s8 =	simm.s32 $0x7980;
	[sflag:s11] =	ssyncadd.s32 $0xFFFFEC00  }
0x70: {  	[spmem:s2] =	stream.indirect.scatter.add.f32 [tilespmem:s16], [sflag:$0x9], $0x80, s8, s30, $0xb8;
	[tilespmem:$0x1F680] =	vst v63  }
0x71: {  	_ =	swait.ge [sflag:s13], $0x1400  }
0x72: {  	[sflag:s13] =	ssyncset.done $0x0  }
0x73: {  	s18 =	simm.s32 $0x6518;
	[sflag:s13] =	ssyncadd.s32 $0xFFFFEC00  }
0x74: {  	[tilespmem:s14], [sflag:$0x3] =	stream.indirect.gather [hbm4b:s5+s30], $0x80, s18, s30, $0xb8;
	[tilespmem:$0x1F680] =	vst v63  }
0x75: {  	_ =	swait.ge [sflag:s23], $0x1400  }
0x76: {  	[sflag:s23] =	ssyncset.done $0x0  }
0x77: {  	s21 =	simm.s32 $0x7A00;
	[sflag:s23] =	ssyncadd.s32 $0xFFFFEC00  }
0x78: {  	[spmem:s2] =	stream.indirect.scatter.add.f32 [tilespmem:s19], [sflag:$0xA], $0x80, s21, s30, $0xb8;
	[tilespmem:$0x1F680] =	vst v63  }
0x79: {  	_ =	swait.ge [sflag:s4], $0x1400  }
0x7a: {  	[sflag:s4] =	ssyncset.done $0x0  }
0x7b: {  	s25 =	simm.s32 $0x6540;
	[sflag:s4] =	ssyncadd.s32 $0xFFFFEC00  }
0x7c: {  	[tilespmem:s16], [sflag:$0x4] =	stream.indirect.gather [hbm4b:s5+s30], $0x80, s25, s30, $0xb8;
	[tilespmem:$0x1F680] =	vst v63  }
0x7d: {  	_ =	swait.ge [sflag:s17], $0x1400  }
0x7e: {  	[sflag:s17] =	ssyncset.done $0x0  }
0x7f: {  	s8 =	simm.s32 $0x7A80;
	[sflag:s17] =	ssyncadd.s32 $0xFFFFEC00  }
0x80: {  	[spmem:s2] =	stream.indirect.scatter.add.f32 [tilespmem:s3], [sflag:$0x6], $0x80, s8, s30, $0xb8;
	[tilespmem:$0x1F680] =	vst v63  }
0x81: {  	_ =	swait.ge [sflag:s15], $0x1400  }
0x82: {  	[sflag:s15] =	ssyncset.done $0x0  }
0x83: {  	s18 =	simm.s32 $0x6568;
	[sflag:s15] =	ssyncadd.s32 $0xFFFFEC00  }
0x84: {  	[tilespmem:s19], [sflag:$0x5] =	stream.indirect.gather [hbm4b:s5+s30], $0x80, s18, s30, $0xb8;
	[tilespmem:$0x1F680] =	vst v63  }
0x85: {  	_ =	swait.ge [sflag:s20], $0x1400  }
0x86: {  	[sflag:s20] =	ssyncset.done $0x0  }
0x87: {  	s21 =	simm.s32 $0x7B00;
	[sflag:s20] =	ssyncadd.s32 $0xFFFFEC00  }
0x88: {  	[spmem:s2] =	stream.indirect.scatter.add.f32 [tilespmem:s0], [sflag:$0x7], $0x80, s21, s30, $0xb8;
	[tilespmem:$0x1F680] =	vst v63  }
0x89: {  	_ =	swait.ge [sflag:s22], $0x1400  }
0x8a: {  	[sflag:s22] =	ssyncset.done $0x0  }
0x8b: {  	s25 =	simm.s32 $0x6590;
	[sflag:s22] =	ssyncadd.s32 $0xFFFFEC00  }
0x8c: {  	[tilespmem:s3], [sflag:$0x1] =	stream.indirect.gather [hbm4b:s5+s30], $0x80, s25, s30, $0xb8;
	[tilespmem:$0x1F680] =	vst v63  }
0x8d: {  	_ =	swait.ge [sflag:s6], $0x1400  }
0x8e: {  	[sflag:s6] =	ssyncset.done $0x0  }
0x8f: {  	s8 =	simm.s32 $0x7B80;
	[sflag:s6] =	ssyncadd.s32 $0xFFFFEC00  }
0x90: {  	[spmem:s2] =	stream.indirect.scatter.add.f32 [tilespmem:s14], [sflag:$0x8], $0x80, s8, s30, $0xb8;
	[tilespmem:$0x1F680] =	vst v63  }
0x91: {  	_ =	swait.ge [sflag:s9], $0x1400  }
0x92: {  	[sflag:s9] =	ssyncset.done $0x0  }
0x93: {  	s18 =	simm.s32 $0x65B8;
	[sflag:s9] =	ssyncadd.s32 $0xFFFFEC00  }
0x94: {  	[tilespmem:s0], [sflag:$0x2] =	stream.indirect.gather [hbm4b:s5+s30], $0x80, s18, s30, $0xb8;
	[tilespmem:$0x1F680] =	vst v63  }
0x95: {  	_ =	swait.ge [sflag:s11], $0x1400  }
0x96: {  	[sflag:s11] =	ssyncset.done $0x0  }
0x97: {  	s21 =	simm.s32 $0x7C00;
	[sflag:s11] =	ssyncadd.s32 $0xFFFFEC00  }
0x98: {  	[spmem:s2] =	stream.indirect.scatter.add.f32 [tilespmem:s16], [sflag:$0x9], $0x80, s21, s30, $0xb8;
	[tilespmem:$0x1F680] =	vst v63  }
0x99: {  	_ =	swait.ge [sflag:s13], $0x1400  }
0x9a: {  	[sflag:s13] =	ssyncset.done $0x0  }
0x9b: {  	s25 =	simm.s32 $0x65E0;
	[sflag:s13] =	ssyncadd.s32 $0xFFFFEC00  }
0x9c: {  	[tilespmem:s14], [sflag:$0x3] =	stream.indirect.gather [hbm4b:s5+s30], $0x80, s25, s30, $0xb8;
	[tilespmem:$0x1F680] =	vst v63  }
0x9d: {  	_ =	swait.ge [sflag:s23], $0x1400  }
0x9e: {  	s31 =	simm.s32 $0x7C80;
	[sflag:s23] =	ssyncset.done $0x0  }
0x9f: {  	s18 =	simm.s32 $0x7F00;
	s25 =	simm.s32 $0x320;
	[sflag:s23] =	ssyncadd.s32 $0xFFFFEC00  }
.LBB2_5:
0xa0: {  	s21 =	smov.u32 s18  }
0xa1: {  	[spmem:s2] =	stream.indirect.scatter.add.f32 [tilespmem:s19], [sflag:$0xA], $0x80, s31, s30, $0xb8;
	[tilespmem:$0x1F680] =	vst v63  }
0xa2: {  	s1 =	smov.u32 s25;
	s31 =	smov.u32 s18  }
0xa3: {  	p0 =	sne.s32 s25, $0x44C0;
	s25 =	sadd.s32 $0x320, s25;
	_ =	swait.ge [sflag:s4], $0x1400  }
0xa4: {  	s1 =	sshra.s32 s1, $0x2;
	[sflag:s4] =	ssyncset.done $0x0  }
0xa5: {  	s8 =	sadd.s32 $0x6540, s1;
	[sflag:s4] =	ssyncadd.s32 $0xFFFFEC00  }
0xa6: {  	[tilespmem:s16], [sflag:$0x4] =	stream.indirect.gather [hbm4b:s5+s30], $0x80, s8, s30, $0xb8;
	[tilespmem:$0x1F680] =	vst v63  }
0xa7: {  	_ =	swait.ge [sflag:s17], $0x1400  }
0xa8: {  	[sflag:s17] =	ssyncset.done $0x0  }
0xa9: {  	s8 =	sadd.s32 $0xFFFFFE00, s18;
	[sflag:s17] =	ssyncadd.s32 $0xFFFFEC00  }
0xaa: {  	[spmem:s2] =	stream.indirect.scatter.add.f32 [tilespmem:s3], [sflag:$0x6], $0x80, s8, s30, $0xb8;
	[tilespmem:$0x1F680] =	vst v63  }
0xab: {  	_ =	swait.ge [sflag:s15], $0x1400  }
0xac: {  	[sflag:s15] =	ssyncset.done $0x0  }
0xad: {  	s8 =	sadd.s32 $0x6568, s1;
	[sflag:s15] =	ssyncadd.s32 $0xFFFFEC00  }
0xae: {  	[tilespmem:s19], [sflag:$0x5] =	stream.indirect.gather [hbm4b:s5+s30], $0x80, s8, s30, $0xb8;
	[tilespmem:$0x1F680] =	vst v63  }
0xaf: {  	_ =	swait.ge [sflag:s20], $0x1400  }
0xb0: {  	[sflag:s20] =	ssyncset.done $0x0  }
0xb1: {  	s8 =	sadd.s32 $0xFFFFFE80, s18;
	[sflag:s20] =	ssyncadd.s32 $0xFFFFEC00  }
0xb2: {  	[spmem:s2] =	stream.indirect.scatter.add.f32 [tilespmem:s0], [sflag:$0x7], $0x80, s8, s30, $0xb8;
	[tilespmem:$0x1F680] =	vst v63  }
0xb3: {  	_ =	swait.ge [sflag:s22], $0x1400  }
0xb4: {  	[sflag:s22] =	ssyncset.done $0x0  }
0xb5: {  	s8 =	sadd.s32 $0x6590, s1;
	[sflag:s22] =	ssyncadd.s32 $0xFFFFEC00  }
0xb6: {  	[tilespmem:s3], [sflag:$0x1] =	stream.indirect.gather [hbm4b:s5+s30], $0x80, s8, s30, $0xb8;
	[tilespmem:$0x1F680] =	vst v63  }
0xb7: {  	_ =	swait.ge [sflag:s6], $0x1400  }
0xb8: {  	[sflag:s6] =	ssyncset.done $0x0  }
0xb9: {  	s8 =	sadd.s32 $0xFFFFFF00, s18;
	[sflag:s6] =	ssyncadd.s32 $0xFFFFEC00  }
0xba: {  	[spmem:s2] =	stream.indirect.scatter.add.f32 [tilespmem:s14], [sflag:$0x8], $0x80, s8, s30, $0xb8;
	[tilespmem:$0x1F680] =	vst v63  }
0xbb: {  	_ =	swait.ge [sflag:s9], $0x1400  }
0xbc: {  	[sflag:s9] =	ssyncset.done $0x0  }
0xbd: {  	s8 =	sadd.s32 $0x65B8, s1;
	[sflag:s9] =	ssyncadd.s32 $0xFFFFEC00  }
0xbe: {  	[tilespmem:s0], [sflag:$0x2] =	stream.indirect.gather [hbm4b:s5+s30], $0x80, s8, s30, $0xb8;
	[tilespmem:$0x1F680] =	vst v63  }
0xbf: {  	_ =	swait.ge [sflag:s11], $0x1400  }
0xc0: {  	[sflag:s11] =	ssyncset.done $0x0  }
0xc1: {  	s8 =	sadd.s32 $0xFFFFFF80, s18;
	[sflag:s11] =	ssyncadd.s32 $0xFFFFEC00  }
0xc2: {  	[spmem:s2] =	stream.indirect.scatter.add.f32 [tilespmem:s16], [sflag:$0x9], $0x80, s8, s30, $0xb8;
	[tilespmem:$0x1F680] =	vst v63  }
0xc3: {  	_ =	swait.ge [sflag:s13], $0x1400  }
0xc4: {  	[sflag:s13] =	ssyncset.done $0x0  }
.Ltmp1:
0xc5: {  	s1 =	sadd.s32 $0x65E0, s1;
	[sflag:s13] =	ssyncadd.s32 $0xFFFFEC00;
	(pc) =	sbr.rel @p0 .LBB2_5-.Ltmp1, $4  }
0xc6: {  	[tilespmem:s14], [sflag:$0x3] =	stream.indirect.gather [hbm4b:s5+s30], $0x80, s1, s30, $0xb8;
	[tilespmem:$0x1F680] =	vst v63  }
0xc7: {  	_ =	swait.ge [sflag:s23], $0x1400  }
0xc8: {  	[sflag:s23] =	ssyncset.done $0x0  }
0xc9: {  	s18 =	sadd.s32 $0x280, s18;
	[sflag:s23] =	ssyncadd.s32 $0xFFFFEC00  }
0xca: {  	[spmem:s2] =	stream.indirect.scatter.add.f32 [tilespmem:s19], [sflag:$0xA], $0x80, s31, s30, $0xb8;
	[tilespmem:$0x1F680] =	vst v63  }
0xcb: {  	_ =	swait.ge [sflag:s4], $0x1400  }
0xcc: {  	[sflag:s4] =	ssyncset.done $0x0  }
0xcd: {  	s1 =	simm.s32 $0x7738;
	[sflag:s4] =	ssyncadd.s32 $0xFFFFEC00  }
0xce: {  	[tilespmem:s16], [sflag:$0x4] =	stream.indirect.gather [hbm4b:s5+s30], $0x80, s1, s30, $0xb8;
	[tilespmem:$0x1F680] =	vst v63  }
0xcf: {  	_ =	swait.ge [sflag:s17], $0x1400  }
0xd0: {  	[sflag:s17] =	ssyncset.done $0x0  }
0xd1: {  	s31 =	sadd.s32 $0x80, s21;
	[sflag:s17] =	ssyncadd.s32 $0xFFFFEC00  }
0xd2: {  	[spmem:s2] =	stream.indirect.scatter.add.f32 [tilespmem:s3], [sflag:$0x6], $0x80, s31, s30, $0xb8;
	[tilespmem:$0x1F680] =	vst v63  }
0xd3: {  	_ =	swait.ge [sflag:s15], $0x1400  }
0xd4: {  	[sflag:s15] =	ssyncset.done $0x0  }
0xd5: {  	s8 =	simm.s32 $0x7760;
	[sflag:s15] =	ssyncadd.s32 $0xFFFFEC00  }
0xd6: {  	[tilespmem:s19], [sflag:$0x5] =	stream.indirect.gather [hbm4b:s5+s30], $0x80, s8, s30, $0xb8;
	[tilespmem:$0x1F680] =	vst v63  }
0xd7: {  	_ =	swait.ge [sflag:s20], $0x1400  }
0xd8: {  	[sflag:s20] =	ssyncset.done $0x0  }
0xd9: {  	s18 =	sadd.s32 $0x100, s21;
	[sflag:s20] =	ssyncadd.s32 $0xFFFFEC00  }
0xda: {  	[spmem:s2] =	stream.indirect.scatter.add.f32 [tilespmem:s0], [sflag:$0x7], $0x80, s18, s30, $0xb8;
	[tilespmem:$0x1F680] =	vst v63  }
0xdb: {  	_ =	swait.ge [sflag:s6], $0x1400  }
0xdc: {  	[sflag:s6] =	ssyncset.done $0x0  }
0xdd: {  	s21 =	sadd.s32 $0x180, s21;
	[sflag:s6] =	ssyncadd.s32 $0xFFFFEC00  }
0xde: {  	[spmem:s2] =	stream.indirect.scatter.add.f32 [tilespmem:s14], [sflag:$0x8], $0x80, s21, s30, $0xb8;
	[tilespmem:$0x1F680] =	vst v63  }
0xdf: {  	_ =	swait.ge [sflag:s11], $0x1400  }
0xe0: {  	[sflag:s11] =	ssyncset.done $0x0  }
0xe1: {  	s25 =	simm.s32 $0xB580;
	[sflag:s11] =	ssyncadd.s32 $0xFFFFEC00  }
0xe2: {  	[spmem:s2] =	stream.indirect.scatter.add.f32 [tilespmem:s16], [sflag:$0x9], $0x80, s25, s30, $0xb8;
	[tilespmem:$0x1F680] =	vst v63  }
0xe3: {  	_ =	swait.ge [sflag:s23], $0x1400  }
0xe4: {  	[sflag:s23] =	ssyncset.done $0x0  }
0xe5: {  	s31 =	simm.s32 $0xB600;
	[sflag:s23] =	ssyncadd.s32 $0xFFFFEC00  }
0xe6: {  	[spmem:s2] =	stream.indirect.scatter.add.f32 [tilespmem:s19], [sflag:$0xA], $0x80, s31, s30, $0xb8;
	[tilespmem:$0x1F680] =	vst v63  }
0xe7: {  	_ =	swait.ge [sflag:s22], $0x1400  }
0xe8: {  	[sflag:s22] =	ssyncset.done $0x0  }
0xe9: {  	[sflag:s22] =	ssyncadd.s32 $0xFFFFEC00  }
0xea: {  	_ =	swait.ge [sflag:s9], $0x1400  }
0xeb: {  	[sflag:s9] =	ssyncset.done $0x0  }
0xec: {  	[sflag:s9] =	ssyncadd.s32 $0xFFFFEC00  }
0xed: {  	_ =	swait.ge [sflag:s13], $0x1400  }
0xee: {  	[sflag:s13] =	ssyncset.done $0x0  }
0xef: {  	s12 =	sadd.s32 $0x1, s12;
	[sflag:s13] =	ssyncadd.s32 $0xFFFFEC00  }
0xf0: {  	p0 =	sne.s32 s12, $0x4;
	_ =	swait.ge [sflag:s4], $0x1400  }
.Ltmp2:
0xf1: {  	[sflag:s4] =	ssyncset.done $0x0;
	(pc) =	sbr.rel @p0 .LBB2_4-.Ltmp2, $4  }
0xf2: {  	[sflag:s4] =	ssyncadd.s32 $0xFFFFEC00  }
0xf3: {  	_ =	swait.ge [sflag:s15], $0x1400  }
0xf4: {  	[sflag:s15] =	ssyncset.done $0x0  }
0xf5: {  	[sflag:s15] =	ssyncadd.s32 $0xFFFFEC00  }
0xf6: {  	[bflag:$0x0] =	sbarrier.arrive $0xFFFF  }
0xf7: {  	s21 =	rddreg [dreg:$0x4]  }
0xf8: {  	s10 =	simm.s32 $0x0;
	s12 =	simm.s32 $0x0;
	s25 =	rddreg [dreg:$0x6]  }
.LBB2_8:
0xf9: {  	s1 =	smul.u32 $0x50, s12;
	_ =	sdelay $0x1  }
0xfa: {  	s1 =	sadd.s32 s25, s1  }
0xfb: {  	s18 =	sshll.u32 s1, $0x7  }
0xfc: {  	s8 =	sand.u32 $0x3FFFFF80, s18  }
0xfd: {  	s8 =	sadd.s32 s8, s2  }
0xfe: {  	[tilespmem:s10], [sflag:$0xB] =	stream.linear.gather [spmem:s8], $0x2800, $0x38;
	[tilespmem:$0x1F680] =	vst v63  }
0xff: {  	_ =	swait.ge [sflag:s26], $0x2800  }
0x100: {  	s1 =	sshll.u32 s1, $0x4;
	[sflag:s26] =	ssyncset.done $0x0  }
0x101: {  	s1 =	sadd.s32 s21, s1;
	[sflag:s26] =	ssyncadd.s32 $0xFFFFD800  }
0x102: {  	[tilespmem:s14], [sflag:$0xB] =	stream.linear.gather [hbm4b:s1+s10], $0x2800, $0x38;
	[tilespmem:$0x1F680] =	vst v63  }
0x103: {  	_ =	swait.ge [sflag:s26], $0x2800  }
0x104: {  	[sflag:s26] =	ssyncset.done $0x0  }
0x105: {  	s31 =	simm.s32 $0x0;
	[sflag:s26] =	ssyncadd.s32 $0xFFFFD800  }
0x106: {  	v7 =	vld [tilespmem:s31+$0x2800]  }
0x107: {  	v12 =	vld [tilespmem:s31+$0x2810]  }
0x108: {  	v6 =	vld [tilespmem:s31+$0x2820]  }
0x109: {  	v5 =	vld [tilespmem:s31+$0x2830]  }
0x10a: {  	v4 =	vld [tilespmem:s31+$0x2840]  }
0x10b: {  	v3 =	vld [tilespmem:s31+$0x2850]  }
0x10c: {  	v2 =	vld [tilespmem:s31+$0x2860]  }
0x10d: {  	v1 =	vld [tilespmem:s31+$0x2870]  }
0x10e: {  	v13 =	vld [tilespmem:s31+$0x0]  }
0x10f: {  	v14 =	vld [tilespmem:s31+$0x10]  }
0x110: {  	v11 =	vld [tilespmem:s31+$0x20]  }
0x111: {  	v10 =	vld [tilespmem:s31+$0x30]  }
0x112: {  	v9 =	vld [tilespmem:s31+$0x40]  }
0x113: {  	v8 =	vld [tilespmem:s31+$0x50];
	v13 =	vadd.f32 v7, v13  }
0x114: {  	s1 =	simm.s32 $0x200;
	v12 =	vadd.f32 v12, v14;
	v7 =	vld [tilespmem:s31+$0x60]  }
.LBB2_9:
0x115: {  	s8 =	sshra.s32 s1, $0x2;
	p0 =	sne.s32 s1, $0x9E00;
	v13 =	vmax.f32 v13, $0.0e+00;
	v6 =	vadd.f32 v6, v11;
	v11 =	vld [tilespmem:s31+$0x70]  }
0x116: {  	v14 =	vld [tilespmem:s8+$0x2800];
	[tilespmem:s31+$0x0] =	vst v13;
	v12 =	vmax.f32 v12, $0.0e+00;
	v5 =	vadd.f32 v5, v10  }
0x117: {  	v15 =	vld [tilespmem:s8+$0x2810];
	[tilespmem:s31+$0x10] =	vst v12;
	v10 =	vmax.f32 v6, $0.0e+00;
	v4 =	vadd.f32 v4, v9  }
0x118: {  	v6 =	vld [tilespmem:s8+$0x2820];
	[tilespmem:s31+$0x20] =	vst v10;
	v9 =	vmax.f32 v5, $0.0e+00;
	v3 =	vadd.f32 v3, v8  }
0x119: {  	v5 =	vld [tilespmem:s8+$0x2830];
	[tilespmem:s31+$0x30] =	vst v9;
	v8 =	vmax.f32 v4, $0.0e+00;
	v2 =	vadd.f32 v2, v7  }
0x11a: {  	v4 =	vld [tilespmem:s8+$0x2840];
	[tilespmem:s31+$0x40] =	vst v8;
	v7 =	vmax.f32 v3, $0.0e+00;
	v1 =	vadd.f32 v1, v11  }
0x11b: {  	v3 =	vld [tilespmem:s8+$0x2850];
	[tilespmem:s31+$0x50] =	vst v7;
	v7 =	vmax.f32 v2, $0.0e+00  }
0x11c: {  	v2 =	vld [tilespmem:s8+$0x2860];
	[tilespmem:s31+$0x60] =	vst v7;
	v7 =	vmax.f32 v1, $0.0e+00  }
0x11d: {  	v1 =	vld [tilespmem:s8+$0x2870];
	[tilespmem:s31+$0x70] =	vst v7;
	s31 =	smov.u32 s8  }
0x11e: {  	v7 =	vld [tilespmem:s31+$0x0]  }
0x11f: {  	v12 =	vld [tilespmem:s31+$0x10]  }
.Ltmp3:
0x120: {  	v11 =	vld [tilespmem:s31+$0x20];
	(pc) =	sbr.rel @p0 .LBB2_9-.Ltmp3, $4  }
0x121: {  	v10 =	vld [tilespmem:s31+$0x30]  }
0x122: {  	v9 =	vld [tilespmem:s31+$0x40]  }
0x123: {  	v13 =	vadd.f32 v14, v7;
	v8 =	vld [tilespmem:s31+$0x50]  }
0x124: {  	s1 =	sadd.s32 $0x200, s1;
	v12 =	vadd.f32 v15, v12;
	v7 =	vld [tilespmem:s31+$0x60]  }
0x125: {  	v13 =	vmax.f32 v13, $0.0e+00;
	v6 =	vadd.f32 v6, v11;
	v63 =	vld [tilespmem:s31+$0x70]  }
0x126: {  	[tilespmem:s31+$0x0] =	vst v13;
	v12 =	vmax.f32 v12, $0.0e+00;
	v5 =	vadd.f32 v5, v10  }
0x127: {  	[tilespmem:s31+$0x10] =	vst v12;
	v6 =	vmax.f32 v6, $0.0e+00;
	v4 =	vadd.f32 v4, v9  }
0x128: {  	[tilespmem:s31+$0x20] =	vst v6;
	v5 =	vmax.f32 v5, $0.0e+00;
	v3 =	vadd.f32 v3, v8  }
0x129: {  	[tilespmem:s31+$0x30] =	vst v5;
	v4 =	vmax.f32 v4, $0.0e+00;
	v2 =	vadd.f32 v2, v7  }
0x12a: {  	s1 =	rddreg [dreg:$0x8];
	[tilespmem:s31+$0x40] =	vst v4;
	v3 =	vmax.f32 v3, $0.0e+00;
	v1 =	vadd.f32 v1, v63  }
0x12b: {  	s12 =	sadd.s32 $0x1, s12;
	s1 =	sadd.s32 s1, s18;
	[tilespmem:s31+$0x50] =	vst v3;
	v2 =	vmax.f32 v2, $0.0e+00  }
0x12c: {  	s8 =	rddreg [dreg:$0x7];
	p0 =	sne.s32 s12, $0x8;
	s1 =	sshrl.u32 s1, $0x3;
	[tilespmem:s31+$0x60] =	vst v2;
	v1 =	vmax.f32 v1, $0.0e+00  }
.Ltmp4:
0x12d: {  	s1 =	sadd.s32 s8, s1;
	[tilespmem:s31+$0x70] =	vst v1;
	(pc) =	sbr.rel @p0 .LBB2_8-.Ltmp4, $4  }
0x12e: {  	[hbm4b:s1+s3] =	stream.linear.scatter [tilespmem:s3], [sflag:$0xB], $0x2800, $0x38;
	[tilespmem:$0x1F680] =	vst v63  }
0x12f: {  	_ =	swait.ge [sflag:s26], $0x2800  }
0x130: {  	[sflag:s26] =	ssyncset.done $0x0  }
0x131: {  	[sflag:s26] =	ssyncadd.s32 $0xFFFFD800  }
0x132: {  	s1 =	simm.s32 $0x70;
	s10 =	simm.s32 $0x3C0  }
.LBB2_12:
0x133: {  	p0 =	sne.s32 s10, $0x18FC0;
	[tilespmem:s1+$0x0] =	vst v0  }
0x134: {  	[tilespmem:s1+$0xFFFFFF90] =	vst v0  }
0x135: {  	[tilespmem:s1+$0xFFFFFFA0] =	vst v0  }
.Ltmp5:
0x136: {  	[tilespmem:s1+$0xFFFFFFB0] =	vst v0;
	(pc) =	sbr.rel @p0 .LBB2_12-.Ltmp5, $4  }
0x137: {  	[tilespmem:s1+$0xFFFFFFC0] =	vst v0  }
0x138: {  	[tilespmem:s1+$0xFFFFFFD0] =	vst v0  }
0x139: {  	[tilespmem:s1+$0xFFFFFFE0] =	vst v0  }
0x13a: {  	[tilespmem:s1+$0xFFFFFFF0] =	vst v0;
	s1 =	sshra.s32 s10, $0x2;
	s10 =	sadd.s32 $0x200, s10  }
0x13b: {  	[tilespmem:s1+$0x0] =	vst v0  }
0x13c: {  	[tilespmem:s1+$0xFFFFFF90] =	vst v0  }
0x13d: {  	[tilespmem:s1+$0xFFFFFFA0] =	vst v0  }
0x13e: {  	[tilespmem:s1+$0xFFFFFFB0] =	vst v0  }
0x13f: {  	[tilespmem:s1+$0xFFFFFFC0] =	vst v0  }
0x140: {  	[tilespmem:s1+$0xFFFFFFD0] =	vst v0  }
0x141: {  	[tilespmem:s1+$0xFFFFFFE0] =	vst v0  }
0x142: {  	[tilespmem:s1+$0xFFFFFFF0] =	vst v0;
	s10 =	simm.s32 $0x0;
	s12 =	rddreg [dreg:$0x10]  }
0x143: {  	[spmem:s12] =	stream.linear.scatter [tilespmem:s10], [sflag:$0xB], $0x6400, $0x38;
	[tilespmem:$0x1F680] =	vst v63  }
0x144: {  	_ =	swait.ge [sflag:s26], $0x6400  }
0x145: {  	[sflag:s26] =	ssyncset.done $0x0  }
0x146: {  	s18 =	rddreg [dreg:$0x11];
	[sflag:s26] =	ssyncadd.s32 $0xFFFF9C00  }
0x147: {  	[spmem:s18] =	stream.linear.scatter [tilespmem:s10], [sflag:$0xB], $0x6400, $0x38;
	[tilespmem:$0x1F680] =	vst v63  }
0x148: {  	_ =	swait.ge [sflag:s26], $0x6400  }
0x149: {  	[sflag:s26] =	ssyncset.done $0x0  }
0x14a: {  	s21 =	rddreg [dreg:$0x12];
	[sflag:s26] =	ssyncadd.s32 $0xFFFF9C00  }
0x14b: {  	[spmem:s21] =	stream.linear.scatter [tilespmem:s10], [sflag:$0xB], $0x6400, $0x38;
	[tilespmem:$0x1F680] =	vst v63  }
0x14c: {  	_ =	swait.ge [sflag:s26], $0x6400  }
0x14d: {  	[sflag:s26] =	ssyncset.done $0x0  }
0x14e: {  	s25 =	rddreg [dreg:$0x13];
	[sflag:s26] =	ssyncadd.s32 $0xFFFF9C00  }
0x14f: {  	[spmem:s25] =	stream.linear.scatter [tilespmem:s10], [sflag:$0xB], $0x1400, $0x38;
	[tilespmem:$0x1F680] =	vst v63  }
0x150: {  	_ =	swait.ge [sflag:s26], $0x1400  }
0x151: {  	[sflag:s26] =	ssyncset.done $0x0  }
0x152: {  	[sflag:s26] =	ssyncadd.s32 $0xFFFFEC00  }
0x153: {  	[bflag:$0x0] =	sbarrier.arrive $0xFFFF  }
0x154: {  	p1 =	por $0x1, $0x1;
	s1 =	simm.s32 $0x0;
	s31 =	rddreg [dreg:$0x5]  }
.LBB2_14:
0x155: {  	s8 =	smul.u32 $0x1388, s1  }
0x156: {  	s12 =	rddreg [dreg:$0xf]  }
0x157: {  	s8 =	sadd.s32 s12, s8  }
0x158: {  	s8 =	sshrl.u32 s8, $0x3  }
0x159: {  	s8 =	sadd.s32 s7, s8  }
0x15a: {  	[tilespmem:s28], [sflag:$0xB] =	stream.linear.gather [hbm4b:s8+s10], $0x1388, $0x38;
	[tilespmem:$0x1F680] =	vst v63  }
0x15b: {  	s21 =	smul.u32 $0x3E80, s1;
	_ =	swait.ge [sflag:s26], $0x1388  }
0x15c: {  	s25 =	rddreg [dreg:$0x14]  }
0x15d: {  	s1 =	sadd.s32 s25, s21  }
0x15e: {  	[sflag:s26] =	ssyncset.done $0x0;
	s1 =	sshrl.u32 s1, $0x3  }
0x15f: {  	[sflag:s26] =	ssyncadd.s32 $0xFFFFEC78;
	s1 =	sadd.s32 s31, s1  }
0x160: {  	[tilespmem:s29], [sflag:$0xB] =	stream.linear.gather [hbm4b:s1+s10], $0x3E80, $0x38;
	[tilespmem:$0x1F680] =	vst v63  }
0x161: {  	_ =	swait.ge [sflag:s26], $0x3E80  }
0x162: {  	[sflag:s26] =	ssyncset.done $0x0  }
0x163: {  	[sflag:s26] =	ssyncadd.s32 $0xFFFFC180  }
0x164: {  	[tilespmem:s10], [sflag:$0x1] =	stream.indirect.gather [hbm4b:s24+s30], $0x80, s28, s30, $0xb8;
	[tilespmem:$0x1F680] =	vst v63  }
0x165: {  	s8 =	simm.s32 $0x6428  }
0x166: {  	[tilespmem:s0], [sflag:$0x2] =	stream.indirect.gather [hbm4b:s24+s30], $0x80, s8, s30, $0xb8;
	[tilespmem:$0x1F680] =	vst v63  }
0x167: {  	s12 =	simm.s32 $0x6450  }
0x168: {  	[tilespmem:s14], [sflag:$0x3] =	stream.indirect.gather [hbm4b:s24+s30], $0x80, s12, s30, $0xb8;
	[tilespmem:$0x1F680] =	vst v63  }
0x169: {  	s18 =	simm.s32 $0x6478  }
0x16a: {  	[tilespmem:s16], [sflag:$0x4] =	stream.indirect.gather [hbm4b:s24+s30], $0x80, s18, s30, $0xb8;
	[tilespmem:$0x1F680] =	vst v63  }
0x16b: {  	_ =	swait.ge [sflag:s17], $0x1400  }
0x16c: {  	[sflag:s17] =	ssyncset.done $0x0  }
0x16d: {  	[sflag:s17] =	ssyncadd.s32 $0xFFFFEC00  }
0x16e: {  	[spmem:s2] =	stream.indirect.scatter.add.f32 [tilespmem:s10], [sflag:$0x6], $0x80, s29, s30, $0xb8;
	[tilespmem:$0x1F680] =	vst v63  }
0x16f: {  	s21 =	simm.s32 $0x64A0  }
0x170: {  	[tilespmem:s19], [sflag:$0x5] =	stream.indirect.gather [hbm4b:s24+s30], $0x80, s21, s30, $0xb8;
	[tilespmem:$0x1F680] =	vst v63  }
0x171: {  	_ =	swait.ge [sflag:s20], $0x1400  }
0x172: {  	[sflag:s20] =	ssyncset.done $0x0  }
0x173: {  	s25 =	simm.s32 $0x7880;
	[sflag:s20] =	ssyncadd.s32 $0xFFFFEC00  }
0x174: {  	[spmem:s2] =	stream.indirect.scatter.add.f32 [tilespmem:s0], [sflag:$0x7], $0x80, s25, s30, $0xb8;
	[tilespmem:$0x1F680] =	vst v63  }
0x175: {  	_ =	swait.ge [sflag:s22], $0x1400  }
0x176: {  	[sflag:s22] =	ssyncset.done $0x0  }
0x177: {  	s8 =	simm.s32 $0x64C8;
	[sflag:s22] =	ssyncadd.s32 $0xFFFFEC00  }
0x178: {  	[tilespmem:s10], [sflag:$0x1] =	stream.indirect.gather [hbm4b:s24+s30], $0x80, s8, s30, $0xb8;
	[tilespmem:$0x1F680] =	vst v63  }
0x179: {  	_ =	swait.ge [sflag:s6], $0x1400  }
0x17a: {  	[sflag:s6] =	ssyncset.done $0x0  }
0x17b: {  	s12 =	simm.s32 $0x7900;
	[sflag:s6] =	ssyncadd.s32 $0xFFFFEC00  }
0x17c: {  	[spmem:s2] =	stream.indirect.scatter.add.f32 [tilespmem:s14], [sflag:$0x8], $0x80, s12, s30, $0xb8;
	[tilespmem:$0x1F680] =	vst v63  }
0x17d: {  	_ =	swait.ge [sflag:s9], $0x1400  }
0x17e: {  	[sflag:s9] =	ssyncset.done $0x0  }
0x17f: {  	s18 =	simm.s32 $0x64F0;
	[sflag:s9] =	ssyncadd.s32 $0xFFFFEC00  }
0x180: {  	[tilespmem:s0], [sflag:$0x2] =	stream.indirect.gather [hbm4b:s24+s30], $0x80, s18, s30, $0xb8;
	[tilespmem:$0x1F680] =	vst v63  }
0x181: {  	_ =	swait.ge [sflag:s11], $0x1400  }
0x182: {  	[sflag:s11] =	ssyncset.done $0x0  }
0x183: {  	s21 =	simm.s32 $0x7980;
	[sflag:s11] =	ssyncadd.s32 $0xFFFFEC00  }
0x184: {  	[spmem:s2] =	stream.indirect.scatter.add.f32 [tilespmem:s16], [sflag:$0x9], $0x80, s21, s30, $0xb8;
	[tilespmem:$0x1F680] =	vst v63  }
0x185: {  	_ =	swait.ge [sflag:s13], $0x1400  }
0x186: {  	[sflag:s13] =	ssyncset.done $0x0  }
0x187: {  	s25 =	simm.s32 $0x6518;
	[sflag:s13] =	ssyncadd.s32 $0xFFFFEC00  }
0x188: {  	[tilespmem:s14], [sflag:$0x3] =	stream.indirect.gather [hbm4b:s24+s30], $0x80, s25, s30, $0xb8;
	[tilespmem:$0x1F680] =	vst v63  }
0x189: {  	_ =	swait.ge [sflag:s23], $0x1400  }
0x18a: {  	[sflag:s23] =	ssyncset.done $0x0  }
0x18b: {  	s8 =	simm.s32 $0x7A00;
	[sflag:s23] =	ssyncadd.s32 $0xFFFFEC00  }
0x18c: {  	[spmem:s2] =	stream.indirect.scatter.add.f32 [tilespmem:s19], [sflag:$0xA], $0x80, s8, s30, $0xb8;
	[tilespmem:$0x1F680] =	vst v63  }
0x18d: {  	_ =	swait.ge [sflag:s4], $0x1400  }
0x18e: {  	[sflag:s4] =	ssyncset.done $0x0  }
0x18f: {  	s12 =	simm.s32 $0x6540;
	[sflag:s4] =	ssyncadd.s32 $0xFFFFEC00  }
0x190: {  	[tilespmem:s16], [sflag:$0x4] =	stream.indirect.gather [hbm4b:s24+s30], $0x80, s12, s30, $0xb8;
	[tilespmem:$0x1F680] =	vst v63  }
0x191: {  	_ =	swait.ge [sflag:s17], $0x1400  }
0x192: {  	[sflag:s17] =	ssyncset.done $0x0  }
0x193: {  	s18 =	simm.s32 $0x7A80;
	[sflag:s17] =	ssyncadd.s32 $0xFFFFEC00  }
0x194: {  	[spmem:s2] =	stream.indirect.scatter.add.f32 [tilespmem:s3], [sflag:$0x6], $0x80, s18, s30, $0xb8;
	[tilespmem:$0x1F680] =	vst v63  }
0x195: {  	_ =	swait.ge [sflag:s15], $0x1400  }
0x196: {  	[sflag:s15] =	ssyncset.done $0x0  }
0x197: {  	s21 =	simm.s32 $0x6568;
	[sflag:s15] =	ssyncadd.s32 $0xFFFFEC00  }
0x198: {  	[tilespmem:s19], [sflag:$0x5] =	stream.indirect.gather [hbm4b:s24+s30], $0x80, s21, s30, $0xb8;
	[tilespmem:$0x1F680] =	vst v63  }
0x199: {  	_ =	swait.ge [sflag:s20], $0x1400  }
0x19a: {  	[sflag:s20] =	ssyncset.done $0x0  }
0x19b: {  	s25 =	simm.s32 $0x7B00;
	[sflag:s20] =	ssyncadd.s32 $0xFFFFEC00  }
0x19c: {  	[spmem:s2] =	stream.indirect.scatter.add.f32 [tilespmem:s0], [sflag:$0x7], $0x80, s25, s30, $0xb8;
	[tilespmem:$0x1F680] =	vst v63  }
0x19d: {  	_ =	swait.ge [sflag:s22], $0x1400  }
0x19e: {  	[sflag:s22] =	ssyncset.done $0x0  }
0x19f: {  	s8 =	simm.s32 $0x6590;
	[sflag:s22] =	ssyncadd.s32 $0xFFFFEC00  }
0x1a0: {  	[tilespmem:s3], [sflag:$0x1] =	stream.indirect.gather [hbm4b:s24+s30], $0x80, s8, s30, $0xb8;
	[tilespmem:$0x1F680] =	vst v63  }
0x1a1: {  	_ =	swait.ge [sflag:s6], $0x1400  }
0x1a2: {  	[sflag:s6] =	ssyncset.done $0x0  }
0x1a3: {  	s12 =	simm.s32 $0x7B80;
	[sflag:s6] =	ssyncadd.s32 $0xFFFFEC00  }
0x1a4: {  	[spmem:s2] =	stream.indirect.scatter.add.f32 [tilespmem:s14], [sflag:$0x8], $0x80, s12, s30, $0xb8;
	[tilespmem:$0x1F680] =	vst v63  }
0x1a5: {  	_ =	swait.ge [sflag:s9], $0x1400  }
0x1a6: {  	[sflag:s9] =	ssyncset.done $0x0  }
0x1a7: {  	s18 =	simm.s32 $0x65B8;
	[sflag:s9] =	ssyncadd.s32 $0xFFFFEC00  }
0x1a8: {  	[tilespmem:s0], [sflag:$0x2] =	stream.indirect.gather [hbm4b:s24+s30], $0x80, s18, s30, $0xb8;
	[tilespmem:$0x1F680] =	vst v63  }
0x1a9: {  	_ =	swait.ge [sflag:s11], $0x1400  }
0x1aa: {  	[sflag:s11] =	ssyncset.done $0x0  }
0x1ab: {  	s21 =	simm.s32 $0x7C00;
	[sflag:s11] =	ssyncadd.s32 $0xFFFFEC00  }
0x1ac: {  	[spmem:s2] =	stream.indirect.scatter.add.f32 [tilespmem:s16], [sflag:$0x9], $0x80, s21, s30, $0xb8;
	[tilespmem:$0x1F680] =	vst v63  }
0x1ad: {  	_ =	swait.ge [sflag:s13], $0x1400  }
0x1ae: {  	[sflag:s13] =	ssyncset.done $0x0  }
0x1af: {  	s25 =	simm.s32 $0x65E0;
	[sflag:s13] =	ssyncadd.s32 $0xFFFFEC00  }
0x1b0: {  	[tilespmem:s14], [sflag:$0x3] =	stream.indirect.gather [hbm4b:s24+s30], $0x80, s25, s30, $0xb8;
	[tilespmem:$0x1F680] =	vst v63  }
0x1b1: {  	_ =	swait.ge [sflag:s23], $0x1400  }
0x1b2: {  	p0 =	por p1, p1;
	s18 =	simm.s32 $0x7C80;
	[sflag:s23] =	ssyncset.done $0x0  }
0x1b3: {  	s21 =	simm.s32 $0x7F00;
	s25 =	simm.s32 $0x320;
	[sflag:s23] =	ssyncadd.s32 $0xFFFFEC00  }
.LBB2_15:
0x1b4: {  	s12 =	smov.u32 s21  }
0x1b5: {  	[spmem:s2] =	stream.indirect.scatter.add.f32 [tilespmem:s19], [sflag:$0xA], $0x80, s18, s30, $0xb8;
	[tilespmem:$0x1F680] =	vst v63  }
0x1b6: {  	s1 =	smov.u32 s25;
	s18 =	smov.u32 s21  }
0x1b7: {  	p1 =	sne.s32 s25, $0x44C0;
	s25 =	sadd.s32 $0x320, s25;
	_ =	swait.ge [sflag:s4], $0x1400  }
0x1b8: {  	s1 =	sshra.s32 s1, $0x2;
	[sflag:s4] =	ssyncset.done $0x0  }
0x1b9: {  	s8 =	sadd.s32 $0x6540, s1;
	[sflag:s4] =	ssyncadd.s32 $0xFFFFEC00  }
0x1ba: {  	[tilespmem:s16], [sflag:$0x4] =	stream.indirect.gather [hbm4b:s24+s30], $0x80, s8, s30, $0xb8;
	[tilespmem:$0x1F680] =	vst v63  }
0x1bb: {  	_ =	swait.ge [sflag:s17], $0x1400  }
0x1bc: {  	[sflag:s17] =	ssyncset.done $0x0  }
0x1bd: {  	s8 =	sadd.s32 $0xFFFFFE00, s21;
	[sflag:s17] =	ssyncadd.s32 $0xFFFFEC00  }
0x1be: {  	[spmem:s2] =	stream.indirect.scatter.add.f32 [tilespmem:s3], [sflag:$0x6], $0x80, s8, s30, $0xb8;
	[tilespmem:$0x1F680] =	vst v63  }
0x1bf: {  	_ =	swait.ge [sflag:s15], $0x1400  }
0x1c0: {  	[sflag:s15] =	ssyncset.done $0x0  }
0x1c1: {  	s8 =	sadd.s32 $0x6568, s1;
	[sflag:s15] =	ssyncadd.s32 $0xFFFFEC00  }
0x1c2: {  	[tilespmem:s19], [sflag:$0x5] =	stream.indirect.gather [hbm4b:s24+s30], $0x80, s8, s30, $0xb8;
	[tilespmem:$0x1F680] =	vst v63  }
0x1c3: {  	_ =	swait.ge [sflag:s20], $0x1400  }
0x1c4: {  	[sflag:s20] =	ssyncset.done $0x0  }
0x1c5: {  	s8 =	sadd.s32 $0xFFFFFE80, s21;
	[sflag:s20] =	ssyncadd.s32 $0xFFFFEC00  }
0x1c6: {  	[spmem:s2] =	stream.indirect.scatter.add.f32 [tilespmem:s0], [sflag:$0x7], $0x80, s8, s30, $0xb8;
	[tilespmem:$0x1F680] =	vst v63  }
0x1c7: {  	_ =	swait.ge [sflag:s22], $0x1400  }
0x1c8: {  	[sflag:s22] =	ssyncset.done $0x0  }
0x1c9: {  	s8 =	sadd.s32 $0x6590, s1;
	[sflag:s22] =	ssyncadd.s32 $0xFFFFEC00  }
0x1ca: {  	[tilespmem:s3], [sflag:$0x1] =	stream.indirect.gather [hbm4b:s24+s30], $0x80, s8, s30, $0xb8;
	[tilespmem:$0x1F680] =	vst v63  }
0x1cb: {  	_ =	swait.ge [sflag:s6], $0x1400  }
0x1cc: {  	[sflag:s6] =	ssyncset.done $0x0  }
0x1cd: {  	s8 =	sadd.s32 $0xFFFFFF00, s21;
	[sflag:s6] =	ssyncadd.s32 $0xFFFFEC00  }
0x1ce: {  	[spmem:s2] =	stream.indirect.scatter.add.f32 [tilespmem:s14], [sflag:$0x8], $0x80, s8, s30, $0xb8;
	[tilespmem:$0x1F680] =	vst v63  }
0x1cf: {  	_ =	swait.ge [sflag:s9], $0x1400  }
0x1d0: {  	[sflag:s9] =	ssyncset.done $0x0  }
0x1d1: {  	s8 =	sadd.s32 $0x65B8, s1;
	[sflag:s9] =	ssyncadd.s32 $0xFFFFEC00  }
0x1d2: {  	[tilespmem:s0], [sflag:$0x2] =	stream.indirect.gather [hbm4b:s24+s30], $0x80, s8, s30, $0xb8;
	[tilespmem:$0x1F680] =	vst v63  }
0x1d3: {  	_ =	swait.ge [sflag:s11], $0x1400  }
0x1d4: {  	[sflag:s11] =	ssyncset.done $0x0  }
0x1d5: {  	s8 =	sadd.s32 $0xFFFFFF80, s21;
	[sflag:s11] =	ssyncadd.s32 $0xFFFFEC00  }
0x1d6: {  	[spmem:s2] =	stream.indirect.scatter.add.f32 [tilespmem:s16], [sflag:$0x9], $0x80, s8, s30, $0xb8;
	[tilespmem:$0x1F680] =	vst v63  }
0x1d7: {  	_ =	swait.ge [sflag:s13], $0x1400  }
0x1d8: {  	[sflag:s13] =	ssyncset.done $0x0  }
.Ltmp6:
0x1d9: {  	s1 =	sadd.s32 $0x65E0, s1;
	[sflag:s13] =	ssyncadd.s32 $0xFFFFEC00;
	(pc) =	sbr.rel @p1 .LBB2_15-.Ltmp6, $4  }
0x1da: {  	[tilespmem:s14], [sflag:$0x3] =	stream.indirect.gather [hbm4b:s24+s30], $0x80, s1, s30, $0xb8;
	[tilespmem:$0x1F680] =	vst v63  }
0x1db: {  	_ =	swait.ge [sflag:s23], $0x1400  }
0x1dc: {  	[sflag:s23] =	ssyncset.done $0x0  }
0x1dd: {  	s21 =	sadd.s32 $0x280, s21;
	[sflag:s23] =	ssyncadd.s32 $0xFFFFEC00  }
0x1de: {  	[spmem:s2] =	stream.indirect.scatter.add.f32 [tilespmem:s19], [sflag:$0xA], $0x80, s18, s30, $0xb8;
	[tilespmem:$0x1F680] =	vst v63  }
0x1df: {  	_ =	swait.ge [sflag:s4], $0x1400  }
0x1e0: {  	[sflag:s4] =	ssyncset.done $0x0  }
0x1e1: {  	s1 =	simm.s32 $0x7738;
	[sflag:s4] =	ssyncadd.s32 $0xFFFFEC00  }
0x1e2: {  	[tilespmem:s16], [sflag:$0x4] =	stream.indirect.gather [hbm4b:s24+s30], $0x80, s1, s30, $0xb8;
	[tilespmem:$0x1F680] =	vst v63  }
0x1e3: {  	s1 =	simm.s32 $0x1  }
0x1e4: {  	_ =	swait.ge [sflag:s1], $0x1400  }
0x1e5: {  	[sflag:s1] =	ssyncset.done $0x0  }
0x1e6: {  	s8 =	sadd.s32 $0x80, s12;
	[sflag:s1] =	ssyncadd.s32 $0xFFFFEC00  }
0x1e7: {  	[spmem:s2] =	stream.indirect.scatter.add.f32 [tilespmem:s3], [sflag:$0x6], $0x80, s8, s30, $0xb8;
	[tilespmem:$0x1F680] =	vst v63  }
0x1e8: {  	_ =	swait.ge [sflag:s15], $0x1400  }
0x1e9: {  	[sflag:s15] =	ssyncset.done $0x0  }
0x1ea: {  	s21 =	simm.s32 $0x7760;
	[sflag:s15] =	ssyncadd.s32 $0xFFFFEC00  }
0x1eb: {  	[tilespmem:s19], [sflag:$0x5] =	stream.indirect.gather [hbm4b:s24+s30], $0x80, s21, s30, $0xb8;
	[tilespmem:$0x1F680] =	vst v63  }
0x1ec: {  	_ =	swait.ge [sflag:s20], $0x1400  }
0x1ed: {  	[sflag:s20] =	ssyncset.done $0x0  }
0x1ee: {  	s25 =	sadd.s32 $0x100, s12;
	[sflag:s20] =	ssyncadd.s32 $0xFFFFEC00  }
0x1ef: {  	[spmem:s2] =	stream.indirect.scatter.add.f32 [tilespmem:s0], [sflag:$0x7], $0x80, s25, s30, $0xb8;
	[tilespmem:$0x1F680] =	vst v63  }
0x1f0: {  	_ =	swait.ge [sflag:s6], $0x1400  }
0x1f1: {  	[sflag:s6] =	ssyncset.done $0x0  }
0x1f2: {  	s18 =	sadd.s32 $0x180, s12;
	[sflag:s6] =	ssyncadd.s32 $0xFFFFEC00  }
0x1f3: {  	[spmem:s2] =	stream.indirect.scatter.add.f32 [tilespmem:s14], [sflag:$0x8], $0x80, s18, s30, $0xb8;
	[tilespmem:$0x1F680] =	vst v63  }
0x1f4: {  	_ =	swait.ge [sflag:s11], $0x1400  }
0x1f5: {  	[sflag:s11] =	ssyncset.done $0x0  }
0x1f6: {  	s21 =	simm.s32 $0xB580;
	[sflag:s11] =	ssyncadd.s32 $0xFFFFEC00  }
0x1f7: {  	[spmem:s2] =	stream.indirect.scatter.add.f32 [tilespmem:s16], [sflag:$0x9], $0x80, s21, s30, $0xb8;
	[tilespmem:$0x1F680] =	vst v63  }
0x1f8: {  	_ =	swait.ge [sflag:s23], $0x1400  }
0x1f9: {  	[sflag:s23] =	ssyncset.done $0x0  }
0x1fa: {  	s25 =	simm.s32 $0xB600;
	[sflag:s23] =	ssyncadd.s32 $0xFFFFEC00  }
0x1fb: {  	[spmem:s2] =	stream.indirect.scatter.add.f32 [tilespmem:s19], [sflag:$0xA], $0x80, s25, s30, $0xb8;
	[tilespmem:$0x1F680] =	vst v63  }
0x1fc: {  	_ =	swait.ge [sflag:s22], $0x1400  }
0x1fd: {  	[sflag:s22] =	ssyncset.done $0x0  }
0x1fe: {  	[sflag:s22] =	ssyncadd.s32 $0xFFFFEC00  }
0x1ff: {  	_ =	swait.ge [sflag:s9], $0x1400  }
0x200: {  	[sflag:s9] =	ssyncset.done $0x0  }
0x201: {  	[sflag:s9] =	ssyncadd.s32 $0xFFFFEC00  }
0x202: {  	_ =	swait.ge [sflag:s13], $0x1400  }
0x203: {  	[sflag:s13] =	ssyncset.done $0x0  }
0x204: {  	[sflag:s13] =	ssyncadd.s32 $0xFFFFEC00  }
0x205: {  	_ =	swait.ge [sflag:s4], $0x1400  }
.Ltmp7:
0x206: {  	[sflag:s4] =	ssyncset.done $0x0;
	(pc) =	sbr.rel @p0 .LBB2_14-.Ltmp7, $4  }
0x207: {  	[sflag:s4] =	ssyncadd.s32 $0xFFFFEC00  }
0x208: {  	_ =	swait.ge [sflag:s15], $0x1400  }
0x209: {  	[sflag:s15] =	ssyncset.done $0x0  }
0x20a: {  	p1 =	por $0x0, $0x0;
	[sflag:s15] =	ssyncadd.s32 $0xFFFFEC00  }
0x20b: {  	[bflag:$0x0] =	sbarrier.arrive $0xFFFF  }
0x20c: {  	s1 =	rddreg [dreg:$0x10]  }
0x20d: {  	[tilespmem:s3], [sflag:$0xB] =	stream.linear.gather [spmem:s1], $0x6400, $0x38;
	[tilespmem:$0x1F680] =	vst v63  }
0x20e: {  	_ =	swait.ge [sflag:s26], $0x6400  }
0x20f: {  	[sflag:s26] =	ssyncset.done $0x0  }
0x210: {  	s31 =	rddreg [dreg:$0xb];
	[sflag:s26] =	ssyncadd.s32 $0xFFFF9C00  }
0x211: {  	[hbm4b:s31+s3] =	stream.linear.scatter [tilespmem:s3], [sflag:$0xB], $0x6400, $0x38;
	[tilespmem:$0x1F680] =	vst v63  }
0x212: {  	_ =	swait.ge [sflag:s26], $0x6400  }
0x213: {  	[sflag:s26] =	ssyncset.done $0x0  }
0x214: {  	s8 =	rddreg [dreg:$0x11];
	[sflag:s26] =	ssyncadd.s32 $0xFFFF9C00  }
0x215: {  	[tilespmem:s3], [sflag:$0xB] =	stream.linear.gather [spmem:s8], $0x6400, $0x38;
	[tilespmem:$0x1F680] =	vst v63  }
0x216: {  	_ =	swait.ge [sflag:s26], $0x6400  }
0x217: {  	[sflag:s26] =	ssyncset.done $0x0  }
0x218: {  	s10 =	rddreg [dreg:$0xc];
	[sflag:s26] =	ssyncadd.s32 $0xFFFF9C00  }
0x219: {  	[hbm4b:s10+s3] =	stream.linear.scatter [tilespmem:s3], [sflag:$0xB], $0x6400, $0x38;
	[tilespmem:$0x1F680] =	vst v63  }
0x21a: {  	_ =	swait.ge [sflag:s26], $0x6400  }
0x21b: {  	[sflag:s26] =	ssyncset.done $0x0  }
0x21c: {  	s12 =	rddreg [dreg:$0x12];
	[sflag:s26] =	ssyncadd.s32 $0xFFFF9C00  }
0x21d: {  	[tilespmem:s3], [sflag:$0xB] =	stream.linear.gather [spmem:s12], $0x6400, $0x38;
	[tilespmem:$0x1F680] =	vst v63  }
0x21e: {  	_ =	swait.ge [sflag:s26], $0x6400  }
0x21f: {  	[sflag:s26] =	ssyncset.done $0x0  }
0x220: {  	s18 =	rddreg [dreg:$0xd];
	[sflag:s26] =	ssyncadd.s32 $0xFFFF9C00  }
0x221: {  	[hbm4b:s18+s3] =	stream.linear.scatter [tilespmem:s3], [sflag:$0xB], $0x6400, $0x38;
	[tilespmem:$0x1F680] =	vst v63  }
0x222: {  	_ =	swait.ge [sflag:s26], $0x6400  }
0x223: {  	[sflag:s26] =	ssyncset.done $0x0  }
0x224: {  	s21 =	rddreg [dreg:$0x13];
	[sflag:s26] =	ssyncadd.s32 $0xFFFF9C00  }
0x225: {  	[tilespmem:s3], [sflag:$0xB] =	stream.linear.gather [spmem:s21], $0x1400, $0x38;
	[tilespmem:$0x1F680] =	vst v63  }
0x226: {  	_ =	swait.ge [sflag:s26], $0x1400  }
0x227: {  	[sflag:s26] =	ssyncset.done $0x0  }
0x228: {  	s25 =	rddreg [dreg:$0xe];
	[sflag:s26] =	ssyncadd.s32 $0xFFFFEC00  }
0x229: {  	[hbm4b:s25+s3] =	stream.linear.scatter [tilespmem:s3], [sflag:$0xB], $0x1400, $0x38;
	[tilespmem:$0x1F680] =	vst v63  }
0x22a: {  	_ =	swait.ge [sflag:s26], $0x1400  }
0x22b: {  	s8 =	rddreg [dreg:$0x16]  }
0x22c: {  	s31 =	rddreg [dreg:$0x15];
	s8 =	sadd.s32 $0x1, s8  }
0x22d: {  	p0 =	sne.s32 s8, s31  }
.Ltmp8:
0x22e: {  	_ = 	snop;
	(pc) =	sbr.rel @p0 .LBB2_1-.Ltmp8, $3  }
0x22f: {  	_ =	sdelay $0x1  }
0x230: {  	[sflag:s26] =	ssyncset.done $0x0  }
0x231: {  	[sflag:s26] =	ssyncadd.s32 $0xFFFFEC00  }
0x232: {  	_ =	sfence.sel $0x180000  }
0x233: {  	[bflag:$0x0] =	sbarrier.arrive $0xFFFF  }
0x234: {  	_ =	strace $0x90000047  }
0x235: {  	s0 =	stileid.u32;
	[bflag:$0x2] =	sbarrier.arrive $0xFFFF  }
0x236: {  	p0 =	sne.s32 s0, $0x0;
	s0 =	rddreg [dreg:$0x3]  }
0x237: {  	s0 =	sadd.s32 @!p0 $0x100000, s0  }
0x238: {  	[sflag:s0] =	ssyncadd.tile.s32 @!p0 $0x1;
	_ =	shalt  }
.Lfunc_end2:
_tile_overlayer_lowered:
.L_overlay_start_2:
0x239: {  	(tag) =	ssettag $0x2  }
0x23a: {  	s0 =	rddreg [dreg:$0x0];
	s2 =	stileid.u32  }
0x23b: {  	s1 =	rddreg [dreg:$0x1];
	p0 =	sne.s32 s2, $0x0  }
0x23c: {  	s3 =	rddreg [dreg:$0x2];
	[bflag:$0x3] =	sbarrier.arrive $0xFFFF;
	s2 =	simm.s32 @!p0 $0x1C0B  }
0x23d: {  	[timem:s3], [sflag:s2] =	dma.local @!p0 [hbm:s0], s1  }
0x23e: {  	s0 =	simm.s32 @!p0 $0xB  }
0x23f: {  	_ =	swait.ge @!p0 [sflag:s0], s1  }
0x240: {  	s1 =	ssub.s32 @!p0 $0x0, s1;
	[sflag:s0] =	ssyncset.done @!p0 $0x0  }
0x241: {  	[sflag:s0] =	ssyncadd.s32 @!p0 s1  }
0x242: {  	[bflag:$0x3] =	sbarrier.arrive $0xFFFF  }
0x243: {  	_ =	shalt  }

</sc_bundles>
